<compile_context>
chip_gen: v7x
topology: tpu7x:2x2x1
jax: 0.10.2.dev20260603
libtpu: 0.0.44.dev20260713+nightly
codegen_flags: <defaults>
</compile_context>

<pallas_src>
import functools

import jax
import jax.numpy as jnp
from jax import lax
from jax.experimental import pallas as pl
from jax.experimental.pallas import tpu as pltpu
from jax.experimental.pallas import tpu_sc as plsc

N = 10000
E = 320000
FEAT = 128
H1 = 128
H2 = 64
DEC1 = 128
P = 4096

NC = 2
NS = 16
ROWS = 128
CH = 160
EPW = CH * ROWS
E_PAD = NS * EPW
HALF = 2
HCH = CH // HALF
HEPW = EPW // HALF
NROW = 10008
RA = 632
RB = N - 15 * RA
B = 2000
NB = (2 * N) // B
NBH = N // B

_f32 = jnp.float32
_i32 = jnp.int32


def _sds(shape, dtype):
    return jax.ShapeDtypeStruct(shape, dtype)


def _mesh():
    return plsc.VectorSubcoreMesh(
        core_axis_name="c", subcore_axis_name="s", num_cores=NC, num_subcores=NS
    )


def _rows_split(s, fn):

    @pl.when(s < NS - 1)
    def _():
        fn(s * RA, RA)

    @pl.when(s == NS - 1)
    def _():
        fn((NS - 1) * RA, RB)


def _deg_body(dst_hbm, ones_hbm, zeros_hbm, out_hbm, idxc_v, ones_v, sh):
    c = lax.axis_index("c")
    s = lax.axis_index("s")
    wid = c * NS + s
    pltpu.sync_copy(ones_hbm, ones_v)
    _zero_rows(zeros_hbm, sh, s)
    plsc.subcore_barrier()
    for h in range(HALF):
        pltpu.sync_copy(dst_hbm.at[pl.ds(wid * EPW + h * HEPW, HEPW)], idxc_v)

        def chunk(j, carry):
            pltpu.sync_copy(ones_v, sh.at[idxc_v.at[pl.ds(j * ROWS, ROWS)]],
                            add=True)
            return carry

        lax.fori_loop(0, HCH, chunk, 0)
    plsc.subcore_barrier()
    _rows_split(s, lambda off, nr: pltpu.sync_copy(
        sh.at[pl.ds(off, nr)], out_hbm.at[pl.ds(c * N + off, nr)]))


@functools.cache
def _deg_kernel():
    return pl.kernel(
        _deg_body,
        out_type=_sds((NC * N, 128), _f32),
        mesh=_mesh(),
        scratch_types=[
            pltpu.VMEM((HEPW,), _i32),
            pltpu.VMEM((ROWS, 128), _f32),
            pltpu.VMEM_SHARED((NROW, 128), _f32),
        ],
    )


def _zero_rows(zeros_hbm, sh, s):
    @pl.when(s < NS - 1)
    def _():
        pltpu.sync_copy(zeros_hbm.at[pl.ds(0, RA)], sh.at[pl.ds(s * RA, RA)])

    @pl.when(s == NS - 1)
    def _():
        pltpu.sync_copy(
            zeros_hbm.at[pl.ds(0, NROW - (NS - 1) * RA)],
            sh.at[pl.ds((NS - 1) * RA, NROW - (NS - 1) * RA)],
        )


@functools.cache
def _make_mp(D):

    def body(tab_o, tab_s, src_o, dst_o, src_s, dst_s, out_o, out_s,
             srcc, idxc, rows, sh):
        c = lax.axis_index("c")
        s = lax.axis_index("s")
        wid = c * NS + s
        for tab, srch, dsth, outh in (
            (tab_o, src_o, dst_o, out_o),
            (tab_s, src_s, dst_s, out_s),
        ):
            def init(off, nr, tab=tab):
                pltpu.sync_copy(
                    tab.at[pl.ds(c * N + off, nr)], sh.at[pl.ds(off, nr)]
                )

            _rows_split(s, init)
            plsc.subcore_barrier()
            for h in range(HALF):
                pltpu.sync_copy(
                    srch.at[pl.ds(wid * EPW + h * HEPW, HEPW)], srcc)
                pltpu.sync_copy(
                    dsth.at[pl.ds(s * EPW + h * HEPW, HEPW)], idxc)

                def chunk(j, carry, tab=tab):
                    pltpu.sync_copy(
                        tab.at[srcc.at[pl.ds(j * ROWS, ROWS)]], rows)
                    pltpu.sync_copy(
                        rows, sh.at[idxc.at[pl.ds(j * ROWS, ROWS)]], add=True)
                    return carry

                lax.fori_loop(0, HCH, chunk, 0)
            plsc.subcore_barrier()

            def dump(off, nr, outh=outh):
                pltpu.sync_copy(
                    sh.at[pl.ds(off, nr)], outh.at[pl.ds(c * N + off, nr)]
                )

            _rows_split(s, dump)
            plsc.subcore_barrier()

    return pl.kernel(
        body,
        out_type=[_sds((NC * N, D), _f32)] * 2,
        mesh=_mesh(),
        scratch_types=[
            pltpu.VMEM((HEPW,), _i32),
            pltpu.VMEM((HEPW,), _i32),
            pltpu.VMEM((ROWS, D), _f32),
            pltpu.VMEM_SHARED((NROW, D), _f32),
        ],
    )


@functools.cache
def _mp2_kernel():

    def body(tab, srch, dsth, outh, srcc, idxc, rows, sh):
        c = lax.axis_index("c")
        s = lax.axis_index("s")
        wid = c * NS + s

        def init(off, nr):
            pltpu.sync_copy(tab.at[pl.ds(c * N + off, nr)], sh.at[pl.ds(off, nr)])

        _rows_split(s, init)
        plsc.subcore_barrier()
        for h in range(HALF):
            pltpu.sync_copy(srch.at[pl.ds(wid * EPW + h * HEPW, HEPW)], srcc)
            pltpu.sync_copy(dsth.at[pl.ds(wid * EPW + h * HEPW, HEPW)], idxc)

            def chunk(j, carry):
                pltpu.sync_copy(tab.at[srcc.at[pl.ds(j * ROWS, ROWS)]], rows)
                pltpu.sync_copy(
                    rows, sh.at[idxc.at[pl.ds(j * ROWS, ROWS)]], add=True)
                return carry

            lax.fori_loop(0, HCH, chunk, 0)
        plsc.subcore_barrier()

        def dump(off, nr):
            pltpu.sync_copy(sh.at[pl.ds(off, nr)], outh.at[pl.ds(c * N + off, nr)])

        _rows_split(s, dump)

    return pl.kernel(
        body,
        out_type=_sds((NC * N, 2 * H2), _f32),
        mesh=_mesh(),
        scratch_types=[
            pltpu.VMEM((HEPW,), _i32),
            pltpu.VMEM((HEPW,), _i32),
            pltpu.VMEM((ROWS, 2 * H2), _f32),
            pltpu.VMEM_SHARED((NROW, 2 * H2), _f32),
        ],
    )


PPW = (2 * P) // (NC * NS)


def _pair_body(x2_hbm, idx_hbm, out_hbm, idx_v, rows_v):
    c = lax.axis_index("c")
    s = lax.axis_index("s")
    wid = c * NS + s
    pltpu.sync_copy(idx_hbm.at[pl.ds(wid * PPW, PPW)], idx_v)
    pltpu.sync_copy(x2_hbm.at[idx_v], rows_v)
    pltpu.sync_copy(rows_v, out_hbm.at[pl.ds(wid * PPW, PPW)])


@functools.cache
def _pair_kernel():
    return pl.kernel(
        _pair_body,
        out_type=_sds((2 * P, 2 * H2), _f32),
        mesh=_mesh(),
        scratch_types=[
            pltpu.VMEM((PPW,), _i32),
            pltpu.VMEM((PPW, 2 * H2), _f32),
        ],
    )


def _dinv(ref):
    return lax.rsqrt(1.0 + ref[...][:, :1])


def _tc1_body(x_ref, w_ref, dgo_ref, dgs_ref, to_ref, ts_ref):
    h = jnp.dot(x_ref[...], w_ref[...], preferred_element_type=_f32)
    to_ref[...] = h[:, :H1] * _dinv(dgo_ref)
    ts_ref[...] = h[:, H1:] * _dinv(dgs_ref)


def _tc2_body(so0_ref, so1_ref, ss0_ref, ss1_ref, dgo_ref, dgs_ref, b1_ref,
              w2_ref, to_ref, ts_ref):
    dio = _dinv(dgo_ref)
    dis = _dinv(dgs_ref)

    def h2(so_ref, ss_ref):
        x1o = jnp.maximum(so_ref[...] * dio + b1_ref[...][:, :H1], 0.0)
        x1s = jnp.maximum(ss_ref[...] * dis + b1_ref[...][:, H1:], 0.0)
        return jnp.dot(
            jnp.concatenate([x1o, x1s], axis=1), w2_ref[...],
            preferred_element_type=_f32,
        )

    h2e0 = h2(so0_ref, ss0_ref)
    h2e1 = h2(so1_ref, ss1_ref)
    to_ref[...] = jnp.concatenate([h2e0[:, :H2] * dio, h2e1[:, :H2] * dio], axis=1)
    ts_ref[...] = jnp.concatenate([h2e0[:, H2:] * dis, h2e1[:, H2:] * dis], axis=1)


def _tc3_body(a1_ref, a2_ref, dgo_ref, dgs_ref, b2_ref,
              x20_ref, x21_ref, ps0_ref, ps1_ref):
    dio = _dinv(dgo_ref)
    dis = _dinv(dgs_ref)
    a1 = a1_ref[...]
    a2 = a2_ref[...]
    x2e0 = jnp.concatenate(
        [a1[:, :H2] * dio + b2_ref[...][:, :H2],
         a2[:, :H2] * dis + b2_ref[...][:, H2:]], axis=1)
    x2e1 = jnp.concatenate(
        [a1[:, H2:] * dio + b2_ref[...][:, :H2],
         a2[:, H2:] * dis + b2_ref[...][:, H2:]], axis=1)
    x20_ref[...] = x2e0
    x21_ref[...] = x2e1
    ps0_ref[...] = jnp.sum(x2e0, axis=0, keepdims=True)[None]
    ps1_ref[...] = jnp.sum(x2e1, axis=0, keepdims=True)[None]


def _tc4a_body(x20_ref, x21_ref, ps0_ref, ps1_ref, dw_ref, db_ref,
               so0_ref, so1_ref, sa0_ref, sa1_ref):
    nbh = NB // 2
    ho = jax.nn.sigmoid(jnp.sum(ps0_ref[...][:nbh, 0], axis=0, keepdims=True) / N)
    ha = jax.nn.sigmoid(jnp.sum(ps1_ref[...][:nbh, 0], axis=0, keepdims=True) / N)
    g0 = jnp.dot(x20_ref[...], dw_ref[...], preferred_element_type=_f32)
    g1 = jnp.dot(x21_ref[...], dw_ref[...], preferred_element_type=_f32)
    db = db_ref[0, 0]
    so0_ref[...] = jnp.sum(g0 * ho, axis=1, keepdims=True) + db
    so1_ref[...] = jnp.sum(g1 * ho, axis=1, keepdims=True) + db
    sa0_ref[...] = jnp.sum(g0 * ha, axis=1, keepdims=True) + db
    sa1_ref[...] = jnp.sum(g1 * ha, axis=1, keepdims=True) + db


def _tc4b_body(e1_ref, e2_ref, w1_ref, b1_ref, w2_ref, b2_ref, out_ref):
    e1 = e1_ref[...]
    e2 = e2_ref[...]
    f = jnp.concatenate([e1 + e2, e1 * e2, e1, e2], axis=1)
    hr = jnp.maximum(
        jnp.dot(f, w1_ref[...], preferred_element_type=_f32) + b1_ref[...], 0.0
    )
    out_ref[...] = (
        jnp.dot(hr, w2_ref[...], preferred_element_type=_f32) + b2_ref[0, 0]
    )


def _blk_e(i):
    return (i, 0)


def _blk_r(i):
    return (i, 0)


def _blk_r2(i):
    return (NBH + i, 0)


def _blk_dego(i):
    return (i % NBH, 0)


def _blk_degs(i):
    return (NBH + i % NBH, 0)


def _blk0(i):
    return (0, 0)


def kernel(x_o, x_a, W_o1, b_o1, W_s1, b_s1, W_o2, b_o2, W_s2, b_s2,
           disc_W, disc_b, dec1_W, dec1_b, dec2_W, dec2_b,
           edge_index, edge_index2, idx):
    def prep(src, dst):
        srcp = jnp.concatenate([src, jnp.zeros((E_PAD - E,), _i32)])
        dstp = jnp.concatenate([dst, jnp.full((E_PAD - E,), N, _i32)])
        SRC = jnp.concatenate([srcp, srcp + N])
        return SRC, dstp

    SRC1, DST1 = prep(edge_index[0], edge_index[1])
    SRC2, DST2 = prep(edge_index2[0], edge_index2[1])
    DSTD = jnp.concatenate([DST1, DST2])
    IDXP = idx.reshape(2 * P)

    ones16 = jnp.ones((ROWS, 128), _f32)
    zeros16 = jnp.zeros((RA, 128), _f32)

    deg = _deg_kernel()(DSTD, ones16, zeros16)

    x_all = jnp.concatenate([x_o, x_a], axis=0)
    Wc1 = jnp.concatenate([W_o1, W_s1], axis=1)
    tab_o, tab_s = pl.pallas_call(
        _tc1_body,
        grid=(NB,),
        in_specs=[
            pl.BlockSpec((B, FEAT), _blk_e),
            pl.BlockSpec((FEAT, 2 * H1), _blk0),
            pl.BlockSpec((B, 128), _blk_dego),
            pl.BlockSpec((B, 128), _blk_degs),
        ],
        out_specs=[
            pl.BlockSpec((B, H1), _blk_e),
            pl.BlockSpec((B, H1), _blk_e),
        ],
        out_shape=[_sds((2 * N, H1), _f32)] * 2,
    )(x_all, Wc1, deg, deg)

    acc1_o, acc1_s = _make_mp(H1)(tab_o, tab_s, SRC1, DST1, SRC2, DST2)

    b1c = jnp.concatenate([b_o1, b_s1]).reshape(1, 2 * H1)
    Wc2 = jnp.concatenate([W_o2, W_s2], axis=1)
    tab2_o, tab2_s = pl.pallas_call(
        _tc2_body,
        grid=(NBH,),
        in_specs=[
            pl.BlockSpec((B, H1), _blk_r),
            pl.BlockSpec((B, H1), _blk_r2),
            pl.BlockSpec((B, H1), _blk_r),
            pl.BlockSpec((B, H1), _blk_r2),
            pl.BlockSpec((B, 128), _blk_r),
            pl.BlockSpec((B, 128), _blk_r2),
            pl.BlockSpec((1, 2 * H1), _blk0),
            pl.BlockSpec((2 * H1, 2 * H2), _blk0),
        ],
        out_specs=[
            pl.BlockSpec((B, 2 * H2), _blk_r),
            pl.BlockSpec((B, 2 * H2), _blk_r),
        ],
        out_shape=[_sds((N, 2 * H2), _f32)] * 2,
    )(acc1_o, acc1_o, acc1_s, acc1_s, deg, deg, b1c, Wc2)

    TAB2 = jnp.concatenate([tab2_o, tab2_s], axis=0)
    SRCL2 = jnp.concatenate([SRC1[:E_PAD], SRC2[:E_PAD] + N])
    DSTL2 = jnp.concatenate([DST1, DST2])
    acc2 = _mp2_kernel()(TAB2, SRCL2, DSTL2)

    b2c = jnp.concatenate([b_o2, b_s2]).reshape(1, 2 * H2)
    x2_e0, x2_e1, ps0, ps1 = pl.pallas_call(
        _tc3_body,
        grid=(NBH,),
        in_specs=[
            pl.BlockSpec((B, 2 * H2), _blk_r),
            pl.BlockSpec((B, 2 * H2), _blk_r2),
            pl.BlockSpec((B, 128), _blk_r),
            pl.BlockSpec((B, 128), _blk_r2),
            pl.BlockSpec((1, 2 * H2), _blk0),
        ],
        out_specs=[
            pl.BlockSpec((B, 2 * H2), _blk_r),
            pl.BlockSpec((B, 2 * H2), _blk_r),
            pl.BlockSpec((1, 1, 2 * H2), lambda i: (i, 0, 0)),
            pl.BlockSpec((1, 1, 2 * H2), lambda i: (i, 0, 0)),
        ],
        out_shape=[_sds((N, 2 * H2), _f32), _sds((N, 2 * H2), _f32),
                   _sds((8, 1, 2 * H2), _f32), _sds((8, 1, 2 * H2), _f32)],
    )(acc2, acc2, deg, deg, b2c)

    so0, so1, sa0, sa1 = pl.pallas_call(
        _tc4a_body,
        grid=(NBH,),
        in_specs=[
            pl.BlockSpec((B, 2 * H2), _blk_r),
            pl.BlockSpec((B, 2 * H2), _blk_r),
            pl.BlockSpec((8, 1, 2 * H2), lambda i: (0, 0, 0)),
            pl.BlockSpec((8, 1, 2 * H2), lambda i: (0, 0, 0)),
            pl.BlockSpec((2 * H2, 2 * H2), _blk0),
            pl.BlockSpec((1, 1), _blk0),
        ],
        out_specs=[pl.BlockSpec((B, 1), _blk_r)] * 4,
        out_shape=[_sds((N, 1), _f32)] * 4,
    )(x2_e0, x2_e1, ps0, ps1, disc_W, disc_b.reshape(1, 1))

    e12 = _pair_kernel()(x2_e0, IDXP)

    log = pl.pallas_call(
        _tc4b_body,
        grid=(1,),
        in_specs=[
            pl.BlockSpec((P, 2 * H2), _blk0),
            pl.BlockSpec((P, 2 * H2), lambda i: (1, 0)),
            pl.BlockSpec((2 * H2 * 4, DEC1), _blk0),
            pl.BlockSpec((1, DEC1), _blk0),
            pl.BlockSpec((DEC1, 1), _blk0),
            pl.BlockSpec((1, 1), _blk0),
        ],
        out_specs=pl.BlockSpec((P, 1), _blk0),
        out_shape=_sds((P, 1), _f32),
    )(e12, e12, dec1_W, dec1_b.reshape(1, DEC1), dec2_W, dec2_b.reshape(1, 1))

    ret_os = jnp.concatenate([so0, so1], axis=1)
    ret_os_a = jnp.concatenate([sa1, sa0], axis=1)
    return (log, ret_os, ret_os_a, x2_e0)

# --- scband reference (transcript-rebuilt; emitter-appended) ---
"""Pipeline reference for scband-csgnn-26611617366361 (READ-ONLY COPY).

The authoritative reference and input builder live on the scoring server;
editing this copy changes nothing except your own understanding.
"""

import jax, jax.numpy as jnp
import numpy as np

N = 10000
E = 320000
FEAT = 128
H1 = 128
H2 = 64
DEC1 = 128
P = 4096


def _gcn(x, src, dst, W, b, n):
    loop = jnp.arange(n, dtype=src.dtype)
    s = jnp.concatenate([src, loop])
    d = jnp.concatenate([dst, loop])
    deg = jnp.zeros((n,), x.dtype).at[d].add(1.0)
    dinv = jnp.where(deg > 0, jax.lax.rsqrt(deg), 0.0)
    norm = dinv[s] * dinv[d]
    h = x @ W
    msg = jnp.take(h, s, axis=0) * norm[:, None]
    out = jnp.zeros((n, W.shape[1]), x.dtype).at[d].add(msg)
    return out + b


def _bilinear(c, h, W, b):
    # nn.Bilinear(n_h, n_h, 1) with c expanded over rows of h
    return jnp.sum((h @ W) * c[None, :], axis=1, keepdims=True) + b


def setup_inputs(seed: int = 0) -> dict:
    key = jax.random.key(seed)
    ks = jax.random.split(key, 16)
    sc = 0.05
    inp = {
        "x_o": jax.random.normal(ks[0], (N, FEAT), jnp.float32),
        "x_a": jax.random.normal(ks[1], (N, FEAT), jnp.float32),
        "W_o1": jax.random.normal(ks[2], (FEAT, H1), jnp.float32) * sc,
        "b_o1": jnp.zeros((H1,), jnp.float32),
        "W_s1": jax.random.normal(ks[3], (FEAT, H1), jnp.float32) * sc,
        "b_s1": jnp.zeros((H1,), jnp.float32),
        "W_o2": jax.random.normal(ks[4], (2 * H1, H2), jnp.float32) * sc,
        "b_o2": jnp.zeros((H2,), jnp.float32),
        "W_s2": jax.random.normal(ks[5], (2 * H1, H2), jnp.float32) * sc,
        "b_s2": jnp.zeros((H2,), jnp.float32),
        "disc_W": jax.random.normal(ks[6], (2 * H2, 2 * H2), jnp.float32) * sc,
        "disc_b": jnp.zeros((1,), jnp.float32),
        "dec1_W": jax.random.normal(ks[7], (2 * H2 * 4, DEC1), jnp.float32) * sc,
        "dec1_b": jnp.zeros((DEC1,), jnp.float32),
        "dec2_W": jax.random.normal(ks[8], (DEC1, 1), jnp.float32) * sc,
        "dec2_b": jnp.zeros((1,), jnp.float32),
        "edge_index": jax.random.randint(ks[9], (2, E), 0, N, dtype=jnp.int32),
        "edge_index2": jax.random.randint(ks[10], (2, E), 0, N, dtype=jnp.int32),
        "idx": jax.random.randint(ks[11], (2, P), 0, N, dtype=jnp.int32),
    }
    return inp


def reference(x_o, x_a, W_o1, b_o1, W_s1, b_s1, W_o2, b_o2, W_s2, b_s2,
              disc_W, disc_b, dec1_W, dec1_b, dec2_W, dec2_b,
              edge_index, edge_index2, idx):
    src, dst = edge_index[0], edge_index[1]
    src2, dst2 = edge_index2[0], edge_index2[1]

    def encode(x):
        x1_o = jax.nn.relu(_gcn(x, src, dst, W_o1, b_o1, N))
        x1_s = jax.nn.relu(_gcn(x, src2, dst2, W_s1, b_s1, N))
        x1_os = jnp.concatenate([x1_o, x1_s], axis=1)
        x2_o = _gcn(x1_os, src, dst, W_o2, b_o2, N)
        x2_s = _gcn(x1_os, src2, dst2, W_s2, b_s2, N)
        return jnp.concatenate([x2_o, x2_s], axis=1)

    x2_os = encode(x_o)
    x2_os_a = encode(x_a)

    h_os = jax.nn.sigmoid(jnp.mean(x2_os, axis=0))
    h_os_a = jax.nn.sigmoid(jnp.mean(x2_os_a, axis=0))

    ret_os = jnp.concatenate([
        _bilinear(h_os, x2_os, disc_W, disc_b),
        _bilinear(h_os, x2_os_a, disc_W, disc_b)], axis=1)
    ret_os_a = jnp.concatenate([
        _bilinear(h_os_a, x2_os_a, disc_W, disc_b),
        _bilinear(h_os_a, x2_os, disc_W, disc_b)], axis=1)

    e1 = jnp.take(x2_os, idx[0], axis=0)
    e2 = jnp.take(x2_os, idx[1], axis=0)
    feature = jnp.concatenate([e1 + e2, e1 * e2, e1, e2], axis=1)
    log = jax.nn.relu(feature @ dec1_W + dec1_b) @ dec2_W + dec2_b
    return (log, ret_os, ret_os_a, x2_os)

if __name__ == "__main__":
    import jax
    _d = setup_inputs()
    print(jax.jit(kernel)(*tuple(_d.values())))

</pallas_src>

<mosaic_0001>
#map = affine_map<(d0, d1) -> (0, 0)>
#map1 = affine_map<(d0, d1) -> (0)>
module attributes {stable_mosaic.version = 14 : i64} {
  func.func @body(%arg0: i32, %arg1: i32, %arg2: memref<20000x128xf32, #tpu.memory_space<hbm>>, %arg3: memref<655360xi32, #tpu.memory_space<hbm>>, %arg4: memref<655360xi32, #tpu.memory_space<hbm>>, %arg5: memref<20000x128xf32, #tpu.memory_space<hbm>>, %arg6: memref<10240xi32, #tpu.memory_space<vmem>>, %arg7: memref<10240xi32, #tpu.memory_space<vmem>>, %arg8: memref<128x128xf32, #tpu.memory_space<vmem>>, %arg9: memref<10008x128xf32, #tpu.memory_space<vmem_shared>>) attributes {dimension_semantics = [#tpu.dimension_semantics<core_parallel>, #tpu.dimension_semantics<subcore_parallel>], iteration_bounds = array<i64: 2, 16>, scalar_prefetch = 0 : i64, scratch_operands = 4 : i64, tpu.core_type = #tpu.core_type<sc_vector_subcore>, window_params = [{transform_indices = #map}, {transform_indices = #map1}, {transform_indices = #map1}, {transform_indices = #map}]} {
    %mul3A = arith.constant 16 : i32
    %mul3A_0 = arith.muli %arg0, %mul3A : i32
    %add3A = arith.addi %mul3A_0, %arg1 : i32
    %lt3A = arith.constant 15 : i32
    %lt3A_1 = arith.cmpi slt, %arg1, %lt3A : i32
    %convert_element_type3A = arith.extui %lt3A_1 : i1 to i32
    %cond3A = arith.constant 0 : i32
    %cond3A_2 = arith.cmpi ne, %convert_element_type3A, %cond3A : i32
    scf.if %cond3A_2 {
      %mul3A_45 = arith.constant 632 : i32
      %mul3A_46 = arith.muli %arg1, %mul3A_45 : i32
      %mul3A_47 = arith.constant 10000 : i32
      %mul3A_48 = arith.muli %arg0, %mul3A_47 : i32
      %add3A_49 = arith.addi %mul3A_48, %mul3A_46 : i32
      "tpu.region"() ({
        %run_scoped3A = tpu.sem_alloc : memref<!tpu.dma_semaphore, #tpu.memory_space<semaphore_mem>>
        %dma_start3A = arith.constant 0 : i32
        %dma_start3A_50 = tpu.memref_slice %arg9[%mul3A_46, %dma_start3A] : memref<10008x128xf32, #tpu.memory_space<vmem_shared>> -> memref<632x128xf32, #tpu.memory_space<vmem_shared>>
        %dma_start3A_51 = arith.constant 0 : i32
        %dma_start3A_52 = tpu.memref_slice %arg2[%add3A_49, %dma_start3A_51] : memref<20000x128xf32, #tpu.memory_space<hbm>> -> memref<632x128xf32, #tpu.memory_space<hbm>>
        tpu.enqueue_dma source(%dma_start3A_52 : memref<632x128xf32, #tpu.memory_space<hbm>>) target(%dma_start3A_50 : memref<632x128xf32, #tpu.memory_space<vmem_shared>>) target_semaphore(%run_scoped3A : memref<!tpu.dma_semaphore, #tpu.memory_space<semaphore_mem>>)
        %dma_wait3A = arith.constant 0 : i32
        %dma_wait3A_53 = tpu.memref_slice %arg9[%mul3A_46, %dma_wait3A] : memref<10008x128xf32, #tpu.memory_space<vmem_shared>> -> memref<632x128xf32, #tpu.memory_space<vmem_shared>>
        %dma_wait3A_54 = arith.constant 0 : i32
        %dma_wait3A_55 = tpu.memref_slice %arg2[%add3A_49, %dma_wait3A_54] : memref<20000x128xf32, #tpu.memory_space<hbm>> -> memref<632x128xf32, #tpu.memory_space<hbm>>
        tpu.wait_dma2 semaphore(%run_scoped3A : memref<!tpu.dma_semaphore, #tpu.memory_space<semaphore_mem>>) src(%dma_wait3A_55 : memref<632x128xf32, #tpu.memory_space<hbm>>) dst(%dma_wait3A_53 : memref<632x128xf32, #tpu.memory_space<vmem_shared>>)
        tpu.yield
      }) : () -> ()
    } else {
    }
    %eq3A = arith.constant 15 : i32
    %eq3A_3 = arith.cmpi eq, %arg1, %eq3A : i32
    %convert_element_type3A_4 = arith.extui %eq3A_3 : i1 to i32
    %cond3A_5 = arith.constant 0 : i32
    %cond3A_6 = arith.cmpi ne, %convert_element_type3A_4, %cond3A_5 : i32
    scf.if %cond3A_6 {
      %mul3A_45 = arith.constant 10000 : i32
      %mul3A_46 = arith.muli %arg0, %mul3A_45 : i32
      %add3A_47 = arith.constant 9480 : i32
      %add3A_48 = arith.addi %mul3A_46, %add3A_47 : i32
      "tpu.region"() ({
        %run_scoped3A = tpu.sem_alloc : memref<!tpu.dma_semaphore, #tpu.memory_space<semaphore_mem>>
        %dma_start3A = arith.constant 9480 : i32
        %dma_start3A_49 = arith.constant 0 : i32
        %dma_start3A_50 = tpu.memref_slice %arg9[%dma_start3A, %dma_start3A_49] : memref<10008x128xf32, #tpu.memory_space<vmem_shared>> -> memref<520x128xf32, #tpu.memory_space<vmem_shared>>
        %dma_start3A_51 = arith.constant 0 : i32
        %dma_start3A_52 = tpu.memref_slice %arg2[%add3A_48, %dma_start3A_51] : memref<20000x128xf32, #tpu.memory_space<hbm>> -> memref<520x128xf32, #tpu.memory_space<hbm>>
        tpu.enqueue_dma source(%dma_start3A_52 : memref<520x128xf32, #tpu.memory_space<hbm>>) target(%dma_start3A_50 : memref<520x128xf32, #tpu.memory_space<vmem_shared>>) target_semaphore(%run_scoped3A : memref<!tpu.dma_semaphore, #tpu.memory_space<semaphore_mem>>)
        %dma_wait3A = arith.constant 9480 : i32
        %dma_wait3A_53 = arith.constant 0 : i32
        %dma_wait3A_54 = tpu.memref_slice %arg9[%dma_wait3A, %dma_wait3A_53] : memref<10008x128xf32, #tpu.memory_space<vmem_shared>> -> memref<520x128xf32, #tpu.memory_space<vmem_shared>>
        %dma_wait3A_55 = arith.constant 0 : i32
        %dma_wait3A_56 = tpu.memref_slice %arg2[%add3A_48, %dma_wait3A_55] : memref<20000x128xf32, #tpu.memory_space<hbm>> -> memref<520x128xf32, #tpu.memory_space<hbm>>
        tpu.wait_dma2 semaphore(%run_scoped3A : memref<!tpu.dma_semaphore, #tpu.memory_space<semaphore_mem>>) src(%dma_wait3A_56 : memref<520x128xf32, #tpu.memory_space<hbm>>) dst(%dma_wait3A_54 : memref<520x128xf32, #tpu.memory_space<vmem_shared>>)
        tpu.yield
      }) : () -> ()
    } else {
    }
    %barrier3A = arith.constant 0 : index
    tpu.barrier barrier_id(%barrier3A)
    %mul3A_7 = arith.constant 20480 : i32
    %mul3A_8 = arith.muli %add3A, %mul3A_7 : i32
    %add3A_9 = arith.constant 0 : i32
    %add3A_10 = arith.addi %mul3A_8, %add3A_9 : i32
    "tpu.region"() ({
      %run_scoped3A = tpu.sem_alloc : memref<!tpu.dma_semaphore, #tpu.memory_space<semaphore_mem>>
      %dma_start3A = tpu.memref_slice %arg3[%add3A_10] : memref<655360xi32, #tpu.memory_space<hbm>> -> memref<10240xi32, #tpu.memory_space<hbm>>
      %dma_start3A_45 = tpu.memref_slice %arg3[%add3A_10] : memref<655360xi32, #tpu.memory_space<hbm>> -> memref<10240xi32, #tpu.memory_space<hbm>>
      tpu.enqueue_dma source(%dma_start3A_45 : memref<10240xi32, #tpu.memory_space<hbm>>) target(%arg6 : memref<10240xi32, #tpu.memory_space<vmem>>) target_semaphore(%run_scoped3A : memref<!tpu.dma_semaphore, #tpu.memory_space<semaphore_mem>>)
      %dma_wait3A = tpu.memref_slice %arg3[%add3A_10] : memref<655360xi32, #tpu.memory_space<hbm>> -> memref<10240xi32, #tpu.memory_space<hbm>>
      %dma_wait3A_46 = tpu.memref_slice %arg3[%add3A_10] : memref<655360xi32, #tpu.memory_space<hbm>> -> memref<10240xi32, #tpu.memory_space<hbm>>
      tpu.wait_dma2 semaphore(%run_scoped3A : memref<!tpu.dma_semaphore, #tpu.memory_space<semaphore_mem>>) src(%dma_wait3A_46 : memref<10240xi32, #tpu.memory_space<hbm>>) dst(%arg6 : memref<10240xi32, #tpu.memory_space<vmem>>)
      tpu.yield
    }) : () -> ()
    %mul3A_11 = arith.constant 20480 : i32
    %mul3A_12 = arith.muli %add3A, %mul3A_11 : i32
    %add3A_13 = arith.constant 0 : i32
    %add3A_14 = arith.addi %mul3A_12, %add3A_13 : i32
    "tpu.region"() ({
      %run_scoped3A = tpu.sem_alloc : memref<!tpu.dma_semaphore, #tpu.memory_space<semaphore_mem>>
      %dma_start3A = tpu.memref_slice %arg4[%add3A_14] : memref<655360xi32, #tpu.memory_space<hbm>> -> memref<10240xi32, #tpu.memory_space<hbm>>
      %dma_start3A_45 = tpu.memref_slice %arg4[%add3A_14] : memref<655360xi32, #tpu.memory_space<hbm>> -> memref<10240xi32, #tpu.memory_space<hbm>>
      tpu.enqueue_dma source(%dma_start3A_45 : memref<10240xi32, #tpu.memory_space<hbm>>) target(%arg7 : memref<10240xi32, #tpu.memory_space<vmem>>) target_semaphore(%run_scoped3A : memref<!tpu.dma_semaphore, #tpu.memory_space<semaphore_mem>>)
      %dma_wait3A = tpu.memref_slice %arg4[%add3A_14] : memref<655360xi32, #tpu.memory_space<hbm>> -> memref<10240xi32, #tpu.memory_space<hbm>>
      %dma_wait3A_46 = tpu.memref_slice %arg4[%add3A_14] : memref<655360xi32, #tpu.memory_space<hbm>> -> memref<10240xi32, #tpu.memory_space<hbm>>
      tpu.wait_dma2 semaphore(%run_scoped3A : memref<!tpu.dma_semaphore, #tpu.memory_space<semaphore_mem>>) src(%dma_wait3A_46 : memref<10240xi32, #tpu.memory_space<hbm>>) dst(%arg7 : memref<10240xi32, #tpu.memory_space<vmem>>)
      tpu.yield
    }) : () -> ()
    %scan3A = arith.constant 0 : i32
    %scan3A_15 = arith.constant 0 : i32
    %scan3A_16 = arith.constant 80 : i32
    %scan3A_17 = arith.addi %scan3A_15, %scan3A_16 : i32
    %scan3A_18 = arith.constant 1 : i32
    scf.for %scan3A_45 = %scan3A_15 to %scan3A_17 step %scan3A_18  : i32 {
      %mul3A_46 = arith.constant 128 : i32
      %mul3A_47 = arith.muli %scan3A_45, %mul3A_46 : i32
      "tpu.region"() ({
        %run_scoped3A = tpu.sem_alloc : memref<!tpu.dma_semaphore, #tpu.memory_space<semaphore_mem>>
        %dma_start3A = tpu.memref_slice %arg6[%mul3A_47] : memref<10240xi32, #tpu.memory_space<vmem>> -> memref<128xi32, #tpu.memory_space<vmem>>
        %dma_start3A_50 = arith.constant 0 : i32
        %dma_start3A_51 = arith.constant 0 : i32
        %dma_start3A_52 = tpu.memref_slice %arg2[%dma_start3A_50, %dma_start3A_51] : memref<20000x128xf32, #tpu.memory_space<hbm>> -> memref<20000x128xf32, #tpu.memory_space<hbm>>
        tpu.enqueue_indirect_dma source(%dma_start3A_52 : memref<20000x128xf32, #tpu.memory_space<hbm>>) target(%arg8 : memref<128x128xf32, #tpu.memory_space<vmem>>) offsets(%dma_start3A : memref<128xi32, #tpu.memory_space<vmem>>) semaphore(%run_scoped3A : memref<!tpu.dma_semaphore, #tpu.memory_space<semaphore_mem>>)
        %dma_wait3A = tpu.memref_slice %arg6[%mul3A_47] : memref<10240xi32, #tpu.memory_space<vmem>> -> memref<128xi32, #tpu.memory_space<vmem>>
        %dma_wait3A_53 = arith.constant 0 : i32
        %dma_wait3A_54 = arith.constant 0 : i32
        %dma_wait3A_55 = tpu.memref_slice %arg2[%dma_wait3A_53, %dma_wait3A_54] : memref<20000x128xf32, #tpu.memory_space<hbm>> -> memref<20000x128xf32, #tpu.memory_space<hbm>>
        tpu.wait_indirect_dma semaphore(%run_scoped3A : memref<!tpu.dma_semaphore, #tpu.memory_space<semaphore_mem>>) src(%dma_wait3A_55 : memref<20000x128xf32, #tpu.memory_space<hbm>>) dst(%arg8 : memref<128x128xf32, #tpu.memory_space<vmem>>)
        tpu.yield
      }) : () -> ()
      %mul3A_48 = arith.constant 128 : i32
      %mul3A_49 = arith.muli %scan3A_45, %mul3A_48 : i32
      "tpu.region"() ({
        %run_scoped3A = tpu.sem_alloc : memref<!tpu.dma_semaphore, #tpu.memory_space<semaphore_mem>>
        %dma_start3A = tpu.memref_slice %arg7[%mul3A_49] : memref<10240xi32, #tpu.memory_space<vmem>> -> memref<128xi32, #tpu.memory_space<vmem>>
        %dma_start3A_50 = arith.constant 0 : i32
        %dma_start3A_51 = arith.constant 0 : i32
        %dma_start3A_52 = tpu.memref_slice %arg9[%dma_start3A_50, %dma_start3A_51] : memref<10008x128xf32, #tpu.memory_space<vmem_shared>> -> memref<10008x128xf32, #tpu.memory_space<vmem_shared>>
        tpu.enqueue_indirect_dma source(%arg8 : memref<128x128xf32, #tpu.memory_space<vmem>>) target(%dma_start3A_52 : memref<10008x128xf32, #tpu.memory_space<vmem_shared>>) offsets(%dma_start3A : memref<128xi32, #tpu.memory_space<vmem>>) semaphore(%run_scoped3A : memref<!tpu.dma_semaphore, #tpu.memory_space<semaphore_mem>>) {add = true}
        %dma_wait3A = tpu.memref_slice %arg7[%mul3A_49] : memref<10240xi32, #tpu.memory_space<vmem>> -> memref<128xi32, #tpu.memory_space<vmem>>
        %dma_wait3A_53 = arith.constant 0 : i32
        %dma_wait3A_54 = arith.constant 0 : i32
        %dma_wait3A_55 = tpu.memref_slice %arg9[%dma_wait3A_53, %dma_wait3A_54] : memref<10008x128xf32, #tpu.memory_space<vmem_shared>> -> memref<10008x128xf32, #tpu.memory_space<vmem_shared>>
        tpu.wait_indirect_dma semaphore(%run_scoped3A : memref<!tpu.dma_semaphore, #tpu.memory_space<semaphore_mem>>) src(%arg8 : memref<128x128xf32, #tpu.memory_space<vmem>>) dst(%dma_wait3A_55 : memref<10008x128xf32, #tpu.memory_space<vmem_shared>>)
        tpu.yield
      }) : () -> ()
    }
    %scan3A_19 = arith.constant 80 : i32
    %mul3A_20 = arith.constant 20480 : i32
    %mul3A_21 = arith.muli %add3A, %mul3A_20 : i32
    %add3A_22 = arith.constant 10240 : i32
    %add3A_23 = arith.addi %mul3A_21, %add3A_22 : i32
    "tpu.region"() ({
      %run_scoped3A = tpu.sem_alloc : memref<!tpu.dma_semaphore, #tpu.memory_space<semaphore_mem>>
      %dma_start3A = tpu.memref_slice %arg3[%add3A_23] : memref<655360xi32, #tpu.memory_space<hbm>> -> memref<10240xi32, #tpu.memory_space<hbm>>
      %dma_start3A_45 = tpu.memref_slice %arg3[%add3A_23] : memref<655360xi32, #tpu.memory_space<hbm>> -> memref<10240xi32, #tpu.memory_space<hbm>>
      tpu.enqueue_dma source(%dma_start3A_45 : memref<10240xi32, #tpu.memory_space<hbm>>) target(%arg6 : memref<10240xi32, #tpu.memory_space<vmem>>) target_semaphore(%run_scoped3A : memref<!tpu.dma_semaphore, #tpu.memory_space<semaphore_mem>>)
      %dma_wait3A = tpu.memref_slice %arg3[%add3A_23] : memref<655360xi32, #tpu.memory_space<hbm>> -> memref<10240xi32, #tpu.memory_space<hbm>>
      %dma_wait3A_46 = tpu.memref_slice %arg3[%add3A_23] : memref<655360xi32, #tpu.memory_space<hbm>> -> memref<10240xi32, #tpu.memory_space<hbm>>
      tpu.wait_dma2 semaphore(%run_scoped3A : memref<!tpu.dma_semaphore, #tpu.memory_space<semaphore_mem>>) src(%dma_wait3A_46 : memref<10240xi32, #tpu.memory_space<hbm>>) dst(%arg6 : memref<10240xi32, #tpu.memory_space<vmem>>)
      tpu.yield
    }) : () -> ()
    %mul3A_24 = arith.constant 20480 : i32
    %mul3A_25 = arith.muli %add3A, %mul3A_24 : i32
    %add3A_26 = arith.constant 10240 : i32
    %add3A_27 = arith.addi %mul3A_25, %add3A_26 : i32
    "tpu.region"() ({
      %run_scoped3A = tpu.sem_alloc : memref<!tpu.dma_semaphore, #tpu.memory_space<semaphore_mem>>
      %dma_start3A = tpu.memref_slice %arg4[%add3A_27] : memref<655360xi32, #tpu.memory_space<hbm>> -> memref<10240xi32, #tpu.memory_space<hbm>>
      %dma_start3A_45 = tpu.memref_slice %arg4[%add3A_27] : memref<655360xi32, #tpu.memory_space<hbm>> -> memref<10240xi32, #tpu.memory_space<hbm>>
      tpu.enqueue_dma source(%dma_start3A_45 : memref<10240xi32, #tpu.memory_space<hbm>>) target(%arg7 : memref<10240xi32, #tpu.memory_space<vmem>>) target_semaphore(%run_scoped3A : memref<!tpu.dma_semaphore, #tpu.memory_space<semaphore_mem>>)
      %dma_wait3A = tpu.memref_slice %arg4[%add3A_27] : memref<655360xi32, #tpu.memory_space<hbm>> -> memref<10240xi32, #tpu.memory_space<hbm>>
      %dma_wait3A_46 = tpu.memref_slice %arg4[%add3A_27] : memref<655360xi32, #tpu.memory_space<hbm>> -> memref<10240xi32, #tpu.memory_space<hbm>>
      tpu.wait_dma2 semaphore(%run_scoped3A : memref<!tpu.dma_semaphore, #tpu.memory_space<semaphore_mem>>) src(%dma_wait3A_46 : memref<10240xi32, #tpu.memory_space<hbm>>) dst(%arg7 : memref<10240xi32, #tpu.memory_space<vmem>>)
      tpu.yield
    }) : () -> ()
    %scan3A_28 = arith.constant 0 : i32
    %scan3A_29 = arith.constant 0 : i32
    %scan3A_30 = arith.constant 80 : i32
    %scan3A_31 = arith.addi %scan3A_29, %scan3A_30 : i32
    %scan3A_32 = arith.constant 1 : i32
    scf.for %scan3A_45 = %scan3A_29 to %scan3A_31 step %scan3A_32  : i32 {
      %mul3A_46 = arith.constant 128 : i32
      %mul3A_47 = arith.muli %scan3A_45, %mul3A_46 : i32
      "tpu.region"() ({
        %run_scoped3A = tpu.sem_alloc : memref<!tpu.dma_semaphore, #tpu.memory_space<semaphore_mem>>
        %dma_start3A = tpu.memref_slice %arg6[%mul3A_47] : memref<10240xi32, #tpu.memory_space<vmem>> -> memref<128xi32, #tpu.memory_space<vmem>>
        %dma_start3A_50 = arith.constant 0 : i32
        %dma_start3A_51 = arith.constant 0 : i32
        %dma_start3A_52 = tpu.memref_slice %arg2[%dma_start3A_50, %dma_start3A_51] : memref<20000x128xf32, #tpu.memory_space<hbm>> -> memref<20000x128xf32, #tpu.memory_space<hbm>>
        tpu.enqueue_indirect_dma source(%dma_start3A_52 : memref<20000x128xf32, #tpu.memory_space<hbm>>) target(%arg8 : memref<128x128xf32, #tpu.memory_space<vmem>>) offsets(%dma_start3A : memref<128xi32, #tpu.memory_space<vmem>>) semaphore(%run_scoped3A : memref<!tpu.dma_semaphore, #tpu.memory_space<semaphore_mem>>)
        %dma_wait3A = tpu.memref_slice %arg6[%mul3A_47] : memref<10240xi32, #tpu.memory_space<vmem>> -> memref<128xi32, #tpu.memory_space<vmem>>
        %dma_wait3A_53 = arith.constant 0 : i32
        %dma_wait3A_54 = arith.constant 0 : i32
        %dma_wait3A_55 = tpu.memref_slice %arg2[%dma_wait3A_53, %dma_wait3A_54] : memref<20000x128xf32, #tpu.memory_space<hbm>> -> memref<20000x128xf32, #tpu.memory_space<hbm>>
        tpu.wait_indirect_dma semaphore(%run_scoped3A : memref<!tpu.dma_semaphore, #tpu.memory_space<semaphore_mem>>) src(%dma_wait3A_55 : memref<20000x128xf32, #tpu.memory_space<hbm>>) dst(%arg8 : memref<128x128xf32, #tpu.memory_space<vmem>>)
        tpu.yield
      }) : () -> ()
      %mul3A_48 = arith.constant 128 : i32
      %mul3A_49 = arith.muli %scan3A_45, %mul3A_48 : i32
      "tpu.region"() ({
        %run_scoped3A = tpu.sem_alloc : memref<!tpu.dma_semaphore, #tpu.memory_space<semaphore_mem>>
        %dma_start3A = tpu.memref_slice %arg7[%mul3A_49] : memref<10240xi32, #tpu.memory_space<vmem>> -> memref<128xi32, #tpu.memory_space<vmem>>
        %dma_start3A_50 = arith.constant 0 : i32
        %dma_start3A_51 = arith.constant 0 : i32
        %dma_start3A_52 = tpu.memref_slice %arg9[%dma_start3A_50, %dma_start3A_51] : memref<10008x128xf32, #tpu.memory_space<vmem_shared>> -> memref<10008x128xf32, #tpu.memory_space<vmem_shared>>
        tpu.enqueue_indirect_dma source(%arg8 : memref<128x128xf32, #tpu.memory_space<vmem>>) target(%dma_start3A_52 : memref<10008x128xf32, #tpu.memory_space<vmem_shared>>) offsets(%dma_start3A : memref<128xi32, #tpu.memory_space<vmem>>) semaphore(%run_scoped3A : memref<!tpu.dma_semaphore, #tpu.memory_space<semaphore_mem>>) {add = true}
        %dma_wait3A = tpu.memref_slice %arg7[%mul3A_49] : memref<10240xi32, #tpu.memory_space<vmem>> -> memref<128xi32, #tpu.memory_space<vmem>>
        %dma_wait3A_53 = arith.constant 0 : i32
        %dma_wait3A_54 = arith.constant 0 : i32
        %dma_wait3A_55 = tpu.memref_slice %arg9[%dma_wait3A_53, %dma_wait3A_54] : memref<10008x128xf32, #tpu.memory_space<vmem_shared>> -> memref<10008x128xf32, #tpu.memory_space<vmem_shared>>
        tpu.wait_indirect_dma semaphore(%run_scoped3A : memref<!tpu.dma_semaphore, #tpu.memory_space<semaphore_mem>>) src(%arg8 : memref<128x128xf32, #tpu.memory_space<vmem>>) dst(%dma_wait3A_55 : memref<10008x128xf32, #tpu.memory_space<vmem_shared>>)
        tpu.yield
      }) : () -> ()
    }
    %scan3A_33 = arith.constant 80 : i32
    %barrier3A_34 = arith.constant 0 : index
    tpu.barrier barrier_id(%barrier3A_34)
    %lt3A_35 = arith.constant 15 : i32
    %lt3A_36 = arith.cmpi slt, %arg1, %lt3A_35 : i32
    %convert_element_type3A_37 = arith.extui %lt3A_36 : i1 to i32
    %cond3A_38 = arith.constant 0 : i32
    %cond3A_39 = arith.cmpi ne, %convert_element_type3A_37, %cond3A_38 : i32
    scf.if %cond3A_39 {
      %mul3A_45 = arith.constant 632 : i32
      %mul3A_46 = arith.muli %arg1, %mul3A_45 : i32
      %mul3A_47 = arith.constant 10000 : i32
      %mul3A_48 = arith.muli %arg0, %mul3A_47 : i32
      %add3A_49 = arith.addi %mul3A_48, %mul3A_46 : i32
      "tpu.region"() ({
        %run_scoped3A = tpu.sem_alloc : memref<!tpu.dma_semaphore, #tpu.memory_space<semaphore_mem>>
        %dma_start3A = arith.constant 0 : i32
        %dma_start3A_50 = tpu.memref_slice %arg5[%add3A_49, %dma_start3A] : memref<20000x128xf32, #tpu.memory_space<hbm>> -> memref<632x128xf32, #tpu.memory_space<hbm>>
        %dma_start3A_51 = arith.constant 0 : i32
        %dma_start3A_52 = tpu.memref_slice %arg9[%mul3A_46, %dma_start3A_51] : memref<10008x128xf32, #tpu.memory_space<vmem_shared>> -> memref<632x128xf32, #tpu.memory_space<vmem_shared>>
        tpu.enqueue_dma source(%dma_start3A_52 : memref<632x128xf32, #tpu.memory_space<vmem_shared>>) target(%dma_start3A_50 : memref<632x128xf32, #tpu.memory_space<hbm>>) target_semaphore(%run_scoped3A : memref<!tpu.dma_semaphore, #tpu.memory_space<semaphore_mem>>)
        %dma_wait3A = arith.constant 0 : i32
        %dma_wait3A_53 = tpu.memref_slice %arg5[%add3A_49, %dma_wait3A] : memref<20000x128xf32, #tpu.memory_space<hbm>> -> memref<632x128xf32, #tpu.memory_space<hbm>>
        %dma_wait3A_54 = arith.constant 0 : i32
        %dma_wait3A_55 = tpu.memref_slice %arg9[%mul3A_46, %dma_wait3A_54] : memref<10008x128xf32, #tpu.memory_space<vmem_shared>> -> memref<632x128xf32, #tpu.memory_space<vmem_shared>>
        tpu.wait_dma2 semaphore(%run_scoped3A : memref<!tpu.dma_semaphore, #tpu.memory_space<semaphore_mem>>) src(%dma_wait3A_55 : memref<632x128xf32, #tpu.memory_space<vmem_shared>>) dst(%dma_wait3A_53 : memref<632x128xf32, #tpu.memory_space<hbm>>)
        tpu.yield
      }) : () -> ()
    } else {
    }
    %eq3A_40 = arith.constant 15 : i32
    %eq3A_41 = arith.cmpi eq, %arg1, %eq3A_40 : i32
    %convert_element_type3A_42 = arith.extui %eq3A_41 : i1 to i32
    %cond3A_43 = arith.constant 0 : i32
    %cond3A_44 = arith.cmpi ne, %convert_element_type3A_42, %cond3A_43 : i32
    scf.if %cond3A_44 {
      %mul3A_45 = arith.constant 10000 : i32
      %mul3A_46 = arith.muli %arg0, %mul3A_45 : i32
      %add3A_47 = arith.constant 9480 : i32
      %add3A_48 = arith.addi %mul3A_46, %add3A_47 : i32
      "tpu.region"() ({
        %run_scoped3A = tpu.sem_alloc : memref<!tpu.dma_semaphore, #tpu.memory_space<semaphore_mem>>
        %dma_start3A = arith.constant 0 : i32
        %dma_start3A_49 = tpu.memref_slice %arg5[%add3A_48, %dma_start3A] : memref<20000x128xf32, #tpu.memory_space<hbm>> -> memref<520x128xf32, #tpu.memory_space<hbm>>
        %dma_start3A_50 = arith.constant 9480 : i32
        %dma_start3A_51 = arith.constant 0 : i32
        %dma_start3A_52 = tpu.memref_slice %arg9[%dma_start3A_50, %dma_start3A_51] : memref<10008x128xf32, #tpu.memory_space<vmem_shared>> -> memref<520x128xf32, #tpu.memory_space<vmem_shared>>
        tpu.enqueue_dma source(%dma_start3A_52 : memref<520x128xf32, #tpu.memory_space<vmem_shared>>) target(%dma_start3A_49 : memref<520x128xf32, #tpu.memory_space<hbm>>) target_semaphore(%run_scoped3A : memref<!tpu.dma_semaphore, #tpu.memory_space<semaphore_mem>>)
        %dma_wait3A = arith.constant 0 : i32
        %dma_wait3A_53 = tpu.memref_slice %arg5[%add3A_48, %dma_wait3A] : memref<20000x128xf32, #tpu.memory_space<hbm>> -> memref<520x128xf32, #tpu.memory_space<hbm>>
        %dma_wait3A_54 = arith.constant 9480 : i32
        %dma_wait3A_55 = arith.constant 0 : i32
        %dma_wait3A_56 = tpu.memref_slice %arg9[%dma_wait3A_54, %dma_wait3A_55] : memref<10008x128xf32, #tpu.memory_space<vmem_shared>> -> memref<520x128xf32, #tpu.memory_space<vmem_shared>>
        tpu.wait_dma2 semaphore(%run_scoped3A : memref<!tpu.dma_semaphore, #tpu.memory_space<semaphore_mem>>) src(%dma_wait3A_56 : memref<520x128xf32, #tpu.memory_space<vmem_shared>>) dst(%dma_wait3A_53 : memref<520x128xf32, #tpu.memory_space<hbm>>)
        tpu.yield
      }) : () -> ()
    } else {
    }
    return
  }
}

#map = affine_map<(d0, d1) -> (0)>
#map1 = affine_map<(d0, d1) -> (0, 0)>
module attributes {stable_mosaic.version = 14 : i64} {
  func.func @_deg_body(%arg0: i32, %arg1: i32, %arg2: memref<655360xi32, #tpu.memory_space<hbm>>, %arg3: memref<128x128xf32, #tpu.memory_space<hbm>>, %arg4: memref<632x128xf32, #tpu.memory_space<hbm>>, %arg5: memref<20000x128xf32, #tpu.memory_space<hbm>>, %arg6: memref<10240xi32, #tpu.memory_space<vmem>>, %arg7: memref<128x128xf32, #tpu.memory_space<vmem>>, %arg8: memref<10008x128xf32, #tpu.memory_space<vmem_shared>>) attributes {dimension_semantics = [#tpu.dimension_semantics<core_parallel>, #tpu.dimension_semantics<subcore_parallel>], iteration_bounds = array<i64: 2, 16>, scalar_prefetch = 0 : i64, scratch_operands = 3 : i64, tpu.core_type = #tpu.core_type<sc_vector_subcore>, window_params = [{transform_indices = #map}, {transform_indices = #map1}, {transform_indices = #map1}, {transform_indices = #map1}]} {
    %mul3A = arith.constant 16 : i32
    %mul3A_0 = arith.muli %arg0, %mul3A : i32
    %add3A = arith.addi %mul3A_0, %arg1 : i32
    "tpu.region"() ({
      %run_scoped3A = tpu.sem_alloc : memref<!tpu.dma_semaphore, #tpu.memory_space<semaphore_mem>>
      tpu.enqueue_dma source(%arg3 : memref<128x128xf32, #tpu.memory_space<hbm>>) target(%arg7 : memref<128x128xf32, #tpu.memory_space<vmem>>) target_semaphore(%run_scoped3A : memref<!tpu.dma_semaphore, #tpu.memory_space<semaphore_mem>>)
      tpu.wait_dma2 semaphore(%run_scoped3A : memref<!tpu.dma_semaphore, #tpu.memory_space<semaphore_mem>>) src(%arg3 : memref<128x128xf32, #tpu.memory_space<hbm>>) dst(%arg7 : memref<128x128xf32, #tpu.memory_space<vmem>>)
      tpu.yield
    }) : () -> ()
    %lt3A = arith.constant 15 : i32
    %lt3A_1 = arith.cmpi slt, %arg1, %lt3A : i32
    %convert_element_type3A = arith.extui %lt3A_1 : i1 to i32
    %cond3A = arith.constant 0 : i32
    %cond3A_2 = arith.cmpi ne, %convert_element_type3A, %cond3A : i32
    scf.if %cond3A_2 {
      %mul3A_37 = arith.constant 632 : i32
      %mul3A_38 = arith.muli %arg1, %mul3A_37 : i32
      "tpu.region"() ({
        %run_scoped3A = tpu.sem_alloc : memref<!tpu.dma_semaphore, #tpu.memory_space<semaphore_mem>>
        %dma_start3A = arith.constant 0 : i32
        %dma_start3A_39 = tpu.memref_slice %arg8[%mul3A_38, %dma_start3A] : memref<10008x128xf32, #tpu.memory_space<vmem_shared>> -> memref<632x128xf32, #tpu.memory_space<vmem_shared>>
        %dma_start3A_40 = arith.constant 0 : i32
        %dma_start3A_41 = arith.constant 0 : i32
        %dma_start3A_42 = tpu.memref_slice %arg4[%dma_start3A_40, %dma_start3A_41] : memref<632x128xf32, #tpu.memory_space<hbm>> -> memref<632x128xf32, #tpu.memory_space<hbm>>
        tpu.enqueue_dma source(%dma_start3A_42 : memref<632x128xf32, #tpu.memory_space<hbm>>) target(%dma_start3A_39 : memref<632x128xf32, #tpu.memory_space<vmem_shared>>) target_semaphore(%run_scoped3A : memref<!tpu.dma_semaphore, #tpu.memory_space<semaphore_mem>>)
        %dma_wait3A = arith.constant 0 : i32
        %dma_wait3A_43 = tpu.memref_slice %arg8[%mul3A_38, %dma_wait3A] : memref<10008x128xf32, #tpu.memory_space<vmem_shared>> -> memref<632x128xf32, #tpu.memory_space<vmem_shared>>
        %dma_wait3A_44 = arith.constant 0 : i32
        %dma_wait3A_45 = arith.constant 0 : i32
        %dma_wait3A_46 = tpu.memref_slice %arg4[%dma_wait3A_44, %dma_wait3A_45] : memref<632x128xf32, #tpu.memory_space<hbm>> -> memref<632x128xf32, #tpu.memory_space<hbm>>
        tpu.wait_dma2 semaphore(%run_scoped3A : memref<!tpu.dma_semaphore, #tpu.memory_space<semaphore_mem>>) src(%dma_wait3A_46 : memref<632x128xf32, #tpu.memory_space<hbm>>) dst(%dma_wait3A_43 : memref<632x128xf32, #tpu.memory_space<vmem_shared>>)
        tpu.yield
      }) : () -> ()
    } else {
    }
    %eq3A = arith.constant 15 : i32
    %eq3A_3 = arith.cmpi eq, %arg1, %eq3A : i32
    %convert_element_type3A_4 = arith.extui %eq3A_3 : i1 to i32
    %cond3A_5 = arith.constant 0 : i32
    %cond3A_6 = arith.cmpi ne, %convert_element_type3A_4, %cond3A_5 : i32
    scf.if %cond3A_6 {
      "tpu.region"() ({
        %run_scoped3A = tpu.sem_alloc : memref<!tpu.dma_semaphore, #tpu.memory_space<semaphore_mem>>
        %dma_start3A = arith.constant 9480 : i32
        %dma_start3A_37 = arith.constant 0 : i32
        %dma_start3A_38 = tpu.memref_slice %arg8[%dma_start3A, %dma_start3A_37] : memref<10008x128xf32, #tpu.memory_space<vmem_shared>> -> memref<528x128xf32, #tpu.memory_space<vmem_shared>>
        %dma_start3A_39 = arith.constant 0 : i32
        %dma_start3A_40 = arith.constant 0 : i32
        %dma_start3A_41 = tpu.memref_slice %arg4[%dma_start3A_39, %dma_start3A_40] : memref<632x128xf32, #tpu.memory_space<hbm>> -> memref<528x128xf32, #tpu.memory_space<hbm>>
        tpu.enqueue_dma source(%dma_start3A_41 : memref<528x128xf32, #tpu.memory_space<hbm>>) target(%dma_start3A_38 : memref<528x128xf32, #tpu.memory_space<vmem_shared>>) target_semaphore(%run_scoped3A : memref<!tpu.dma_semaphore, #tpu.memory_space<semaphore_mem>>)
        %dma_wait3A = arith.constant 9480 : i32
        %dma_wait3A_42 = arith.constant 0 : i32
        %dma_wait3A_43 = tpu.memref_slice %arg8[%dma_wait3A, %dma_wait3A_42] : memref<10008x128xf32, #tpu.memory_space<vmem_shared>> -> memref<528x128xf32, #tpu.memory_space<vmem_shared>>
        %dma_wait3A_44 = arith.constant 0 : i32
        %dma_wait3A_45 = arith.constant 0 : i32
        %dma_wait3A_46 = tpu.memref_slice %arg4[%dma_wait3A_44, %dma_wait3A_45] : memref<632x128xf32, #tpu.memory_space<hbm>> -> memref<528x128xf32, #tpu.memory_space<hbm>>
        tpu.wait_dma2 semaphore(%run_scoped3A : memref<!tpu.dma_semaphore, #tpu.memory_space<semaphore_mem>>) src(%dma_wait3A_46 : memref<528x128xf32, #tpu.memory_space<hbm>>) dst(%dma_wait3A_43 : memref<528x128xf32, #tpu.memory_space<vmem_shared>>)
        tpu.yield
      }) : () -> ()
    } else {
    }
    %barrier3A = arith.constant 0 : index
    tpu.barrier barrier_id(%barrier3A)
    %mul3A_7 = arith.constant 20480 : i32
    %mul3A_8 = arith.muli %add3A, %mul3A_7 : i32
    %add3A_9 = arith.constant 0 : i32
    %add3A_10 = arith.addi %mul3A_8, %add3A_9 : i32
    "tpu.region"() ({
      %run_scoped3A = tpu.sem_alloc : memref<!tpu.dma_semaphore, #tpu.memory_space<semaphore_mem>>
      %dma_start3A = tpu.memref_slice %arg2[%add3A_10] : memref<655360xi32, #tpu.memory_space<hbm>> -> memref<10240xi32, #tpu.memory_space<hbm>>
      %dma_start3A_37 = tpu.memref_slice %arg2[%add3A_10] : memref<655360xi32, #tpu.memory_space<hbm>> -> memref<10240xi32, #tpu.memory_space<hbm>>
      tpu.enqueue_dma source(%dma_start3A_37 : memref<10240xi32, #tpu.memory_space<hbm>>) target(%arg6 : memref<10240xi32, #tpu.memory_space<vmem>>) target_semaphore(%run_scoped3A : memref<!tpu.dma_semaphore, #tpu.memory_space<semaphore_mem>>)
      %dma_wait3A = tpu.memref_slice %arg2[%add3A_10] : memref<655360xi32, #tpu.memory_space<hbm>> -> memref<10240xi32, #tpu.memory_space<hbm>>
      %dma_wait3A_38 = tpu.memref_slice %arg2[%add3A_10] : memref<655360xi32, #tpu.memory_space<hbm>> -> memref<10240xi32, #tpu.memory_space<hbm>>
      tpu.wait_dma2 semaphore(%run_scoped3A : memref<!tpu.dma_semaphore, #tpu.memory_space<semaphore_mem>>) src(%dma_wait3A_38 : memref<10240xi32, #tpu.memory_space<hbm>>) dst(%arg6 : memref<10240xi32, #tpu.memory_space<vmem>>)
      tpu.yield
    }) : () -> ()
    %scan3A = arith.constant 0 : i32
    %scan3A_11 = arith.constant 0 : i32
    %scan3A_12 = arith.constant 80 : i32
    %scan3A_13 = arith.addi %scan3A_11, %scan3A_12 : i32
    %scan3A_14 = arith.constant 1 : i32
    scf.for %scan3A_37 = %scan3A_11 to %scan3A_13 step %scan3A_14  : i32 {
      %mul3A_38 = arith.constant 128 : i32
      %mul3A_39 = arith.muli %scan3A_37, %mul3A_38 : i32
      "tpu.region"() ({
        %run_scoped3A = tpu.sem_alloc : memref<!tpu.dma_semaphore, #tpu.memory_space<semaphore_mem>>
        %dma_start3A = tpu.memref_slice %arg6[%mul3A_39] : memref<10240xi32, #tpu.memory_space<vmem>> -> memref<128xi32, #tpu.memory_space<vmem>>
        %dma_start3A_40 = arith.constant 0 : i32
        %dma_start3A_41 = arith.constant 0 : i32
        %dma_start3A_42 = tpu.memref_slice %arg8[%dma_start3A_40, %dma_start3A_41] : memref<10008x128xf32, #tpu.memory_space<vmem_shared>> -> memref<10008x128xf32, #tpu.memory_space<vmem_shared>>
        tpu.enqueue_indirect_dma source(%arg7 : memref<128x128xf32, #tpu.memory_space<vmem>>) target(%dma_start3A_42 : memref<10008x128xf32, #tpu.memory_space<vmem_shared>>) offsets(%dma_start3A : memref<128xi32, #tpu.memory_space<vmem>>) semaphore(%run_scoped3A : memref<!tpu.dma_semaphore, #tpu.memory_space<semaphore_mem>>) {add = true}
        %dma_wait3A = tpu.memref_slice %arg6[%mul3A_39] : memref<10240xi32, #tpu.memory_space<vmem>> -> memref<128xi32, #tpu.memory_space<vmem>>
        %dma_wait3A_43 = arith.constant 0 : i32
        %dma_wait3A_44 = arith.constant 0 : i32
        %dma_wait3A_45 = tpu.memref_slice %arg8[%dma_wait3A_43, %dma_wait3A_44] : memref<10008x128xf32, #tpu.memory_space<vmem_shared>> -> memref<10008x128xf32, #tpu.memory_space<vmem_shared>>
        tpu.wait_indirect_dma semaphore(%run_scoped3A : memref<!tpu.dma_semaphore, #tpu.memory_space<semaphore_mem>>) src(%arg7 : memref<128x128xf32, #tpu.memory_space<vmem>>) dst(%dma_wait3A_45 : memref<10008x128xf32, #tpu.memory_space<vmem_shared>>)
        tpu.yield
      }) : () -> ()
    }
    %scan3A_15 = arith.constant 80 : i32
    %mul3A_16 = arith.constant 20480 : i32
    %mul3A_17 = arith.muli %add3A, %mul3A_16 : i32
    %add3A_18 = arith.constant 10240 : i32
    %add3A_19 = arith.addi %mul3A_17, %add3A_18 : i32
    "tpu.region"() ({
      %run_scoped3A = tpu.sem_alloc : memref<!tpu.dma_semaphore, #tpu.memory_space<semaphore_mem>>
      %dma_start3A = tpu.memref_slice %arg2[%add3A_19] : memref<655360xi32, #tpu.memory_space<hbm>> -> memref<10240xi32, #tpu.memory_space<hbm>>
      %dma_start3A_37 = tpu.memref_slice %arg2[%add3A_19] : memref<655360xi32, #tpu.memory_space<hbm>> -> memref<10240xi32, #tpu.memory_space<hbm>>
      tpu.enqueue_dma source(%dma_start3A_37 : memref<10240xi32, #tpu.memory_space<hbm>>) target(%arg6 : memref<10240xi32, #tpu.memory_space<vmem>>) target_semaphore(%run_scoped3A : memref<!tpu.dma_semaphore, #tpu.memory_space<semaphore_mem>>)
      %dma_wait3A = tpu.memref_slice %arg2[%add3A_19] : memref<655360xi32, #tpu.memory_space<hbm>> -> memref<10240xi32, #tpu.memory_space<hbm>>
      %dma_wait3A_38 = tpu.memref_slice %arg2[%add3A_19] : memref<655360xi32, #tpu.memory_space<hbm>> -> memref<10240xi32, #tpu.memory_space<hbm>>
      tpu.wait_dma2 semaphore(%run_scoped3A : memref<!tpu.dma_semaphore, #tpu.memory_space<semaphore_mem>>) src(%dma_wait3A_38 : memref<10240xi32, #tpu.memory_space<hbm>>) dst(%arg6 : memref<10240xi32, #tpu.memory_space<vmem>>)
      tpu.yield
    }) : () -> ()
    %scan3A_20 = arith.constant 0 : i32
    %scan3A_21 = arith.constant 0 : i32
    %scan3A_22 = arith.constant 80 : i32
    %scan3A_23 = arith.addi %scan3A_21, %scan3A_22 : i32
    %scan3A_24 = arith.constant 1 : i32
    scf.for %scan3A_37 = %scan3A_21 to %scan3A_23 step %scan3A_24  : i32 {
      %mul3A_38 = arith.constant 128 : i32
      %mul3A_39 = arith.muli %scan3A_37, %mul3A_38 : i32
      "tpu.region"() ({
        %run_scoped3A = tpu.sem_alloc : memref<!tpu.dma_semaphore, #tpu.memory_space<semaphore_mem>>
        %dma_start3A = tpu.memref_slice %arg6[%mul3A_39] : memref<10240xi32, #tpu.memory_space<vmem>> -> memref<128xi32, #tpu.memory_space<vmem>>
        %dma_start3A_40 = arith.constant 0 : i32
        %dma_start3A_41 = arith.constant 0 : i32
        %dma_start3A_42 = tpu.memref_slice %arg8[%dma_start3A_40, %dma_start3A_41] : memref<10008x128xf32, #tpu.memory_space<vmem_shared>> -> memref<10008x128xf32, #tpu.memory_space<vmem_shared>>
        tpu.enqueue_indirect_dma source(%arg7 : memref<128x128xf32, #tpu.memory_space<vmem>>) target(%dma_start3A_42 : memref<10008x128xf32, #tpu.memory_space<vmem_shared>>) offsets(%dma_start3A : memref<128xi32, #tpu.memory_space<vmem>>) semaphore(%run_scoped3A : memref<!tpu.dma_semaphore, #tpu.memory_space<semaphore_mem>>) {add = true}
        %dma_wait3A = tpu.memref_slice %arg6[%mul3A_39] : memref<10240xi32, #tpu.memory_space<vmem>> -> memref<128xi32, #tpu.memory_space<vmem>>
        %dma_wait3A_43 = arith.constant 0 : i32
        %dma_wait3A_44 = arith.constant 0 : i32
        %dma_wait3A_45 = tpu.memref_slice %arg8[%dma_wait3A_43, %dma_wait3A_44] : memref<10008x128xf32, #tpu.memory_space<vmem_shared>> -> memref<10008x128xf32, #tpu.memory_space<vmem_shared>>
        tpu.wait_indirect_dma semaphore(%run_scoped3A : memref<!tpu.dma_semaphore, #tpu.memory_space<semaphore_mem>>) src(%arg7 : memref<128x128xf32, #tpu.memory_space<vmem>>) dst(%dma_wait3A_45 : memref<10008x128xf32, #tpu.memory_space<vmem_shared>>)
        tpu.yield
      }) : () -> ()
    }
    %scan3A_25 = arith.constant 80 : i32
    %barrier3A_26 = arith.constant 0 : index
    tpu.barrier barrier_id(%barrier3A_26)
    %lt3A_27 = arith.constant 15 : i32
    %lt3A_28 = arith.cmpi slt, %arg1, %lt3A_27 : i32
    %convert_element_type3A_29 = arith.extui %lt3A_28 : i1 to i32
    %cond3A_30 = arith.constant 0 : i32
    %cond3A_31 = arith.cmpi ne, %convert_element_type3A_29, %cond3A_30 : i32
    scf.if %cond3A_31 {
      %mul3A_37 = arith.constant 632 : i32
      %mul3A_38 = arith.muli %arg1, %mul3A_37 : i32
      %mul3A_39 = arith.constant 10000 : i32
      %mul3A_40 = arith.muli %arg0, %mul3A_39 : i32
      %add3A_41 = arith.addi %mul3A_40, %mul3A_38 : i32
      "tpu.region"() ({
        %run_scoped3A = tpu.sem_alloc : memref<!tpu.dma_semaphore, #tpu.memory_space<semaphore_mem>>
        %dma_start3A = arith.constant 0 : i32
        %dma_start3A_42 = tpu.memref_slice %arg5[%add3A_41, %dma_start3A] : memref<20000x128xf32, #tpu.memory_space<hbm>> -> memref<632x128xf32, #tpu.memory_space<hbm>>
        %dma_start3A_43 = arith.constant 0 : i32
        %dma_start3A_44 = tpu.memref_slice %arg8[%mul3A_38, %dma_start3A_43] : memref<10008x128xf32, #tpu.memory_space<vmem_shared>> -> memref<632x128xf32, #tpu.memory_space<vmem_shared>>
        tpu.enqueue_dma source(%dma_start3A_44 : memref<632x128xf32, #tpu.memory_space<vmem_shared>>) target(%dma_start3A_42 : memref<632x128xf32, #tpu.memory_space<hbm>>) target_semaphore(%run_scoped3A : memref<!tpu.dma_semaphore, #tpu.memory_space<semaphore_mem>>)
        %dma_wait3A = arith.constant 0 : i32
        %dma_wait3A_45 = tpu.memref_slice %arg5[%add3A_41, %dma_wait3A] : memref<20000x128xf32, #tpu.memory_space<hbm>> -> memref<632x128xf32, #tpu.memory_space<hbm>>
        %dma_wait3A_46 = arith.constant 0 : i32
        %dma_wait3A_47 = tpu.memref_slice %arg8[%mul3A_38, %dma_wait3A_46] : memref<10008x128xf32, #tpu.memory_space<vmem_shared>> -> memref<632x128xf32, #tpu.memory_space<vmem_shared>>
        tpu.wait_dma2 semaphore(%run_scoped3A : memref<!tpu.dma_semaphore, #tpu.memory_space<semaphore_mem>>) src(%dma_wait3A_47 : memref<632x128xf32, #tpu.memory_space<vmem_shared>>) dst(%dma_wait3A_45 : memref<632x128xf32, #tpu.memory_space<hbm>>)
        tpu.yield
      }) : () -> ()
    } else {
    }
    %eq3A_32 = arith.constant 15 : i32
    %eq3A_33 = arith.cmpi eq, %arg1, %eq3A_32 : i32
    %convert_element_type3A_34 = arith.extui %eq3A_33 : i1 to i32
    %cond3A_35 = arith.constant 0 : i32
    %cond3A_36 = arith.cmpi ne, %convert_element_type3A_34, %cond3A_35 : i32
    scf.if %cond3A_36 {
      %mul3A_37 = arith.constant 10000 : i32
      %mul3A_38 = arith.muli %arg0, %mul3A_37 : i32
      %add3A_39 = arith.constant 9480 : i32
      %add3A_40 = arith.addi %mul3A_38, %add3A_39 : i32
      "tpu.region"() ({
        %run_scoped3A = tpu.sem_alloc : memref<!tpu.dma_semaphore, #tpu.memory_space<semaphore_mem>>
        %dma_start3A = arith.constant 0 : i32
        %dma_start3A_41 = tpu.memref_slice %arg5[%add3A_40, %dma_start3A] : memref<20000x128xf32, #tpu.memory_space<hbm>> -> memref<520x128xf32, #tpu.memory_space<hbm>>
        %dma_start3A_42 = arith.constant 9480 : i32
        %dma_start3A_43 = arith.constant 0 : i32
        %dma_start3A_44 = tpu.memref_slice %arg8[%dma_start3A_42, %dma_start3A_43] : memref<10008x128xf32, #tpu.memory_space<vmem_shared>> -> memref<520x128xf32, #tpu.memory_space<vmem_shared>>
        tpu.enqueue_dma source(%dma_start3A_44 : memref<520x128xf32, #tpu.memory_space<vmem_shared>>) target(%dma_start3A_41 : memref<520x128xf32, #tpu.memory_space<hbm>>) target_semaphore(%run_scoped3A : memref<!tpu.dma_semaphore, #tpu.memory_space<semaphore_mem>>)
        %dma_wait3A = arith.constant 0 : i32
        %dma_wait3A_45 = tpu.memref_slice %arg5[%add3A_40, %dma_wait3A] : memref<20000x128xf32, #tpu.memory_space<hbm>> -> memref<520x128xf32, #tpu.memory_space<hbm>>
        %dma_wait3A_46 = arith.constant 9480 : i32
        %dma_wait3A_47 = arith.constant 0 : i32
        %dma_wait3A_48 = tpu.memref_slice %arg8[%dma_wait3A_46, %dma_wait3A_47] : memref<10008x128xf32, #tpu.memory_space<vmem_shared>> -> memref<520x128xf32, #tpu.memory_space<vmem_shared>>
        tpu.wait_dma2 semaphore(%run_scoped3A : memref<!tpu.dma_semaphore, #tpu.memory_space<semaphore_mem>>) src(%dma_wait3A_48 : memref<520x128xf32, #tpu.memory_space<vmem_shared>>) dst(%dma_wait3A_45 : memref<520x128xf32, #tpu.memory_space<hbm>>)
        tpu.yield
      }) : () -> ()
    } else {
    }
    return
  }
}

#map = affine_map<(d0, d1) -> (0, 0)>
#map1 = affine_map<(d0, d1) -> (0)>
module attributes {stable_mosaic.version = 14 : i64} {
  func.func @body(%arg0: i32, %arg1: i32, %arg2: memref<20000x128xf32, #tpu.memory_space<hbm>>, %arg3: memref<20000x128xf32, #tpu.memory_space<hbm>>, %arg4: memref<655360xi32, #tpu.memory_space<hbm>>, %arg5: memref<327680xi32, #tpu.memory_space<hbm>>, %arg6: memref<655360xi32, #tpu.memory_space<hbm>>, %arg7: memref<327680xi32, #tpu.memory_space<hbm>>, %arg8: memref<20000x128xf32, #tpu.memory_space<hbm>>, %arg9: memref<20000x128xf32, #tpu.memory_space<hbm>>, %arg10: memref<10240xi32, #tpu.memory_space<vmem>>, %arg11: memref<10240xi32, #tpu.memory_space<vmem>>, %arg12: memref<128x128xf32, #tpu.memory_space<vmem>>, %arg13: memref<10008x128xf32, #tpu.memory_space<vmem_shared>>) attributes {dimension_semantics = [#tpu.dimension_semantics<core_parallel>, #tpu.dimension_semantics<subcore_parallel>], iteration_bounds = array<i64: 2, 16>, scalar_prefetch = 0 : i64, scratch_operands = 4 : i64, tpu.core_type = #tpu.core_type<sc_vector_subcore>, window_params = [{transform_indices = #map}, {transform_indices = #map}, {transform_indices = #map1}, {transform_indices = #map1}, {transform_indices = #map1}, {transform_indices = #map1}, {transform_indices = #map}, {transform_indices = #map}]} {
    %mul3A = arith.constant 16 : i32
    %mul3A_0 = arith.muli %arg0, %mul3A : i32
    %add3A = arith.addi %mul3A_0, %arg1 : i32
    %lt3A = arith.constant 15 : i32
    %lt3A_1 = arith.cmpi slt, %arg1, %lt3A : i32
    %convert_element_type3A = arith.extui %lt3A_1 : i1 to i32
    %cond3A = arith.constant 0 : i32
    %cond3A_2 = arith.cmpi ne, %convert_element_type3A, %cond3A : i32
    scf.if %cond3A_2 {
      %mul3A_97 = arith.constant 632 : i32
      %mul3A_98 = arith.muli %arg1, %mul3A_97 : i32
      %mul3A_99 = arith.constant 10000 : i32
      %mul3A_100 = arith.muli %arg0, %mul3A_99 : i32
      %add3A_101 = arith.addi %mul3A_100, %mul3A_98 : i32
      "tpu.region"() ({
        %run_scoped3A = tpu.sem_alloc : memref<!tpu.dma_semaphore, #tpu.memory_space<semaphore_mem>>
        %dma_start3A = arith.constant 0 : i32
        %dma_start3A_102 = tpu.memref_slice %arg13[%mul3A_98, %dma_start3A] : memref<10008x128xf32, #tpu.memory_space<vmem_shared>> -> memref<632x128xf32, #tpu.memory_space<vmem_shared>>
        %dma_start3A_103 = arith.constant 0 : i32
        %dma_start3A_104 = tpu.memref_slice %arg2[%add3A_101, %dma_start3A_103] : memref<20000x128xf32, #tpu.memory_space<hbm>> -> memref<632x128xf32, #tpu.memory_space<hbm>>
        tpu.enqueue_dma source(%dma_start3A_104 : memref<632x128xf32, #tpu.memory_space<hbm>>) target(%dma_start3A_102 : memref<632x128xf32, #tpu.memory_space<vmem_shared>>) target_semaphore(%run_scoped3A : memref<!tpu.dma_semaphore, #tpu.memory_space<semaphore_mem>>)
        %dma_wait3A = arith.constant 0 : i32
        %dma_wait3A_105 = tpu.memref_slice %arg13[%mul3A_98, %dma_wait3A] : memref<10008x128xf32, #tpu.memory_space<vmem_shared>> -> memref<632x128xf32, #tpu.memory_space<vmem_shared>>
        %dma_wait3A_106 = arith.constant 0 : i32
        %dma_wait3A_107 = tpu.memref_slice %arg2[%add3A_101, %dma_wait3A_106] : memref<20000x128xf32, #tpu.memory_space<hbm>> -> memref<632x128xf32, #tpu.memory_space<hbm>>
        tpu.wait_dma2 semaphore(%run_scoped3A : memref<!tpu.dma_semaphore, #tpu.memory_space<semaphore_mem>>) src(%dma_wait3A_107 : memref<632x128xf32, #tpu.memory_space<hbm>>) dst(%dma_wait3A_105 : memref<632x128xf32, #tpu.memory_space<vmem_shared>>)
        tpu.yield
      }) : () -> ()
    } else {
    }
    %eq3A = arith.constant 15 : i32
    %eq3A_3 = arith.cmpi eq, %arg1, %eq3A : i32
    %convert_element_type3A_4 = arith.extui %eq3A_3 : i1 to i32
    %cond3A_5 = arith.constant 0 : i32
    %cond3A_6 = arith.cmpi ne, %convert_element_type3A_4, %cond3A_5 : i32
    scf.if %cond3A_6 {
      %mul3A_97 = arith.constant 10000 : i32
      %mul3A_98 = arith.muli %arg0, %mul3A_97 : i32
      %add3A_99 = arith.constant 9480 : i32
      %add3A_100 = arith.addi %mul3A_98, %add3A_99 : i32
      "tpu.region"() ({
        %run_scoped3A = tpu.sem_alloc : memref<!tpu.dma_semaphore, #tpu.memory_space<semaphore_mem>>
        %dma_start3A = arith.constant 9480 : i32
        %dma_start3A_101 = arith.constant 0 : i32
        %dma_start3A_102 = tpu.memref_slice %arg13[%dma_start3A, %dma_start3A_101] : memref<10008x128xf32, #tpu.memory_space<vmem_shared>> -> memref<520x128xf32, #tpu.memory_space<vmem_shared>>
        %dma_start3A_103 = arith.constant 0 : i32
        %dma_start3A_104 = tpu.memref_slice %arg2[%add3A_100, %dma_start3A_103] : memref<20000x128xf32, #tpu.memory_space<hbm>> -> memref<520x128xf32, #tpu.memory_space<hbm>>
        tpu.enqueue_dma source(%dma_start3A_104 : memref<520x128xf32, #tpu.memory_space<hbm>>) target(%dma_start3A_102 : memref<520x128xf32, #tpu.memory_space<vmem_shared>>) target_semaphore(%run_scoped3A : memref<!tpu.dma_semaphore, #tpu.memory_space<semaphore_mem>>)
        %dma_wait3A = arith.constant 9480 : i32
        %dma_wait3A_105 = arith.constant 0 : i32
        %dma_wait3A_106 = tpu.memref_slice %arg13[%dma_wait3A, %dma_wait3A_105] : memref<10008x128xf32, #tpu.memory_space<vmem_shared>> -> memref<520x128xf32, #tpu.memory_space<vmem_shared>>
        %dma_wait3A_107 = arith.constant 0 : i32
        %dma_wait3A_108 = tpu.memref_slice %arg2[%add3A_100, %dma_wait3A_107] : memref<20000x128xf32, #tpu.memory_space<hbm>> -> memref<520x128xf32, #tpu.memory_space<hbm>>
        tpu.wait_dma2 semaphore(%run_scoped3A : memref<!tpu.dma_semaphore, #tpu.memory_space<semaphore_mem>>) src(%dma_wait3A_108 : memref<520x128xf32, #tpu.memory_space<hbm>>) dst(%dma_wait3A_106 : memref<520x128xf32, #tpu.memory_space<vmem_shared>>)
        tpu.yield
      }) : () -> ()
    } else {
    }
    %barrier3A = arith.constant 0 : index
    tpu.barrier barrier_id(%barrier3A)
    %mul3A_7 = arith.constant 20480 : i32
    %mul3A_8 = arith.muli %add3A, %mul3A_7 : i32
    %add3A_9 = arith.constant 0 : i32
    %add3A_10 = arith.addi %mul3A_8, %add3A_9 : i32
    "tpu.region"() ({
      %run_scoped3A = tpu.sem_alloc : memref<!tpu.dma_semaphore, #tpu.memory_space<semaphore_mem>>
      %dma_start3A = tpu.memref_slice %arg4[%add3A_10] : memref<655360xi32, #tpu.memory_space<hbm>> -> memref<10240xi32, #tpu.memory_space<hbm>>
      %dma_start3A_97 = tpu.memref_slice %arg4[%add3A_10] : memref<655360xi32, #tpu.memory_space<hbm>> -> memref<10240xi32, #tpu.memory_space<hbm>>
      tpu.enqueue_dma source(%dma_start3A_97 : memref<10240xi32, #tpu.memory_space<hbm>>) target(%arg10 : memref<10240xi32, #tpu.memory_space<vmem>>) target_semaphore(%run_scoped3A : memref<!tpu.dma_semaphore, #tpu.memory_space<semaphore_mem>>)
      %dma_wait3A = tpu.memref_slice %arg4[%add3A_10] : memref<655360xi32, #tpu.memory_space<hbm>> -> memref<10240xi32, #tpu.memory_space<hbm>>
      %dma_wait3A_98 = tpu.memref_slice %arg4[%add3A_10] : memref<655360xi32, #tpu.memory_space<hbm>> -> memref<10240xi32, #tpu.memory_space<hbm>>
      tpu.wait_dma2 semaphore(%run_scoped3A : memref<!tpu.dma_semaphore, #tpu.memory_space<semaphore_mem>>) src(%dma_wait3A_98 : memref<10240xi32, #tpu.memory_space<hbm>>) dst(%arg10 : memref<10240xi32, #tpu.memory_space<vmem>>)
      tpu.yield
    }) : () -> ()
    %mul3A_11 = arith.constant 20480 : i32
    %mul3A_12 = arith.muli %arg1, %mul3A_11 : i32
    %add3A_13 = arith.constant 0 : i32
    %add3A_14 = arith.addi %mul3A_12, %add3A_13 : i32
    "tpu.region"() ({
      %run_scoped3A = tpu.sem_alloc : memref<!tpu.dma_semaphore, #tpu.memory_space<semaphore_mem>>
      %dma_start3A = tpu.memref_slice %arg5[%add3A_14] : memref<327680xi32, #tpu.memory_space<hbm>> -> memref<10240xi32, #tpu.memory_space<hbm>>
      %dma_start3A_97 = tpu.memref_slice %arg5[%add3A_14] : memref<327680xi32, #tpu.memory_space<hbm>> -> memref<10240xi32, #tpu.memory_space<hbm>>
      tpu.enqueue_dma source(%dma_start3A_97 : memref<10240xi32, #tpu.memory_space<hbm>>) target(%arg11 : memref<10240xi32, #tpu.memory_space<vmem>>) target_semaphore(%run_scoped3A : memref<!tpu.dma_semaphore, #tpu.memory_space<semaphore_mem>>)
      %dma_wait3A = tpu.memref_slice %arg5[%add3A_14] : memref<327680xi32, #tpu.memory_space<hbm>> -> memref<10240xi32, #tpu.memory_space<hbm>>
      %dma_wait3A_98 = tpu.memref_slice %arg5[%add3A_14] : memref<327680xi32, #tpu.memory_space<hbm>> -> memref<10240xi32, #tpu.memory_space<hbm>>
      tpu.wait_dma2 semaphore(%run_scoped3A : memref<!tpu.dma_semaphore, #tpu.memory_space<semaphore_mem>>) src(%dma_wait3A_98 : memref<10240xi32, #tpu.memory_space<hbm>>) dst(%arg11 : memref<10240xi32, #tpu.memory_space<vmem>>)
      tpu.yield
    }) : () -> ()
    %scan3A = arith.constant 0 : i32
    %scan3A_15 = arith.constant 0 : i32
    %scan3A_16 = arith.constant 80 : i32
    %scan3A_17 = arith.addi %scan3A_15, %scan3A_16 : i32
    %scan3A_18 = arith.constant 1 : i32
    scf.for %scan3A_97 = %scan3A_15 to %scan3A_17 step %scan3A_18  : i32 {
      %mul3A_98 = arith.constant 128 : i32
      %mul3A_99 = arith.muli %scan3A_97, %mul3A_98 : i32
      "tpu.region"() ({
        %run_scoped3A = tpu.sem_alloc : memref<!tpu.dma_semaphore, #tpu.memory_space<semaphore_mem>>
        %dma_start3A = tpu.memref_slice %arg10[%mul3A_99] : memref<10240xi32, #tpu.memory_space<vmem>> -> memref<128xi32, #tpu.memory_space<vmem>>
        %dma_start3A_102 = arith.constant 0 : i32
        %dma_start3A_103 = arith.constant 0 : i32
        %dma_start3A_104 = tpu.memref_slice %arg2[%dma_start3A_102, %dma_start3A_103] : memref<20000x128xf32, #tpu.memory_space<hbm>> -> memref<20000x128xf32, #tpu.memory_space<hbm>>
        tpu.enqueue_indirect_dma source(%dma_start3A_104 : memref<20000x128xf32, #tpu.memory_space<hbm>>) target(%arg12 : memref<128x128xf32, #tpu.memory_space<vmem>>) offsets(%dma_start3A : memref<128xi32, #tpu.memory_space<vmem>>) semaphore(%run_scoped3A : memref<!tpu.dma_semaphore, #tpu.memory_space<semaphore_mem>>)
        %dma_wait3A = tpu.memref_slice %arg10[%mul3A_99] : memref<10240xi32, #tpu.memory_space<vmem>> -> memref<128xi32, #tpu.memory_space<vmem>>
        %dma_wait3A_105 = arith.constant 0 : i32
        %dma_wait3A_106 = arith.constant 0 : i32
        %dma_wait3A_107 = tpu.memref_slice %arg2[%dma_wait3A_105, %dma_wait3A_106] : memref<20000x128xf32, #tpu.memory_space<hbm>> -> memref<20000x128xf32, #tpu.memory_space<hbm>>
        tpu.wait_indirect_dma semaphore(%run_scoped3A : memref<!tpu.dma_semaphore, #tpu.memory_space<semaphore_mem>>) src(%dma_wait3A_107 : memref<20000x128xf32, #tpu.memory_space<hbm>>) dst(%arg12 : memref<128x128xf32, #tpu.memory_space<vmem>>)
        tpu.yield
      }) : () -> ()
      %mul3A_100 = arith.constant 128 : i32
      %mul3A_101 = arith.muli %scan3A_97, %mul3A_100 : i32
      "tpu.region"() ({
        %run_scoped3A = tpu.sem_alloc : memref<!tpu.dma_semaphore, #tpu.memory_space<semaphore_mem>>
        %dma_start3A = tpu.memref_slice %arg11[%mul3A_101] : memref<10240xi32, #tpu.memory_space<vmem>> -> memref<128xi32, #tpu.memory_space<vmem>>
        %dma_start3A_102 = arith.constant 0 : i32
        %dma_start3A_103 = arith.constant 0 : i32
        %dma_start3A_104 = tpu.memref_slice %arg13[%dma_start3A_102, %dma_start3A_103] : memref<10008x128xf32, #tpu.memory_space<vmem_shared>> -> memref<10008x128xf32, #tpu.memory_space<vmem_shared>>
        tpu.enqueue_indirect_dma source(%arg12 : memref<128x128xf32, #tpu.memory_space<vmem>>) target(%dma_start3A_104 : memref<10008x128xf32, #tpu.memory_space<vmem_shared>>) offsets(%dma_start3A : memref<128xi32, #tpu.memory_space<vmem>>) semaphore(%run_scoped3A : memref<!tpu.dma_semaphore, #tpu.memory_space<semaphore_mem>>) {add = true}
        %dma_wait3A = tpu.memref_slice %arg11[%mul3A_101] : memref<10240xi32, #tpu.memory_space<vmem>> -> memref<128xi32, #tpu.memory_space<vmem>>
        %dma_wait3A_105 = arith.constant 0 : i32
        %dma_wait3A_106 = arith.constant 0 : i32
        %dma_wait3A_107 = tpu.memref_slice %arg13[%dma_wait3A_105, %dma_wait3A_106] : memref<10008x128xf32, #tpu.memory_space<vmem_shared>> -> memref<10008x128xf32, #tpu.memory_space<vmem_shared>>
        tpu.wait_indirect_dma semaphore(%run_scoped3A : memref<!tpu.dma_semaphore, #tpu.memory_space<semaphore_mem>>) src(%arg12 : memref<128x128xf32, #tpu.memory_space<vmem>>) dst(%dma_wait3A_107 : memref<10008x128xf32, #tpu.memory_space<vmem_shared>>)
        tpu.yield
      }) : () -> ()
    }
    %scan3A_19 = arith.constant 80 : i32
    %mul3A_20 = arith.constant 20480 : i32
    %mul3A_21 = arith.muli %add3A, %mul3A_20 : i32
    %add3A_22 = arith.constant 10240 : i32
    %add3A_23 = arith.addi %mul3A_21, %add3A_22 : i32
    "tpu.region"() ({
      %run_scoped3A = tpu.sem_alloc : memref<!tpu.dma_semaphore, #tpu.memory_space<semaphore_mem>>
      %dma_start3A = tpu.memref_slice %arg4[%add3A_23] : memref<655360xi32, #tpu.memory_space<hbm>> -> memref<10240xi32, #tpu.memory_space<hbm>>
      %dma_start3A_97 = tpu.memref_slice %arg4[%add3A_23] : memref<655360xi32, #tpu.memory_space<hbm>> -> memref<10240xi32, #tpu.memory_space<hbm>>
      tpu.enqueue_dma source(%dma_start3A_97 : memref<10240xi32, #tpu.memory_space<hbm>>) target(%arg10 : memref<10240xi32, #tpu.memory_space<vmem>>) target_semaphore(%run_scoped3A : memref<!tpu.dma_semaphore, #tpu.memory_space<semaphore_mem>>)
      %dma_wait3A = tpu.memref_slice %arg4[%add3A_23] : memref<655360xi32, #tpu.memory_space<hbm>> -> memref<10240xi32, #tpu.memory_space<hbm>>
      %dma_wait3A_98 = tpu.memref_slice %arg4[%add3A_23] : memref<655360xi32, #tpu.memory_space<hbm>> -> memref<10240xi32, #tpu.memory_space<hbm>>
      tpu.wait_dma2 semaphore(%run_scoped3A : memref<!tpu.dma_semaphore, #tpu.memory_space<semaphore_mem>>) src(%dma_wait3A_98 : memref<10240xi32, #tpu.memory_space<hbm>>) dst(%arg10 : memref<10240xi32, #tpu.memory_space<vmem>>)
      tpu.yield
    }) : () -> ()
    %mul3A_24 = arith.constant 20480 : i32
    %mul3A_25 = arith.muli %arg1, %mul3A_24 : i32
    %add3A_26 = arith.constant 10240 : i32
    %add3A_27 = arith.addi %mul3A_25, %add3A_26 : i32
    "tpu.region"() ({
      %run_scoped3A = tpu.sem_alloc : memref<!tpu.dma_semaphore, #tpu.memory_space<semaphore_mem>>
      %dma_start3A = tpu.memref_slice %arg5[%add3A_27] : memref<327680xi32, #tpu.memory_space<hbm>> -> memref<10240xi32, #tpu.memory_space<hbm>>
      %dma_start3A_97 = tpu.memref_slice %arg5[%add3A_27] : memref<327680xi32, #tpu.memory_space<hbm>> -> memref<10240xi32, #tpu.memory_space<hbm>>
      tpu.enqueue_dma source(%dma_start3A_97 : memref<10240xi32, #tpu.memory_space<hbm>>) target(%arg11 : memref<10240xi32, #tpu.memory_space<vmem>>) target_semaphore(%run_scoped3A : memref<!tpu.dma_semaphore, #tpu.memory_space<semaphore_mem>>)
      %dma_wait3A = tpu.memref_slice %arg5[%add3A_27] : memref<327680xi32, #tpu.memory_space<hbm>> -> memref<10240xi32, #tpu.memory_space<hbm>>
      %dma_wait3A_98 = tpu.memref_slice %arg5[%add3A_27] : memref<327680xi32, #tpu.memory_space<hbm>> -> memref<10240xi32, #tpu.memory_space<hbm>>
      tpu.wait_dma2 semaphore(%run_scoped3A : memref<!tpu.dma_semaphore, #tpu.memory_space<semaphore_mem>>) src(%dma_wait3A_98 : memref<10240xi32, #tpu.memory_space<hbm>>) dst(%arg11 : memref<10240xi32, #tpu.memory_space<vmem>>)
      tpu.yield
    }) : () -> ()
    %scan3A_28 = arith.constant 0 : i32
    %scan3A_29 = arith.constant 0 : i32
    %scan3A_30 = arith.constant 80 : i32
    %scan3A_31 = arith.addi %scan3A_29, %scan3A_30 : i32
    %scan3A_32 = arith.constant 1 : i32
    scf.for %scan3A_97 = %scan3A_29 to %scan3A_31 step %scan3A_32  : i32 {
      %mul3A_98 = arith.constant 128 : i32
      %mul3A_99 = arith.muli %scan3A_97, %mul3A_98 : i32
      "tpu.region"() ({
        %run_scoped3A = tpu.sem_alloc : memref<!tpu.dma_semaphore, #tpu.memory_space<semaphore_mem>>
        %dma_start3A = tpu.memref_slice %arg10[%mul3A_99] : memref<10240xi32, #tpu.memory_space<vmem>> -> memref<128xi32, #tpu.memory_space<vmem>>
        %dma_start3A_102 = arith.constant 0 : i32
        %dma_start3A_103 = arith.constant 0 : i32
        %dma_start3A_104 = tpu.memref_slice %arg2[%dma_start3A_102, %dma_start3A_103] : memref<20000x128xf32, #tpu.memory_space<hbm>> -> memref<20000x128xf32, #tpu.memory_space<hbm>>
        tpu.enqueue_indirect_dma source(%dma_start3A_104 : memref<20000x128xf32, #tpu.memory_space<hbm>>) target(%arg12 : memref<128x128xf32, #tpu.memory_space<vmem>>) offsets(%dma_start3A : memref<128xi32, #tpu.memory_space<vmem>>) semaphore(%run_scoped3A : memref<!tpu.dma_semaphore, #tpu.memory_space<semaphore_mem>>)
        %dma_wait3A = tpu.memref_slice %arg10[%mul3A_99] : memref<10240xi32, #tpu.memory_space<vmem>> -> memref<128xi32, #tpu.memory_space<vmem>>
        %dma_wait3A_105 = arith.constant 0 : i32
        %dma_wait3A_106 = arith.constant 0 : i32
        %dma_wait3A_107 = tpu.memref_slice %arg2[%dma_wait3A_105, %dma_wait3A_106] : memref<20000x128xf32, #tpu.memory_space<hbm>> -> memref<20000x128xf32, #tpu.memory_space<hbm>>
        tpu.wait_indirect_dma semaphore(%run_scoped3A : memref<!tpu.dma_semaphore, #tpu.memory_space<semaphore_mem>>) src(%dma_wait3A_107 : memref<20000x128xf32, #tpu.memory_space<hbm>>) dst(%arg12 : memref<128x128xf32, #tpu.memory_space<vmem>>)
        tpu.yield
      }) : () -> ()
      %mul3A_100 = arith.constant 128 : i32
      %mul3A_101 = arith.muli %scan3A_97, %mul3A_100 : i32
      "tpu.region"() ({
        %run_scoped3A = tpu.sem_alloc : memref<!tpu.dma_semaphore, #tpu.memory_space<semaphore_mem>>
        %dma_start3A = tpu.memref_slice %arg11[%mul3A_101] : memref<10240xi32, #tpu.memory_space<vmem>> -> memref<128xi32, #tpu.memory_space<vmem>>
        %dma_start3A_102 = arith.constant 0 : i32
        %dma_start3A_103 = arith.constant 0 : i32
        %dma_start3A_104 = tpu.memref_slice %arg13[%dma_start3A_102, %dma_start3A_103] : memref<10008x128xf32, #tpu.memory_space<vmem_shared>> -> memref<10008x128xf32, #tpu.memory_space<vmem_shared>>
        tpu.enqueue_indirect_dma source(%arg12 : memref<128x128xf32, #tpu.memory_space<vmem>>) target(%dma_start3A_104 : memref<10008x128xf32, #tpu.memory_space<vmem_shared>>) offsets(%dma_start3A : memref<128xi32, #tpu.memory_space<vmem>>) semaphore(%run_scoped3A : memref<!tpu.dma_semaphore, #tpu.memory_space<semaphore_mem>>) {add = true}
        %dma_wait3A = tpu.memref_slice %arg11[%mul3A_101] : memref<10240xi32, #tpu.memory_space<vmem>> -> memref<128xi32, #tpu.memory_space<vmem>>
        %dma_wait3A_105 = arith.constant 0 : i32
        %dma_wait3A_106 = arith.constant 0 : i32
        %dma_wait3A_107 = tpu.memref_slice %arg13[%dma_wait3A_105, %dma_wait3A_106] : memref<10008x128xf32, #tpu.memory_space<vmem_shared>> -> memref<10008x128xf32, #tpu.memory_space<vmem_shared>>
        tpu.wait_indirect_dma semaphore(%run_scoped3A : memref<!tpu.dma_semaphore, #tpu.memory_space<semaphore_mem>>) src(%arg12 : memref<128x128xf32, #tpu.memory_space<vmem>>) dst(%dma_wait3A_107 : memref<10008x128xf32, #tpu.memory_space<vmem_shared>>)
        tpu.yield
      }) : () -> ()
    }
    %scan3A_33 = arith.constant 80 : i32
    %barrier3A_34 = arith.constant 0 : index
    tpu.barrier barrier_id(%barrier3A_34)
    %lt3A_35 = arith.constant 15 : i32
    %lt3A_36 = arith.cmpi slt, %arg1, %lt3A_35 : i32
    %convert_element_type3A_37 = arith.extui %lt3A_36 : i1 to i32
    %cond3A_38 = arith.constant 0 : i32
    %cond3A_39 = arith.cmpi ne, %convert_element_type3A_37, %cond3A_38 : i32
    scf.if %cond3A_39 {
      %mul3A_97 = arith.constant 632 : i32
      %mul3A_98 = arith.muli %arg1, %mul3A_97 : i32
      %mul3A_99 = arith.constant 10000 : i32
      %mul3A_100 = arith.muli %arg0, %mul3A_99 : i32
      %add3A_101 = arith.addi %mul3A_100, %mul3A_98 : i32
      "tpu.region"() ({
        %run_scoped3A = tpu.sem_alloc : memref<!tpu.dma_semaphore, #tpu.memory_space<semaphore_mem>>
        %dma_start3A = arith.constant 0 : i32
        %dma_start3A_102 = tpu.memref_slice %arg8[%add3A_101, %dma_start3A] : memref<20000x128xf32, #tpu.memory_space<hbm>> -> memref<632x128xf32, #tpu.memory_space<hbm>>
        %dma_start3A_103 = arith.constant 0 : i32
        %dma_start3A_104 = tpu.memref_slice %arg13[%mul3A_98, %dma_start3A_103] : memref<10008x128xf32, #tpu.memory_space<vmem_shared>> -> memref<632x128xf32, #tpu.memory_space<vmem_shared>>
        tpu.enqueue_dma source(%dma_start3A_104 : memref<632x128xf32, #tpu.memory_space<vmem_shared>>) target(%dma_start3A_102 : memref<632x128xf32, #tpu.memory_space<hbm>>) target_semaphore(%run_scoped3A : memref<!tpu.dma_semaphore, #tpu.memory_space<semaphore_mem>>)
        %dma_wait3A = arith.constant 0 : i32
        %dma_wait3A_105 = tpu.memref_slice %arg8[%add3A_101, %dma_wait3A] : memref<20000x128xf32, #tpu.memory_space<hbm>> -> memref<632x128xf32, #tpu.memory_space<hbm>>
        %dma_wait3A_106 = arith.constant 0 : i32
        %dma_wait3A_107 = tpu.memref_slice %arg13[%mul3A_98, %dma_wait3A_106] : memref<10008x128xf32, #tpu.memory_space<vmem_shared>> -> memref<632x128xf32, #tpu.memory_space<vmem_shared>>
        tpu.wait_dma2 semaphore(%run_scoped3A : memref<!tpu.dma_semaphore, #tpu.memory_space<semaphore_mem>>) src(%dma_wait3A_107 : memref<632x128xf32, #tpu.memory_space<vmem_shared>>) dst(%dma_wait3A_105 : memref<632x128xf32, #tpu.memory_space<hbm>>)
        tpu.yield
      }) : () -> ()
    } else {
    }
    %eq3A_40 = arith.constant 15 : i32
    %eq3A_41 = arith.cmpi eq, %arg1, %eq3A_40 : i32
    %convert_element_type3A_42 = arith.extui %eq3A_41 : i1 to i32
    %cond3A_43 = arith.constant 0 : i32
    %cond3A_44 = arith.cmpi ne, %convert_element_type3A_42, %cond3A_43 : i32
    scf.if %cond3A_44 {
      %mul3A_97 = arith.constant 10000 : i32
      %mul3A_98 = arith.muli %arg0, %mul3A_97 : i32
      %add3A_99 = arith.constant 9480 : i32
      %add3A_100 = arith.addi %mul3A_98, %add3A_99 : i32
      "tpu.region"() ({
        %run_scoped3A = tpu.sem_alloc : memref<!tpu.dma_semaphore, #tpu.memory_space<semaphore_mem>>
        %dma_start3A = arith.constant 0 : i32
        %dma_start3A_101 = tpu.memref_slice %arg8[%add3A_100, %dma_start3A] : memref<20000x128xf32, #tpu.memory_space<hbm>> -> memref<520x128xf32, #tpu.memory_space<hbm>>
        %dma_start3A_102 = arith.constant 9480 : i32
        %dma_start3A_103 = arith.constant 0 : i32
        %dma_start3A_104 = tpu.memref_slice %arg13[%dma_start3A_102, %dma_start3A_103] : memref<10008x128xf32, #tpu.memory_space<vmem_shared>> -> memref<520x128xf32, #tpu.memory_space<vmem_shared>>
        tpu.enqueue_dma source(%dma_start3A_104 : memref<520x128xf32, #tpu.memory_space<vmem_shared>>) target(%dma_start3A_101 : memref<520x128xf32, #tpu.memory_space<hbm>>) target_semaphore(%run_scoped3A : memref<!tpu.dma_semaphore, #tpu.memory_space<semaphore_mem>>)
        %dma_wait3A = arith.constant 0 : i32
        %dma_wait3A_105 = tpu.memref_slice %arg8[%add3A_100, %dma_wait3A] : memref<20000x128xf32, #tpu.memory_space<hbm>> -> memref<520x128xf32, #tpu.memory_space<hbm>>
        %dma_wait3A_106 = arith.constant 9480 : i32
        %dma_wait3A_107 = arith.constant 0 : i32
        %dma_wait3A_108 = tpu.memref_slice %arg13[%dma_wait3A_106, %dma_wait3A_107] : memref<10008x128xf32, #tpu.memory_space<vmem_shared>> -> memref<520x128xf32, #tpu.memory_space<vmem_shared>>
        tpu.wait_dma2 semaphore(%run_scoped3A : memref<!tpu.dma_semaphore, #tpu.memory_space<semaphore_mem>>) src(%dma_wait3A_108 : memref<520x128xf32, #tpu.memory_space<vmem_shared>>) dst(%dma_wait3A_105 : memref<520x128xf32, #tpu.memory_space<hbm>>)
        tpu.yield
      }) : () -> ()
    } else {
    }
    %barrier3A_45 = arith.constant 0 : index
    tpu.barrier barrier_id(%barrier3A_45)
    %lt3A_46 = arith.constant 15 : i32
    %lt3A_47 = arith.cmpi slt, %arg1, %lt3A_46 : i32
    %convert_element_type3A_48 = arith.extui %lt3A_47 : i1 to i32
    %cond3A_49 = arith.constant 0 : i32
    %cond3A_50 = arith.cmpi ne, %convert_element_type3A_48, %cond3A_49 : i32
    scf.if %cond3A_50 {
      %mul3A_97 = arith.constant 632 : i32
      %mul3A_98 = arith.muli %arg1, %mul3A_97 : i32
      %mul3A_99 = arith.constant 10000 : i32
      %mul3A_100 = arith.muli %arg0, %mul3A_99 : i32
      %add3A_101 = arith.addi %mul3A_100, %mul3A_98 : i32
      "tpu.region"() ({
        %run_scoped3A = tpu.sem_alloc : memref<!tpu.dma_semaphore, #tpu.memory_space<semaphore_mem>>
        %dma_start3A = arith.constant 0 : i32
        %dma_start3A_102 = tpu.memref_slice %arg13[%mul3A_98, %dma_start3A] : memref<10008x128xf32, #tpu.memory_space<vmem_shared>> -> memref<632x128xf32, #tpu.memory_space<vmem_shared>>
        %dma_start3A_103 = arith.constant 0 : i32
        %dma_start3A_104 = tpu.memref_slice %arg3[%add3A_101, %dma_start3A_103] : memref<20000x128xf32, #tpu.memory_space<hbm>> -> memref<632x128xf32, #tpu.memory_space<hbm>>
        tpu.enqueue_dma source(%dma_start3A_104 : memref<632x128xf32, #tpu.memory_space<hbm>>) target(%dma_start3A_102 : memref<632x128xf32, #tpu.memory_space<vmem_shared>>) target_semaphore(%run_scoped3A : memref<!tpu.dma_semaphore, #tpu.memory_space<semaphore_mem>>)
        %dma_wait3A = arith.constant 0 : i32
        %dma_wait3A_105 = tpu.memref_slice %arg13[%mul3A_98, %dma_wait3A] : memref<10008x128xf32, #tpu.memory_space<vmem_shared>> -> memref<632x128xf32, #tpu.memory_space<vmem_shared>>
        %dma_wait3A_106 = arith.constant 0 : i32
        %dma_wait3A_107 = tpu.memref_slice %arg3[%add3A_101, %dma_wait3A_106] : memref<20000x128xf32, #tpu.memory_space<hbm>> -> memref<632x128xf32, #tpu.memory_space<hbm>>
        tpu.wait_dma2 semaphore(%run_scoped3A : memref<!tpu.dma_semaphore, #tpu.memory_space<semaphore_mem>>) src(%dma_wait3A_107 : memref<632x128xf32, #tpu.memory_space<hbm>>) dst(%dma_wait3A_105 : memref<632x128xf32, #tpu.memory_space<vmem_shared>>)
        tpu.yield
      }) : () -> ()
    } else {
    }
    %eq3A_51 = arith.constant 15 : i32
    %eq3A_52 = arith.cmpi eq, %arg1, %eq3A_51 : i32
    %convert_element_type3A_53 = arith.extui %eq3A_52 : i1 to i32
    %cond3A_54 = arith.constant 0 : i32
    %cond3A_55 = arith.cmpi ne, %convert_element_type3A_53, %cond3A_54 : i32
    scf.if %cond3A_55 {
      %mul3A_97 = arith.constant 10000 : i32
      %mul3A_98 = arith.muli %arg0, %mul3A_97 : i32
      %add3A_99 = arith.constant 9480 : i32
      %add3A_100 = arith.addi %mul3A_98, %add3A_99 : i32
      "tpu.region"() ({
        %run_scoped3A = tpu.sem_alloc : memref<!tpu.dma_semaphore, #tpu.memory_space<semaphore_mem>>
        %dma_start3A = arith.constant 9480 : i32
        %dma_start3A_101 = arith.constant 0 : i32
        %dma_start3A_102 = tpu.memref_slice %arg13[%dma_start3A, %dma_start3A_101] : memref<10008x128xf32, #tpu.memory_space<vmem_shared>> -> memref<520x128xf32, #tpu.memory_space<vmem_shared>>
        %dma_start3A_103 = arith.constant 0 : i32
        %dma_start3A_104 = tpu.memref_slice %arg3[%add3A_100, %dma_start3A_103] : memref<20000x128xf32, #tpu.memory_space<hbm>> -> memref<520x128xf32, #tpu.memory_space<hbm>>
        tpu.enqueue_dma source(%dma_start3A_104 : memref<520x128xf32, #tpu.memory_space<hbm>>) target(%dma_start3A_102 : memref<520x128xf32, #tpu.memory_space<vmem_shared>>) target_semaphore(%run_scoped3A : memref<!tpu.dma_semaphore, #tpu.memory_space<semaphore_mem>>)
        %dma_wait3A = arith.constant 9480 : i32
        %dma_wait3A_105 = arith.constant 0 : i32
        %dma_wait3A_106 = tpu.memref_slice %arg13[%dma_wait3A, %dma_wait3A_105] : memref<10008x128xf32, #tpu.memory_space<vmem_shared>> -> memref<520x128xf32, #tpu.memory_space<vmem_shared>>
        %dma_wait3A_107 = arith.constant 0 : i32
        %dma_wait3A_108 = tpu.memref_slice %arg3[%add3A_100, %dma_wait3A_107] : memref<20000x128xf32, #tpu.memory_space<hbm>> -> memref<520x128xf32, #tpu.memory_space<hbm>>
        tpu.wait_dma2 semaphore(%run_scoped3A : memref<!tpu.dma_semaphore, #tpu.memory_space<semaphore_mem>>) src(%dma_wait3A_108 : memref<520x128xf32, #tpu.memory_space<hbm>>) dst(%dma_wait3A_106 : memref<520x128xf32, #tpu.memory_space<vmem_shared>>)
        tpu.yield
      }) : () -> ()
    } else {
    }
    %barrier3A_56 = arith.constant 0 : index
    tpu.barrier barrier_id(%barrier3A_56)
    %mul3A_57 = arith.constant 20480 : i32
    %mul3A_58 = arith.muli %add3A, %mul3A_57 : i32
    %add3A_59 = arith.constant 0 : i32
    %add3A_60 = arith.addi %mul3A_58, %add3A_59 : i32
    "tpu.region"() ({
      %run_scoped3A = tpu.sem_alloc : memref<!tpu.dma_semaphore, #tpu.memory_space<semaphore_mem>>
      %dma_start3A = tpu.memref_slice %arg6[%add3A_60] : memref<655360xi32, #tpu.memory_space<hbm>> -> memref<10240xi32, #tpu.memory_space<hbm>>
      %dma_start3A_97 = tpu.memref_slice %arg6[%add3A_60] : memref<655360xi32, #tpu.memory_space<hbm>> -> memref<10240xi32, #tpu.memory_space<hbm>>
      tpu.enqueue_dma source(%dma_start3A_97 : memref<10240xi32, #tpu.memory_space<hbm>>) target(%arg10 : memref<10240xi32, #tpu.memory_space<vmem>>) target_semaphore(%run_scoped3A : memref<!tpu.dma_semaphore, #tpu.memory_space<semaphore_mem>>)
      %dma_wait3A = tpu.memref_slice %arg6[%add3A_60] : memref<655360xi32, #tpu.memory_space<hbm>> -> memref<10240xi32, #tpu.memory_space<hbm>>
      %dma_wait3A_98 = tpu.memref_slice %arg6[%add3A_60] : memref<655360xi32, #tpu.memory_space<hbm>> -> memref<10240xi32, #tpu.memory_space<hbm>>
      tpu.wait_dma2 semaphore(%run_scoped3A : memref<!tpu.dma_semaphore, #tpu.memory_space<semaphore_mem>>) src(%dma_wait3A_98 : memref<10240xi32, #tpu.memory_space<hbm>>) dst(%arg10 : memref<10240xi32, #tpu.memory_space<vmem>>)
      tpu.yield
    }) : () -> ()
    %mul3A_61 = arith.constant 20480 : i32
    %mul3A_62 = arith.muli %arg1, %mul3A_61 : i32
    %add3A_63 = arith.constant 0 : i32
    %add3A_64 = arith.addi %mul3A_62, %add3A_63 : i32
    "tpu.region"() ({
      %run_scoped3A = tpu.sem_alloc : memref<!tpu.dma_semaphore, #tpu.memory_space<semaphore_mem>>
      %dma_start3A = tpu.memref_slice %arg7[%add3A_64] : memref<327680xi32, #tpu.memory_space<hbm>> -> memref<10240xi32, #tpu.memory_space<hbm>>
      %dma_start3A_97 = tpu.memref_slice %arg7[%add3A_64] : memref<327680xi32, #tpu.memory_space<hbm>> -> memref<10240xi32, #tpu.memory_space<hbm>>
      tpu.enqueue_dma source(%dma_start3A_97 : memref<10240xi32, #tpu.memory_space<hbm>>) target(%arg11 : memref<10240xi32, #tpu.memory_space<vmem>>) target_semaphore(%run_scoped3A : memref<!tpu.dma_semaphore, #tpu.memory_space<semaphore_mem>>)
      %dma_wait3A = tpu.memref_slice %arg7[%add3A_64] : memref<327680xi32, #tpu.memory_space<hbm>> -> memref<10240xi32, #tpu.memory_space<hbm>>
      %dma_wait3A_98 = tpu.memref_slice %arg7[%add3A_64] : memref<327680xi32, #tpu.memory_space<hbm>> -> memref<10240xi32, #tpu.memory_space<hbm>>
      tpu.wait_dma2 semaphore(%run_scoped3A : memref<!tpu.dma_semaphore, #tpu.memory_space<semaphore_mem>>) src(%dma_wait3A_98 : memref<10240xi32, #tpu.memory_space<hbm>>) dst(%arg11 : memref<10240xi32, #tpu.memory_space<vmem>>)
      tpu.yield
    }) : () -> ()
    %scan3A_65 = arith.constant 0 : i32
    %scan3A_66 = arith.constant 0 : i32
    %scan3A_67 = arith.constant 80 : i32
    %scan3A_68 = arith.addi %scan3A_66, %scan3A_67 : i32
    %scan3A_69 = arith.constant 1 : i32
    scf.for %scan3A_97 = %scan3A_66 to %scan3A_68 step %scan3A_69  : i32 {
      %mul3A_98 = arith.constant 128 : i32
      %mul3A_99 = arith.muli %scan3A_97, %mul3A_98 : i32
      "tpu.region"() ({
        %run_scoped3A = tpu.sem_alloc : memref<!tpu.dma_semaphore, #tpu.memory_space<semaphore_mem>>
        %dma_start3A = tpu.memref_slice %arg10[%mul3A_99] : memref<10240xi32, #tpu.memory_space<vmem>> -> memref<128xi32, #tpu.memory_space<vmem>>
        %dma_start3A_102 = arith.constant 0 : i32
        %dma_start3A_103 = arith.constant 0 : i32
        %dma_start3A_104 = tpu.memref_slice %arg3[%dma_start3A_102, %dma_start3A_103] : memref<20000x128xf32, #tpu.memory_space<hbm>> -> memref<20000x128xf32, #tpu.memory_space<hbm>>
        tpu.enqueue_indirect_dma source(%dma_start3A_104 : memref<20000x128xf32, #tpu.memory_space<hbm>>) target(%arg12 : memref<128x128xf32, #tpu.memory_space<vmem>>) offsets(%dma_start3A : memref<128xi32, #tpu.memory_space<vmem>>) semaphore(%run_scoped3A : memref<!tpu.dma_semaphore, #tpu.memory_space<semaphore_mem>>)
        %dma_wait3A = tpu.memref_slice %arg10[%mul3A_99] : memref<10240xi32, #tpu.memory_space<vmem>> -> memref<128xi32, #tpu.memory_space<vmem>>
        %dma_wait3A_105 = arith.constant 0 : i32
        %dma_wait3A_106 = arith.constant 0 : i32
        %dma_wait3A_107 = tpu.memref_slice %arg3[%dma_wait3A_105, %dma_wait3A_106] : memref<20000x128xf32, #tpu.memory_space<hbm>> -> memref<20000x128xf32, #tpu.memory_space<hbm>>
        tpu.wait_indirect_dma semaphore(%run_scoped3A : memref<!tpu.dma_semaphore, #tpu.memory_space<semaphore_mem>>) src(%dma_wait3A_107 : memref<20000x128xf32, #tpu.memory_space<hbm>>) dst(%arg12 : memref<128x128xf32, #tpu.memory_space<vmem>>)
        tpu.yield
      }) : () -> ()
      %mul3A_100 = arith.constant 128 : i32
      %mul3A_101 = arith.muli %scan3A_97, %mul3A_100 : i32
      "tpu.region"() ({
        %run_scoped3A = tpu.sem_alloc : memref<!tpu.dma_semaphore, #tpu.memory_space<semaphore_mem>>
        %dma_start3A = tpu.memref_slice %arg11[%mul3A_101] : memref<10240xi32, #tpu.memory_space<vmem>> -> memref<128xi32, #tpu.memory_space<vmem>>
        %dma_start3A_102 = arith.constant 0 : i32
        %dma_start3A_103 = arith.constant 0 : i32
        %dma_start3A_104 = tpu.memref_slice %arg13[%dma_start3A_102, %dma_start3A_103] : memref<10008x128xf32, #tpu.memory_space<vmem_shared>> -> memref<10008x128xf32, #tpu.memory_space<vmem_shared>>
        tpu.enqueue_indirect_dma source(%arg12 : memref<128x128xf32, #tpu.memory_space<vmem>>) target(%dma_start3A_104 : memref<10008x128xf32, #tpu.memory_space<vmem_shared>>) offsets(%dma_start3A : memref<128xi32, #tpu.memory_space<vmem>>) semaphore(%run_scoped3A : memref<!tpu.dma_semaphore, #tpu.memory_space<semaphore_mem>>) {add = true}
        %dma_wait3A = tpu.memref_slice %arg11[%mul3A_101] : memref<10240xi32, #tpu.memory_space<vmem>> -> memref<128xi32, #tpu.memory_space<vmem>>
        %dma_wait3A_105 = arith.constant 0 : i32
        %dma_wait3A_106 = arith.constant 0 : i32
        %dma_wait3A_107 = tpu.memref_slice %arg13[%dma_wait3A_105, %dma_wait3A_106] : memref<10008x128xf32, #tpu.memory_space<vmem_shared>> -> memref<10008x128xf32, #tpu.memory_space<vmem_shared>>
        tpu.wait_indirect_dma semaphore(%run_scoped3A : memref<!tpu.dma_semaphore, #tpu.memory_space<semaphore_mem>>) src(%arg12 : memref<128x128xf32, #tpu.memory_space<vmem>>) dst(%dma_wait3A_107 : memref<10008x128xf32, #tpu.memory_space<vmem_shared>>)
        tpu.yield
      }) : () -> ()
    }
    %scan3A_70 = arith.constant 80 : i32
    %mul3A_71 = arith.constant 20480 : i32
    %mul3A_72 = arith.muli %add3A, %mul3A_71 : i32
    %add3A_73 = arith.constant 10240 : i32
    %add3A_74 = arith.addi %mul3A_72, %add3A_73 : i32
    "tpu.region"() ({
      %run_scoped3A = tpu.sem_alloc : memref<!tpu.dma_semaphore, #tpu.memory_space<semaphore_mem>>
      %dma_start3A = tpu.memref_slice %arg6[%add3A_74] : memref<655360xi32, #tpu.memory_space<hbm>> -> memref<10240xi32, #tpu.memory_space<hbm>>
      %dma_start3A_97 = tpu.memref_slice %arg6[%add3A_74] : memref<655360xi32, #tpu.memory_space<hbm>> -> memref<10240xi32, #tpu.memory_space<hbm>>
      tpu.enqueue_dma source(%dma_start3A_97 : memref<10240xi32, #tpu.memory_space<hbm>>) target(%arg10 : memref<10240xi32, #tpu.memory_space<vmem>>) target_semaphore(%run_scoped3A : memref<!tpu.dma_semaphore, #tpu.memory_space<semaphore_mem>>)
      %dma_wait3A = tpu.memref_slice %arg6[%add3A_74] : memref<655360xi32, #tpu.memory_space<hbm>> -> memref<10240xi32, #tpu.memory_space<hbm>>
      %dma_wait3A_98 = tpu.memref_slice %arg6[%add3A_74] : memref<655360xi32, #tpu.memory_space<hbm>> -> memref<10240xi32, #tpu.memory_space<hbm>>
      tpu.wait_dma2 semaphore(%run_scoped3A : memref<!tpu.dma_semaphore, #tpu.memory_space<semaphore_mem>>) src(%dma_wait3A_98 : memref<10240xi32, #tpu.memory_space<hbm>>) dst(%arg10 : memref<10240xi32, #tpu.memory_space<vmem>>)
      tpu.yield
    }) : () -> ()
    %mul3A_75 = arith.constant 20480 : i32
    %mul3A_76 = arith.muli %arg1, %mul3A_75 : i32
    %add3A_77 = arith.constant 10240 : i32
    %add3A_78 = arith.addi %mul3A_76, %add3A_77 : i32
    "tpu.region"() ({
      %run_scoped3A = tpu.sem_alloc : memref<!tpu.dma_semaphore, #tpu.memory_space<semaphore_mem>>
      %dma_start3A = tpu.memref_slice %arg7[%add3A_78] : memref<327680xi32, #tpu.memory_space<hbm>> -> memref<10240xi32, #tpu.memory_space<hbm>>
      %dma_start3A_97 = tpu.memref_slice %arg7[%add3A_78] : memref<327680xi32, #tpu.memory_space<hbm>> -> memref<10240xi32, #tpu.memory_space<hbm>>
      tpu.enqueue_dma source(%dma_start3A_97 : memref<10240xi32, #tpu.memory_space<hbm>>) target(%arg11 : memref<10240xi32, #tpu.memory_space<vmem>>) target_semaphore(%run_scoped3A : memref<!tpu.dma_semaphore, #tpu.memory_space<semaphore_mem>>)
      %dma_wait3A = tpu.memref_slice %arg7[%add3A_78] : memref<327680xi32, #tpu.memory_space<hbm>> -> memref<10240xi32, #tpu.memory_space<hbm>>
      %dma_wait3A_98 = tpu.memref_slice %arg7[%add3A_78] : memref<327680xi32, #tpu.memory_space<hbm>> -> memref<10240xi32, #tpu.memory_space<hbm>>
      tpu.wait_dma2 semaphore(%run_scoped3A : memref<!tpu.dma_semaphore, #tpu.memory_space<semaphore_mem>>) src(%dma_wait3A_98 : memref<10240xi32, #tpu.memory_space<hbm>>) dst(%arg11 : memref<10240xi32, #tpu.memory_space<vmem>>)
      tpu.yield
    }) : () -> ()
    %scan3A_79 = arith.constant 0 : i32
    %scan3A_80 = arith.constant 0 : i32
    %scan3A_81 = arith.constant 80 : i32
    %scan3A_82 = arith.addi %scan3A_80, %scan3A_81 : i32
    %scan3A_83 = arith.constant 1 : i32
    scf.for %scan3A_97 = %scan3A_80 to %scan3A_82 step %scan3A_83  : i32 {
      %mul3A_98 = arith.constant 128 : i32
      %mul3A_99 = arith.muli %scan3A_97, %mul3A_98 : i32
      "tpu.region"() ({
        %run_scoped3A = tpu.sem_alloc : memref<!tpu.dma_semaphore, #tpu.memory_space<semaphore_mem>>
        %dma_start3A = tpu.memref_slice %arg10[%mul3A_99] : memref<10240xi32, #tpu.memory_space<vmem>> -> memref<128xi32, #tpu.memory_space<vmem>>
        %dma_start3A_102 = arith.constant 0 : i32
        %dma_start3A_103 = arith.constant 0 : i32
        %dma_start3A_104 = tpu.memref_slice %arg3[%dma_start3A_102, %dma_start3A_103] : memref<20000x128xf32, #tpu.memory_space<hbm>> -> memref<20000x128xf32, #tpu.memory_space<hbm>>
        tpu.enqueue_indirect_dma source(%dma_start3A_104 : memref<20000x128xf32, #tpu.memory_space<hbm>>) target(%arg12 : memref<128x128xf32, #tpu.memory_space<vmem>>) offsets(%dma_start3A : memref<128xi32, #tpu.memory_space<vmem>>) semaphore(%run_scoped3A : memref<!tpu.dma_semaphore, #tpu.memory_space<semaphore_mem>>)
        %dma_wait3A = tpu.memref_slice %arg10[%mul3A_99] : memref<10240xi32, #tpu.memory_space<vmem>> -> memref<128xi32, #tpu.memory_space<vmem>>
        %dma_wait3A_105 = arith.constant 0 : i32
        %dma_wait3A_106 = arith.constant 0 : i32
        %dma_wait3A_107 = tpu.memref_slice %arg3[%dma_wait3A_105, %dma_wait3A_106] : memref<20000x128xf32, #tpu.memory_space<hbm>> -> memref<20000x128xf32, #tpu.memory_space<hbm>>
        tpu.wait_indirect_dma semaphore(%run_scoped3A : memref<!tpu.dma_semaphore, #tpu.memory_space<semaphore_mem>>) src(%dma_wait3A_107 : memref<20000x128xf32, #tpu.memory_space<hbm>>) dst(%arg12 : memref<128x128xf32, #tpu.memory_space<vmem>>)
        tpu.yield
      }) : () -> ()
      %mul3A_100 = arith.constant 128 : i32
      %mul3A_101 = arith.muli %scan3A_97, %mul3A_100 : i32
      "tpu.region"() ({
        %run_scoped3A = tpu.sem_alloc : memref<!tpu.dma_semaphore, #tpu.memory_space<semaphore_mem>>
        %dma_start3A = tpu.memref_slice %arg11[%mul3A_101] : memref<10240xi32, #tpu.memory_space<vmem>> -> memref<128xi32, #tpu.memory_space<vmem>>
        %dma_start3A_102 = arith.constant 0 : i32
        %dma_start3A_103 = arith.constant 0 : i32
        %dma_start3A_104 = tpu.memref_slice %arg13[%dma_start3A_102, %dma_start3A_103] : memref<10008x128xf32, #tpu.memory_space<vmem_shared>> -> memref<10008x128xf32, #tpu.memory_space<vmem_shared>>
        tpu.enqueue_indirect_dma source(%arg12 : memref<128x128xf32, #tpu.memory_space<vmem>>) target(%dma_start3A_104 : memref<10008x128xf32, #tpu.memory_space<vmem_shared>>) offsets(%dma_start3A : memref<128xi32, #tpu.memory_space<vmem>>) semaphore(%run_scoped3A : memref<!tpu.dma_semaphore, #tpu.memory_space<semaphore_mem>>) {add = true}
        %dma_wait3A = tpu.memref_slice %arg11[%mul3A_101] : memref<10240xi32, #tpu.memory_space<vmem>> -> memref<128xi32, #tpu.memory_space<vmem>>
        %dma_wait3A_105 = arith.constant 0 : i32
        %dma_wait3A_106 = arith.constant 0 : i32
        %dma_wait3A_107 = tpu.memref_slice %arg13[%dma_wait3A_105, %dma_wait3A_106] : memref<10008x128xf32, #tpu.memory_space<vmem_shared>> -> memref<10008x128xf32, #tpu.memory_space<vmem_shared>>
        tpu.wait_indirect_dma semaphore(%run_scoped3A : memref<!tpu.dma_semaphore, #tpu.memory_space<semaphore_mem>>) src(%arg12 : memref<128x128xf32, #tpu.memory_space<vmem>>) dst(%dma_wait3A_107 : memref<10008x128xf32, #tpu.memory_space<vmem_shared>>)
        tpu.yield
      }) : () -> ()
    }
    %scan3A_84 = arith.constant 80 : i32
    %barrier3A_85 = arith.constant 0 : index
    tpu.barrier barrier_id(%barrier3A_85)
    %lt3A_86 = arith.constant 15 : i32
    %lt3A_87 = arith.cmpi slt, %arg1, %lt3A_86 : i32
    %convert_element_type3A_88 = arith.extui %lt3A_87 : i1 to i32
    %cond3A_89 = arith.constant 0 : i32
    %cond3A_90 = arith.cmpi ne, %convert_element_type3A_88, %cond3A_89 : i32
    scf.if %cond3A_90 {
      %mul3A_97 = arith.constant 632 : i32
      %mul3A_98 = arith.muli %arg1, %mul3A_97 : i32
      %mul3A_99 = arith.constant 10000 : i32
      %mul3A_100 = arith.muli %arg0, %mul3A_99 : i32
      %add3A_101 = arith.addi %mul3A_100, %mul3A_98 : i32
      "tpu.region"() ({
        %run_scoped3A = tpu.sem_alloc : memref<!tpu.dma_semaphore, #tpu.memory_space<semaphore_mem>>
        %dma_start3A = arith.constant 0 : i32
        %dma_start3A_102 = tpu.memref_slice %arg9[%add3A_101, %dma_start3A] : memref<20000x128xf32, #tpu.memory_space<hbm>> -> memref<632x128xf32, #tpu.memory_space<hbm>>
        %dma_start3A_103 = arith.constant 0 : i32
        %dma_start3A_104 = tpu.memref_slice %arg13[%mul3A_98, %dma_start3A_103] : memref<10008x128xf32, #tpu.memory_space<vmem_shared>> -> memref<632x128xf32, #tpu.memory_space<vmem_shared>>
        tpu.enqueue_dma source(%dma_start3A_104 : memref<632x128xf32, #tpu.memory_space<vmem_shared>>) target(%dma_start3A_102 : memref<632x128xf32, #tpu.memory_space<hbm>>) target_semaphore(%run_scoped3A : memref<!tpu.dma_semaphore, #tpu.memory_space<semaphore_mem>>)
        %dma_wait3A = arith.constant 0 : i32
        %dma_wait3A_105 = tpu.memref_slice %arg9[%add3A_101, %dma_wait3A] : memref<20000x128xf32, #tpu.memory_space<hbm>> -> memref<632x128xf32, #tpu.memory_space<hbm>>
        %dma_wait3A_106 = arith.constant 0 : i32
        %dma_wait3A_107 = tpu.memref_slice %arg13[%mul3A_98, %dma_wait3A_106] : memref<10008x128xf32, #tpu.memory_space<vmem_shared>> -> memref<632x128xf32, #tpu.memory_space<vmem_shared>>
        tpu.wait_dma2 semaphore(%run_scoped3A : memref<!tpu.dma_semaphore, #tpu.memory_space<semaphore_mem>>) src(%dma_wait3A_107 : memref<632x128xf32, #tpu.memory_space<vmem_shared>>) dst(%dma_wait3A_105 : memref<632x128xf32, #tpu.memory_space<hbm>>)
        tpu.yield
      }) : () -> ()
    } else {
    }
    %eq3A_91 = arith.constant 15 : i32
    %eq3A_92 = arith.cmpi eq, %arg1, %eq3A_91 : i32
    %convert_element_type3A_93 = arith.extui %eq3A_92 : i1 to i32
    %cond3A_94 = arith.constant 0 : i32
    %cond3A_95 = arith.cmpi ne, %convert_element_type3A_93, %cond3A_94 : i32
    scf.if %cond3A_95 {
      %mul3A_97 = arith.constant 10000 : i32
      %mul3A_98 = arith.muli %arg0, %mul3A_97 : i32
      %add3A_99 = arith.constant 9480 : i32
      %add3A_100 = arith.addi %mul3A_98, %add3A_99 : i32
      "tpu.region"() ({
        %run_scoped3A = tpu.sem_alloc : memref<!tpu.dma_semaphore, #tpu.memory_space<semaphore_mem>>
        %dma_start3A = arith.constant 0 : i32
        %dma_start3A_101 = tpu.memref_slice %arg9[%add3A_100, %dma_start3A] : memref<20000x128xf32, #tpu.memory_space<hbm>> -> memref<520x128xf32, #tpu.memory_space<hbm>>
        %dma_start3A_102 = arith.constant 9480 : i32
        %dma_start3A_103 = arith.constant 0 : i32
        %dma_start3A_104 = tpu.memref_slice %arg13[%dma_start3A_102, %dma_start3A_103] : memref<10008x128xf32, #tpu.memory_space<vmem_shared>> -> memref<520x128xf32, #tpu.memory_space<vmem_shared>>
        tpu.enqueue_dma source(%dma_start3A_104 : memref<520x128xf32, #tpu.memory_space<vmem_shared>>) target(%dma_start3A_101 : memref<520x128xf32, #tpu.memory_space<hbm>>) target_semaphore(%run_scoped3A : memref<!tpu.dma_semaphore, #tpu.memory_space<semaphore_mem>>)
        %dma_wait3A = arith.constant 0 : i32
        %dma_wait3A_105 = tpu.memref_slice %arg9[%add3A_100, %dma_wait3A] : memref<20000x128xf32, #tpu.memory_space<hbm>> -> memref<520x128xf32, #tpu.memory_space<hbm>>
        %dma_wait3A_106 = arith.constant 9480 : i32
        %dma_wait3A_107 = arith.constant 0 : i32
        %dma_wait3A_108 = tpu.memref_slice %arg13[%dma_wait3A_106, %dma_wait3A_107] : memref<10008x128xf32, #tpu.memory_space<vmem_shared>> -> memref<520x128xf32, #tpu.memory_space<vmem_shared>>
        tpu.wait_dma2 semaphore(%run_scoped3A : memref<!tpu.dma_semaphore, #tpu.memory_space<semaphore_mem>>) src(%dma_wait3A_108 : memref<520x128xf32, #tpu.memory_space<vmem_shared>>) dst(%dma_wait3A_105 : memref<520x128xf32, #tpu.memory_space<hbm>>)
        tpu.yield
      }) : () -> ()
    } else {
    }
    %barrier3A_96 = arith.constant 0 : index
    tpu.barrier barrier_id(%barrier3A_96)
    return
  }
}

#map = affine_map<(d0, d1) -> (0, 0)>
#map1 = affine_map<(d0, d1) -> (0)>
module attributes {stable_mosaic.version = 14 : i64} {
  func.func @_pair_body(%arg0: i32, %arg1: i32, %arg2: memref<10000x128xf32, #tpu.memory_space<hbm>>, %arg3: memref<8192xi32, #tpu.memory_space<hbm>>, %arg4: memref<8192x128xf32, #tpu.memory_space<hbm>>, %arg5: memref<256xi32, #tpu.memory_space<vmem>>, %arg6: memref<256x128xf32, #tpu.memory_space<vmem>>) attributes {dimension_semantics = [#tpu.dimension_semantics<core_parallel>, #tpu.dimension_semantics<subcore_parallel>], iteration_bounds = array<i64: 2, 16>, scalar_prefetch = 0 : i64, scratch_operands = 2 : i64, tpu.core_type = #tpu.core_type<sc_vector_subcore>, window_params = [{transform_indices = #map}, {transform_indices = #map1}, {transform_indices = #map}]} {
    %mul3A = arith.constant 16 : i32
    %mul3A_0 = arith.muli %arg0, %mul3A : i32
    %add3A = arith.addi %mul3A_0, %arg1 : i32
    %mul3A_1 = arith.constant 256 : i32
    %mul3A_2 = arith.muli %add3A, %mul3A_1 : i32
    "tpu.region"() ({
      %run_scoped3A = tpu.sem_alloc : memref<!tpu.dma_semaphore, #tpu.memory_space<semaphore_mem>>
      %dma_start3A = tpu.memref_slice %arg3[%mul3A_2] : memref<8192xi32, #tpu.memory_space<hbm>> -> memref<256xi32, #tpu.memory_space<hbm>>
      %dma_start3A_5 = tpu.memref_slice %arg3[%mul3A_2] : memref<8192xi32, #tpu.memory_space<hbm>> -> memref<256xi32, #tpu.memory_space<hbm>>
      tpu.enqueue_dma source(%dma_start3A_5 : memref<256xi32, #tpu.memory_space<hbm>>) target(%arg5 : memref<256xi32, #tpu.memory_space<vmem>>) target_semaphore(%run_scoped3A : memref<!tpu.dma_semaphore, #tpu.memory_space<semaphore_mem>>)
      %dma_wait3A = tpu.memref_slice %arg3[%mul3A_2] : memref<8192xi32, #tpu.memory_space<hbm>> -> memref<256xi32, #tpu.memory_space<hbm>>
      %dma_wait3A_6 = tpu.memref_slice %arg3[%mul3A_2] : memref<8192xi32, #tpu.memory_space<hbm>> -> memref<256xi32, #tpu.memory_space<hbm>>
      tpu.wait_dma2 semaphore(%run_scoped3A : memref<!tpu.dma_semaphore, #tpu.memory_space<semaphore_mem>>) src(%dma_wait3A_6 : memref<256xi32, #tpu.memory_space<hbm>>) dst(%arg5 : memref<256xi32, #tpu.memory_space<vmem>>)
      tpu.yield
    }) : () -> ()
    "tpu.region"() ({
      %run_scoped3A = tpu.sem_alloc : memref<!tpu.dma_semaphore, #tpu.memory_space<semaphore_mem>>
      %dma_start3A = arith.constant 0 : i32
      %dma_start3A_5 = arith.constant 0 : i32
      %dma_start3A_6 = tpu.memref_slice %arg2[%dma_start3A, %dma_start3A_5] : memref<10000x128xf32, #tpu.memory_space<hbm>> -> memref<10000x128xf32, #tpu.memory_space<hbm>>
      tpu.enqueue_indirect_dma source(%dma_start3A_6 : memref<10000x128xf32, #tpu.memory_space<hbm>>) target(%arg6 : memref<256x128xf32, #tpu.memory_space<vmem>>) offsets(%arg5 : memref<256xi32, #tpu.memory_space<vmem>>) semaphore(%run_scoped3A : memref<!tpu.dma_semaphore, #tpu.memory_space<semaphore_mem>>)
      %dma_wait3A = arith.constant 0 : i32
      %dma_wait3A_7 = arith.constant 0 : i32
      %dma_wait3A_8 = tpu.memref_slice %arg2[%dma_wait3A, %dma_wait3A_7] : memref<10000x128xf32, #tpu.memory_space<hbm>> -> memref<10000x128xf32, #tpu.memory_space<hbm>>
      tpu.wait_indirect_dma semaphore(%run_scoped3A : memref<!tpu.dma_semaphore, #tpu.memory_space<semaphore_mem>>) src(%dma_wait3A_8 : memref<10000x128xf32, #tpu.memory_space<hbm>>) dst(%arg6 : memref<256x128xf32, #tpu.memory_space<vmem>>)
      tpu.yield
    }) : () -> ()
    %mul3A_3 = arith.constant 256 : i32
    %mul3A_4 = arith.muli %add3A, %mul3A_3 : i32
    "tpu.region"() ({
      %run_scoped3A = tpu.sem_alloc : memref<!tpu.dma_semaphore, #tpu.memory_space<semaphore_mem>>
      %dma_start3A = arith.constant 0 : i32
      %dma_start3A_5 = tpu.memref_slice %arg4[%mul3A_4, %dma_start3A] : memref<8192x128xf32, #tpu.memory_space<hbm>> -> memref<256x128xf32, #tpu.memory_space<hbm>>
      %dma_start3A_6 = arith.constant 0 : i32
      %dma_start3A_7 = tpu.memref_slice %arg4[%mul3A_4, %dma_start3A_6] : memref<8192x128xf32, #tpu.memory_space<hbm>> -> memref<256x128xf32, #tpu.memory_space<hbm>>
      tpu.enqueue_dma source(%arg6 : memref<256x128xf32, #tpu.memory_space<vmem>>) target(%dma_start3A_7 : memref<256x128xf32, #tpu.memory_space<hbm>>) target_semaphore(%run_scoped3A : memref<!tpu.dma_semaphore, #tpu.memory_space<semaphore_mem>>)
      %dma_wait3A = arith.constant 0 : i32
      %dma_wait3A_8 = tpu.memref_slice %arg4[%mul3A_4, %dma_wait3A] : memref<8192x128xf32, #tpu.memory_space<hbm>> -> memref<256x128xf32, #tpu.memory_space<hbm>>
      %dma_wait3A_9 = arith.constant 0 : i32
      %dma_wait3A_10 = tpu.memref_slice %arg4[%mul3A_4, %dma_wait3A_9] : memref<8192x128xf32, #tpu.memory_space<hbm>> -> memref<256x128xf32, #tpu.memory_space<hbm>>
      tpu.wait_dma2 semaphore(%run_scoped3A : memref<!tpu.dma_semaphore, #tpu.memory_space<semaphore_mem>>) src(%arg6 : memref<256x128xf32, #tpu.memory_space<vmem>>) dst(%dma_wait3A_10 : memref<256x128xf32, #tpu.memory_space<hbm>>)
      tpu.yield
    }) : () -> ()
    return
  }
}

module attributes {stable_mosaic.version = 14 : i64} {
  func.func @_tc1_body(%arg0: i32, %arg1: memref<2000x128xf32, #tpu.memory_space<vmem>>, %arg2: memref<128x256xf32, #tpu.memory_space<vmem>>, %arg3: memref<2000x128xf32, #tpu.memory_space<vmem>>, %arg4: memref<2000x128xf32, #tpu.memory_space<vmem>>, %arg5: memref<2000x128xf32, #tpu.memory_space<vmem>>, %arg6: memref<2000x128xf32, #tpu.memory_space<vmem>>) attributes {dimension_semantics = [#tpu.dimension_semantics<arbitrary>], iteration_bounds = array<i64: 10>, scalar_prefetch = 0 : i64, scratch_operands = 0 : i64, tpu.core_type = #tpu.core_type<tc>, window_params = [{transform_indices = @transform_0, window_bounds = array<i64: 2000, 128>}, {pipeline_mode = #tpu.pipeline_mode<synchronous>, transform_indices = @transform_1, window_bounds = array<i64: 128, 256>}, {transform_indices = @transform_2, window_bounds = array<i64: 2000, 128>}, {transform_indices = @transform_3, window_bounds = array<i64: 2000, 128>}, {transform_indices = @transform_4, window_bounds = array<i64: 2000, 128>}, {transform_indices = @transform_5, window_bounds = array<i64: 2000, 128>}]} {
    %get3A = arith.constant 0 : index
    %get3A_0 = arith.constant 0 : index
    %get3A_1 = vector.load %arg1[%get3A, %get3A_0] : memref<2000x128xf32, #tpu.memory_space<vmem>>, vector<2000x128xf32>
    %get3A_2 = arith.constant 0 : index
    %get3A_3 = arith.constant 0 : index
    %get3A_4 = vector.load %arg2[%get3A_2, %get3A_3] : memref<128x256xf32, #tpu.memory_space<vmem>>, vector<128x256xf32>
    %dot_general3A = arith.constant dense<0.000000e+00> : vector<2000x256xf32>
    %dot_general3A_5 = tpu.matmul %get3A_1, %get3A_4, %dot_general3A {dimension_numbers = #tpu.dot_dimension_numbers<[1], [0], [0], [1], [0, 0, 1, 1], [], []>, transpose_lhs_hint = false} : vector<2000x128xf32>, vector<128x256xf32>, vector<2000x256xf32> -> vector<2000x256xf32>
    %slice3A = vector.extract_strided_slice %dot_general3A_5 {offsets = [0, 0], sizes = [2000, 128], strides = [1, 1]} : vector<2000x256xf32> to vector<2000x128xf32>
    %get3A_6 = arith.constant 0 : index
    %get3A_7 = arith.constant 0 : index
    %get3A_8 = vector.load %arg3[%get3A_6, %get3A_7] : memref<2000x128xf32, #tpu.memory_space<vmem>>, vector<2000x128xf32>
    %slice3A_9 = vector.extract_strided_slice %get3A_8 {offsets = [0, 0], sizes = [2000, 1], strides = [1, 1]} : vector<2000x128xf32> to vector<2000x1xf32>
    %add3A = arith.constant 1.000000e+00 : f32
    %add3A_10 = vector.broadcast %add3A : f32 to vector<2000x1xf32>
    %add3A_11 = arith.addf %add3A_10, %slice3A_9 : vector<2000x1xf32>
    %rsqrt3A = math.rsqrt %add3A_11 : vector<2000x1xf32>
    %mul3A = vector.broadcast %rsqrt3A : vector<2000x1xf32> to vector<2000x128xf32>
    %mul3A_12 = arith.mulf %slice3A, %mul3A : vector<2000x128xf32>
    %swap3A = arith.constant 0 : index
    %swap3A_13 = arith.constant 0 : index
    %swap3A_14 = vector.load %arg5[%swap3A, %swap3A_13] : memref<2000x128xf32, #tpu.memory_space<vmem>>, vector<2000x128xf32>
    tpu.vector_store %arg5[%swap3A, %swap3A_13], %mul3A_12 {strides = array<i32>} : memref<2000x128xf32, #tpu.memory_space<vmem>>, vector<2000x128xf32>,
    %slice3A_15 = vector.extract_strided_slice %dot_general3A_5 {offsets = [0, 128], sizes = [2000, 128], strides = [1, 1]} : vector<2000x256xf32> to vector<2000x128xf32>
    %get3A_16 = arith.constant 0 : index
    %get3A_17 = arith.constant 0 : index
    %get3A_18 = vector.load %arg4[%get3A_16, %get3A_17] : memref<2000x128xf32, #tpu.memory_space<vmem>>, vector<2000x128xf32>
    %slice3A_19 = vector.extract_strided_slice %get3A_18 {offsets = [0, 0], sizes = [2000, 1], strides = [1, 1]} : vector<2000x128xf32> to vector<2000x1xf32>
    %add3A_20 = arith.constant 1.000000e+00 : f32
    %add3A_21 = vector.broadcast %add3A_20 : f32 to vector<2000x1xf32>
    %add3A_22 = arith.addf %add3A_21, %slice3A_19 : vector<2000x1xf32>
    %rsqrt3A_23 = math.rsqrt %add3A_22 : vector<2000x1xf32>
    %mul3A_24 = vector.broadcast %rsqrt3A_23 : vector<2000x1xf32> to vector<2000x128xf32>
    %mul3A_25 = arith.mulf %slice3A_15, %mul3A_24 : vector<2000x128xf32>
    %swap3A_26 = arith.constant 0 : index
    %swap3A_27 = arith.constant 0 : index
    %swap3A_28 = vector.load %arg6[%swap3A_26, %swap3A_27] : memref<2000x128xf32, #tpu.memory_space<vmem>>, vector<2000x128xf32>
    tpu.vector_store %arg6[%swap3A_26, %swap3A_27], %mul3A_25 {strides = array<i32>} : memref<2000x128xf32, #tpu.memory_space<vmem>>, vector<2000x128xf32>,
    return
  }
  func.func @transform_0(%arg0: i32) -> (i32, i32) {
    %c0_i32 = arith.constant 0 : i32
    %c0_i32_0 = arith.constant 0 : i32
    return %arg0, %c0_i32 : i32, i32
  }
  func.func @transform_1(%arg0: i32) -> (i32, i32) {
    %c0_i32 = arith.constant 0 : i32
    %c0_i32_0 = arith.constant 0 : i32
    %c0_i32_1 = arith.constant 0 : i32
    return %c0_i32, %c0_i32_0 : i32, i32
  }
  func.func @transform_2(%arg0: i32) -> (i32, i32) {
    %jit3A = arith.constant 5 : i32
    %eq3A = arith.constant 0 : i32
    %eq3A_0 = arith.cmpi eq, %jit3A, %eq3A : i32
    %jit3A_1 = arith.constant 1 : i32
    %select_n3A = arith.select %eq3A_0, %jit3A_1, %jit3A : i32
    %rem3A = arith.remsi %arg0, %select_n3A : i32
    %ne3A = arith.constant 0 : i32
    %ne3A_2 = arith.cmpi ne, %rem3A, %ne3A : i32
    %lt3A = arith.constant 0 : i32
    %lt3A_3 = arith.cmpi slt, %rem3A, %lt3A : i32
    %lt3A_4 = arith.constant 0 : i32
    %lt3A_5 = arith.cmpi slt, %select_n3A, %lt3A_4 : i32
    %ne3A_6 = arith.xori %lt3A_3, %lt3A_5 : i1
    %and3A = arith.andi %ne3A_6, %ne3A_2 : i1
    %add3A = arith.addi %rem3A, %select_n3A : i32
    %select_n3A_7 = arith.select %and3A, %add3A, %rem3A : i32
    %c0_i32 = arith.constant 0 : i32
    %c0_i32_8 = arith.constant 0 : i32
    return %select_n3A_7, %c0_i32 : i32, i32
  }
  func.func @transform_3(%arg0: i32) -> (i32, i32) {
    %jit3A = arith.constant 5 : i32
    %eq3A = arith.constant 0 : i32
    %eq3A_0 = arith.cmpi eq, %jit3A, %eq3A : i32
    %jit3A_1 = arith.constant 1 : i32
    %select_n3A = arith.select %eq3A_0, %jit3A_1, %jit3A : i32
    %rem3A = arith.remsi %arg0, %select_n3A : i32
    %ne3A = arith.constant 0 : i32
    %ne3A_2 = arith.cmpi ne, %rem3A, %ne3A : i32
    %lt3A = arith.constant 0 : i32
    %lt3A_3 = arith.cmpi slt, %rem3A, %lt3A : i32
    %lt3A_4 = arith.constant 0 : i32
    %lt3A_5 = arith.cmpi slt, %select_n3A, %lt3A_4 : i32
    %ne3A_6 = arith.xori %lt3A_3, %lt3A_5 : i1
    %and3A = arith.andi %ne3A_6, %ne3A_2 : i1
    %add3A = arith.addi %rem3A, %select_n3A : i32
    %select_n3A_7 = arith.select %and3A, %add3A, %rem3A : i32
    %add3A_8 = arith.constant 5 : i32
    %add3A_9 = arith.addi %add3A_8, %select_n3A_7 : i32
    %c0_i32 = arith.constant 0 : i32
    %c0_i32_10 = arith.constant 0 : i32
    return %add3A_9, %c0_i32 : i32, i32
  }
  func.func @transform_4(%arg0: i32) -> (i32, i32) {
    %c0_i32 = arith.constant 0 : i32
    %c0_i32_0 = arith.constant 0 : i32
    return %arg0, %c0_i32 : i32, i32
  }
  func.func @transform_5(%arg0: i32) -> (i32, i32) {
    %c0_i32 = arith.constant 0 : i32
    %c0_i32_0 = arith.constant 0 : i32
    return %arg0, %c0_i32 : i32, i32
  }
}

module attributes {stable_mosaic.version = 14 : i64} {
  func.func @_tc2_body(%arg0: i32, %arg1: memref<2000x128xf32, #tpu.memory_space<vmem>>, %arg2: memref<2000x128xf32, #tpu.memory_space<vmem>>, %arg3: memref<2000x128xf32, #tpu.memory_space<vmem>>, %arg4: memref<2000x128xf32, #tpu.memory_space<vmem>>, %arg5: memref<2000x128xf32, #tpu.memory_space<vmem>>, %arg6: memref<2000x128xf32, #tpu.memory_space<vmem>>, %arg7: memref<1x256xf32, #tpu.memory_space<vmem>>, %arg8: memref<256x128xf32, #tpu.memory_space<vmem>>, %arg9: memref<2000x128xf32, #tpu.memory_space<vmem>>, %arg10: memref<2000x128xf32, #tpu.memory_space<vmem>>) attributes {dimension_semantics = [#tpu.dimension_semantics<arbitrary>], iteration_bounds = array<i64: 5>, scalar_prefetch = 0 : i64, scratch_operands = 0 : i64, tpu.core_type = #tpu.core_type<tc>, window_params = [{transform_indices = @transform_0, window_bounds = array<i64: 2000, 128>}, {transform_indices = @transform_1, window_bounds = array<i64: 2000, 128>}, {transform_indices = @transform_2, window_bounds = array<i64: 2000, 128>}, {transform_indices = @transform_3, window_bounds = array<i64: 2000, 128>}, {transform_indices = @transform_4, window_bounds = array<i64: 2000, 128>}, {transform_indices = @transform_5, window_bounds = array<i64: 2000, 128>}, {pipeline_mode = #tpu.pipeline_mode<synchronous>, transform_indices = @transform_6, window_bounds = array<i64: 1, 256>}, {pipeline_mode = #tpu.pipeline_mode<synchronous>, transform_indices = @transform_7, window_bounds = array<i64: 256, 128>}, {transform_indices = @transform_8, window_bounds = array<i64: 2000, 128>}, {transform_indices = @transform_9, window_bounds = array<i64: 2000, 128>}]} {
    %get3A = arith.constant 0 : index
    %get3A_0 = arith.constant 0 : index
    %get3A_1 = vector.load %arg5[%get3A, %get3A_0] : memref<2000x128xf32, #tpu.memory_space<vmem>>, vector<2000x128xf32>
    %slice3A = vector.extract_strided_slice %get3A_1 {offsets = [0, 0], sizes = [2000, 1], strides = [1, 1]} : vector<2000x128xf32> to vector<2000x1xf32>
    %add3A = arith.constant 1.000000e+00 : f32
    %add3A_2 = vector.broadcast %add3A : f32 to vector<2000x1xf32>
    %add3A_3 = arith.addf %add3A_2, %slice3A : vector<2000x1xf32>
    %rsqrt3A = math.rsqrt %add3A_3 : vector<2000x1xf32>
    %get3A_4 = arith.constant 0 : index
    %get3A_5 = arith.constant 0 : index
    %get3A_6 = vector.load %arg6[%get3A_4, %get3A_5] : memref<2000x128xf32, #tpu.memory_space<vmem>>, vector<2000x128xf32>
    %slice3A_7 = vector.extract_strided_slice %get3A_6 {offsets = [0, 0], sizes = [2000, 1], strides = [1, 1]} : vector<2000x128xf32> to vector<2000x1xf32>
    %add3A_8 = arith.constant 1.000000e+00 : f32
    %add3A_9 = vector.broadcast %add3A_8 : f32 to vector<2000x1xf32>
    %add3A_10 = arith.addf %add3A_9, %slice3A_7 : vector<2000x1xf32>
    %rsqrt3A_11 = math.rsqrt %add3A_10 : vector<2000x1xf32>
    %get3A_12 = arith.constant 0 : index
    %get3A_13 = arith.constant 0 : index
    %get3A_14 = vector.load %arg1[%get3A_12, %get3A_13] : memref<2000x128xf32, #tpu.memory_space<vmem>>, vector<2000x128xf32>
    %mul3A = vector.broadcast %rsqrt3A : vector<2000x1xf32> to vector<2000x128xf32>
    %mul3A_15 = arith.mulf %get3A_14, %mul3A : vector<2000x128xf32>
    %get3A_16 = arith.constant 0 : index
    %get3A_17 = arith.constant 0 : index
    %get3A_18 = vector.load %arg7[%get3A_16, %get3A_17] : memref<1x256xf32, #tpu.memory_space<vmem>>, vector<1x256xf32>
    %slice3A_19 = vector.extract_strided_slice %get3A_18 {offsets = [0, 0], sizes = [1, 128], strides = [1, 1]} : vector<1x256xf32> to vector<1x128xf32>
    %add3A_20 = vector.broadcast %slice3A_19 : vector<1x128xf32> to vector<2000x128xf32>
    %add3A_21 = arith.addf %mul3A_15, %add3A_20 : vector<2000x128xf32>
    %max3A = arith.constant 0.000000e+00 : f32
    %max3A_22 = vector.broadcast %max3A : f32 to vector<2000x128xf32>
    %max3A_23 = arith.maximumf %add3A_21, %max3A_22 : vector<2000x128xf32>
    %get3A_24 = arith.constant 0 : index
    %get3A_25 = arith.constant 0 : index
    %get3A_26 = vector.load %arg3[%get3A_24, %get3A_25] : memref<2000x128xf32, #tpu.memory_space<vmem>>, vector<2000x128xf32>
    %mul3A_27 = vector.broadcast %rsqrt3A_11 : vector<2000x1xf32> to vector<2000x128xf32>
    %mul3A_28 = arith.mulf %get3A_26, %mul3A_27 : vector<2000x128xf32>
    %get3A_29 = arith.constant 0 : index
    %get3A_30 = arith.constant 0 : index
    %get3A_31 = vector.load %arg7[%get3A_29, %get3A_30] : memref<1x256xf32, #tpu.memory_space<vmem>>, vector<1x256xf32>
    %slice3A_32 = vector.extract_strided_slice %get3A_31 {offsets = [0, 128], sizes = [1, 128], strides = [1, 1]} : vector<1x256xf32> to vector<1x128xf32>
    %add3A_33 = vector.broadcast %slice3A_32 : vector<1x128xf32> to vector<2000x128xf32>
    %add3A_34 = arith.addf %mul3A_28, %add3A_33 : vector<2000x128xf32>
    %max3A_35 = arith.constant 0.000000e+00 : f32
    %max3A_36 = vector.broadcast %max3A_35 : f32 to vector<2000x128xf32>
    %max3A_37 = arith.maximumf %add3A_34, %max3A_36 : vector<2000x128xf32>
    %concatenate3A = tpu.concatenate %max3A_23, %max3A_37 in 1 : vector<2000x128xf32>, vector<2000x128xf32> -> vector<2000x256xf32>
    %get3A_38 = arith.constant 0 : index
    %get3A_39 = arith.constant 0 : index
    %get3A_40 = vector.load %arg8[%get3A_38, %get3A_39] : memref<256x128xf32, #tpu.memory_space<vmem>>, vector<256x128xf32>
    %dot_general3A = arith.constant dense<0.000000e+00> : vector<2000x128xf32>
    %dot_general3A_41 = tpu.matmul %concatenate3A, %get3A_40, %dot_general3A {dimension_numbers = #tpu.dot_dimension_numbers<[1], [0], [0], [1], [0, 0, 1, 1], [], []>, transpose_lhs_hint = false} : vector<2000x256xf32>, vector<256x128xf32>, vector<2000x128xf32> -> vector<2000x128xf32>
    %get3A_42 = arith.constant 0 : index
    %get3A_43 = arith.constant 0 : index
    %get3A_44 = vector.load %arg2[%get3A_42, %get3A_43] : memref<2000x128xf32, #tpu.memory_space<vmem>>, vector<2000x128xf32>
    %mul3A_45 = vector.broadcast %rsqrt3A : vector<2000x1xf32> to vector<2000x128xf32>
    %mul3A_46 = arith.mulf %get3A_44, %mul3A_45 : vector<2000x128xf32>
    %get3A_47 = arith.constant 0 : index
    %get3A_48 = arith.constant 0 : index
    %get3A_49 = vector.load %arg7[%get3A_47, %get3A_48] : memref<1x256xf32, #tpu.memory_space<vmem>>, vector<1x256xf32>
    %slice3A_50 = vector.extract_strided_slice %get3A_49 {offsets = [0, 0], sizes = [1, 128], strides = [1, 1]} : vector<1x256xf32> to vector<1x128xf32>
    %add3A_51 = vector.broadcast %slice3A_50 : vector<1x128xf32> to vector<2000x128xf32>
    %add3A_52 = arith.addf %mul3A_46, %add3A_51 : vector<2000x128xf32>
    %max3A_53 = arith.constant 0.000000e+00 : f32
    %max3A_54 = vector.broadcast %max3A_53 : f32 to vector<2000x128xf32>
    %max3A_55 = arith.maximumf %add3A_52, %max3A_54 : vector<2000x128xf32>
    %get3A_56 = arith.constant 0 : index
    %get3A_57 = arith.constant 0 : index
    %get3A_58 = vector.load %arg4[%get3A_56, %get3A_57] : memref<2000x128xf32, #tpu.memory_space<vmem>>, vector<2000x128xf32>
    %mul3A_59 = vector.broadcast %rsqrt3A_11 : vector<2000x1xf32> to vector<2000x128xf32>
    %mul3A_60 = arith.mulf %get3A_58, %mul3A_59 : vector<2000x128xf32>
    %get3A_61 = arith.constant 0 : index
    %get3A_62 = arith.constant 0 : index
    %get3A_63 = vector.load %arg7[%get3A_61, %get3A_62] : memref<1x256xf32, #tpu.memory_space<vmem>>, vector<1x256xf32>
    %slice3A_64 = vector.extract_strided_slice %get3A_63 {offsets = [0, 128], sizes = [1, 128], strides = [1, 1]} : vector<1x256xf32> to vector<1x128xf32>
    %add3A_65 = vector.broadcast %slice3A_64 : vector<1x128xf32> to vector<2000x128xf32>
    %add3A_66 = arith.addf %mul3A_60, %add3A_65 : vector<2000x128xf32>
    %max3A_67 = arith.constant 0.000000e+00 : f32
    %max3A_68 = vector.broadcast %max3A_67 : f32 to vector<2000x128xf32>
    %max3A_69 = arith.maximumf %add3A_66, %max3A_68 : vector<2000x128xf32>
    %concatenate3A_70 = tpu.concatenate %max3A_55, %max3A_69 in 1 : vector<2000x128xf32>, vector<2000x128xf32> -> vector<2000x256xf32>
    %get3A_71 = arith.constant 0 : index
    %get3A_72 = arith.constant 0 : index
    %get3A_73 = vector.load %arg8[%get3A_71, %get3A_72] : memref<256x128xf32, #tpu.memory_space<vmem>>, vector<256x128xf32>
    %dot_general3A_74 = arith.constant dense<0.000000e+00> : vector<2000x128xf32>
    %dot_general3A_75 = tpu.matmul %concatenate3A_70, %get3A_73, %dot_general3A_74 {dimension_numbers = #tpu.dot_dimension_numbers<[1], [0], [0], [1], [0, 0, 1, 1], [], []>, transpose_lhs_hint = false} : vector<2000x256xf32>, vector<256x128xf32>, vector<2000x128xf32> -> vector<2000x128xf32>
    %slice3A_76 = vector.extract_strided_slice %dot_general3A_41 {offsets = [0, 0], sizes = [2000, 64], strides = [1, 1]} : vector<2000x128xf32> to vector<2000x64xf32>
    %mul3A_77 = vector.broadcast %rsqrt3A : vector<2000x1xf32> to vector<2000x64xf32>
    %mul3A_78 = arith.mulf %slice3A_76, %mul3A_77 : vector<2000x64xf32>
    %slice3A_79 = vector.extract_strided_slice %dot_general3A_75 {offsets = [0, 0], sizes = [2000, 64], strides = [1, 1]} : vector<2000x128xf32> to vector<2000x64xf32>
    %mul3A_80 = vector.broadcast %rsqrt3A : vector<2000x1xf32> to vector<2000x64xf32>
    %mul3A_81 = arith.mulf %slice3A_79, %mul3A_80 : vector<2000x64xf32>
    %concatenate3A_82 = tpu.concatenate %mul3A_78, %mul3A_81 in 1 : vector<2000x64xf32>, vector<2000x64xf32> -> vector<2000x128xf32>
    %swap3A = arith.constant 0 : index
    %swap3A_83 = arith.constant 0 : index
    %swap3A_84 = vector.load %arg9[%swap3A, %swap3A_83] : memref<2000x128xf32, #tpu.memory_space<vmem>>, vector<2000x128xf32>
    tpu.vector_store %arg9[%swap3A, %swap3A_83], %concatenate3A_82 {strides = array<i32>} : memref<2000x128xf32, #tpu.memory_space<vmem>>, vector<2000x128xf32>,
    %slice3A_85 = vector.extract_strided_slice %dot_general3A_41 {offsets = [0, 64], sizes = [2000, 64], strides = [1, 1]} : vector<2000x128xf32> to vector<2000x64xf32>
    %mul3A_86 = vector.broadcast %rsqrt3A_11 : vector<2000x1xf32> to vector<2000x64xf32>
    %mul3A_87 = arith.mulf %slice3A_85, %mul3A_86 : vector<2000x64xf32>
    %slice3A_88 = vector.extract_strided_slice %dot_general3A_75 {offsets = [0, 64], sizes = [2000, 64], strides = [1, 1]} : vector<2000x128xf32> to vector<2000x64xf32>
    %mul3A_89 = vector.broadcast %rsqrt3A_11 : vector<2000x1xf32> to vector<2000x64xf32>
    %mul3A_90 = arith.mulf %slice3A_88, %mul3A_89 : vector<2000x64xf32>
    %concatenate3A_91 = tpu.concatenate %mul3A_87, %mul3A_90 in 1 : vector<2000x64xf32>, vector<2000x64xf32> -> vector<2000x128xf32>
    %swap3A_92 = arith.constant 0 : index
    %swap3A_93 = arith.constant 0 : index
    %swap3A_94 = vector.load %arg10[%swap3A_92, %swap3A_93] : memref<2000x128xf32, #tpu.memory_space<vmem>>, vector<2000x128xf32>
    tpu.vector_store %arg10[%swap3A_92, %swap3A_93], %concatenate3A_91 {strides = array<i32>} : memref<2000x128xf32, #tpu.memory_space<vmem>>, vector<2000x128xf32>,
    return
  }
  func.func @transform_0(%arg0: i32) -> (i32, i32) {
    %c0_i32 = arith.constant 0 : i32
    %c0_i32_0 = arith.constant 0 : i32
    return %arg0, %c0_i32 : i32, i32
  }
  func.func @transform_1(%arg0: i32) -> (i32, i32) {
    %add3A = arith.constant 5 : i32
    %add3A_0 = arith.addi %add3A, %arg0 : i32
    %c0_i32 = arith.constant 0 : i32
    %c0_i32_1 = arith.constant 0 : i32
    return %add3A_0, %c0_i32 : i32, i32
  }
  func.func @transform_2(%arg0: i32) -> (i32, i32) {
    %c0_i32 = arith.constant 0 : i32
    %c0_i32_0 = arith.constant 0 : i32
    return %arg0, %c0_i32 : i32, i32
  }
  func.func @transform_3(%arg0: i32) -> (i32, i32) {
    %add3A = arith.constant 5 : i32
    %add3A_0 = arith.addi %add3A, %arg0 : i32
    %c0_i32 = arith.constant 0 : i32
    %c0_i32_1 = arith.constant 0 : i32
    return %add3A_0, %c0_i32 : i32, i32
  }
  func.func @transform_4(%arg0: i32) -> (i32, i32) {
    %c0_i32 = arith.constant 0 : i32
    %c0_i32_0 = arith.constant 0 : i32
    return %arg0, %c0_i32 : i32, i32
  }
  func.func @transform_5(%arg0: i32) -> (i32, i32) {
    %add3A = arith.constant 5 : i32
    %add3A_0 = arith.addi %add3A, %arg0 : i32
    %c0_i32 = arith.constant 0 : i32
    %c0_i32_1 = arith.constant 0 : i32
    return %add3A_0, %c0_i32 : i32, i32
  }
  func.func @transform_6(%arg0: i32) -> (i32, i32) {
    %c0_i32 = arith.constant 0 : i32
    %c0_i32_0 = arith.constant 0 : i32
    %c0_i32_1 = arith.constant 0 : i32
    return %c0_i32, %c0_i32_0 : i32, i32
  }
  func.func @transform_7(%arg0: i32) -> (i32, i32) {
    %c0_i32 = arith.constant 0 : i32
    %c0_i32_0 = arith.constant 0 : i32
    %c0_i32_1 = arith.constant 0 : i32
    return %c0_i32, %c0_i32_0 : i32, i32
  }
  func.func @transform_8(%arg0: i32) -> (i32, i32) {
    %c0_i32 = arith.constant 0 : i32
    %c0_i32_0 = arith.constant 0 : i32
    return %arg0, %c0_i32 : i32, i32
  }
  func.func @transform_9(%arg0: i32) -> (i32, i32) {
    %c0_i32 = arith.constant 0 : i32
    %c0_i32_0 = arith.constant 0 : i32
    return %arg0, %c0_i32 : i32, i32
  }
}

module attributes {stable_mosaic.version = 14 : i64} {
  func.func @_tc3_body(%arg0: i32, %arg1: memref<2000x128xf32, #tpu.memory_space<vmem>>, %arg2: memref<2000x128xf32, #tpu.memory_space<vmem>>, %arg3: memref<2000x128xf32, #tpu.memory_space<vmem>>, %arg4: memref<2000x128xf32, #tpu.memory_space<vmem>>, %arg5: memref<1x128xf32, #tpu.memory_space<vmem>>, %arg6: memref<2000x128xf32, #tpu.memory_space<vmem>>, %arg7: memref<2000x128xf32, #tpu.memory_space<vmem>>, %arg8: memref<1x1x128xf32, #tpu.memory_space<vmem>>, %arg9: memref<1x1x128xf32, #tpu.memory_space<vmem>>) attributes {dimension_semantics = [#tpu.dimension_semantics<arbitrary>], iteration_bounds = array<i64: 5>, scalar_prefetch = 0 : i64, scratch_operands = 0 : i64, tpu.core_type = #tpu.core_type<tc>, window_params = [{transform_indices = @transform_0, window_bounds = array<i64: 2000, 128>}, {transform_indices = @transform_1, window_bounds = array<i64: 2000, 128>}, {transform_indices = @transform_2, window_bounds = array<i64: 2000, 128>}, {transform_indices = @transform_3, window_bounds = array<i64: 2000, 128>}, {pipeline_mode = #tpu.pipeline_mode<synchronous>, transform_indices = @transform_4, window_bounds = array<i64: 1, 128>}, {transform_indices = @transform_5, window_bounds = array<i64: 2000, 128>}, {transform_indices = @transform_6, window_bounds = array<i64: 2000, 128>}, {transform_indices = @transform_7, window_bounds = array<i64: 1, 1, 128>}, {transform_indices = @transform_8, window_bounds = array<i64: 1, 1, 128>}]} {
    %get3A = arith.constant 0 : index
    %get3A_0 = arith.constant 0 : index
    %get3A_1 = vector.load %arg3[%get3A, %get3A_0] : memref<2000x128xf32, #tpu.memory_space<vmem>>, vector<2000x128xf32>
    %slice3A = vector.extract_strided_slice %get3A_1 {offsets = [0, 0], sizes = [2000, 1], strides = [1, 1]} : vector<2000x128xf32> to vector<2000x1xf32>
    %add3A = arith.constant 1.000000e+00 : f32
    %add3A_2 = vector.broadcast %add3A : f32 to vector<2000x1xf32>
    %add3A_3 = arith.addf %add3A_2, %slice3A : vector<2000x1xf32>
    %rsqrt3A = math.rsqrt %add3A_3 : vector<2000x1xf32>
    %get3A_4 = arith.constant 0 : index
    %get3A_5 = arith.constant 0 : index
    %get3A_6 = vector.load %arg4[%get3A_4, %get3A_5] : memref<2000x128xf32, #tpu.memory_space<vmem>>, vector<2000x128xf32>
    %slice3A_7 = vector.extract_strided_slice %get3A_6 {offsets = [0, 0], sizes = [2000, 1], strides = [1, 1]} : vector<2000x128xf32> to vector<2000x1xf32>
    %add3A_8 = arith.constant 1.000000e+00 : f32
    %add3A_9 = vector.broadcast %add3A_8 : f32 to vector<2000x1xf32>
    %add3A_10 = arith.addf %add3A_9, %slice3A_7 : vector<2000x1xf32>
    %rsqrt3A_11 = math.rsqrt %add3A_10 : vector<2000x1xf32>
    %get3A_12 = arith.constant 0 : index
    %get3A_13 = arith.constant 0 : index
    %get3A_14 = vector.load %arg1[%get3A_12, %get3A_13] : memref<2000x128xf32, #tpu.memory_space<vmem>>, vector<2000x128xf32>
    %get3A_15 = arith.constant 0 : index
    %get3A_16 = arith.constant 0 : index
    %get3A_17 = vector.load %arg2[%get3A_15, %get3A_16] : memref<2000x128xf32, #tpu.memory_space<vmem>>, vector<2000x128xf32>
    %slice3A_18 = vector.extract_strided_slice %get3A_14 {offsets = [0, 0], sizes = [2000, 64], strides = [1, 1]} : vector<2000x128xf32> to vector<2000x64xf32>
    %mul3A = vector.broadcast %rsqrt3A : vector<2000x1xf32> to vector<2000x64xf32>
    %mul3A_19 = arith.mulf %slice3A_18, %mul3A : vector<2000x64xf32>
    %get3A_20 = arith.constant 0 : index
    %get3A_21 = arith.constant 0 : index
    %get3A_22 = vector.load %arg5[%get3A_20, %get3A_21] : memref<1x128xf32, #tpu.memory_space<vmem>>, vector<1x128xf32>
    %slice3A_23 = vector.extract_strided_slice %get3A_22 {offsets = [0, 0], sizes = [1, 64], strides = [1, 1]} : vector<1x128xf32> to vector<1x64xf32>
    %add3A_24 = vector.broadcast %slice3A_23 : vector<1x64xf32> to vector<2000x64xf32>
    %add3A_25 = arith.addf %mul3A_19, %add3A_24 : vector<2000x64xf32>
    %slice3A_26 = vector.extract_strided_slice %get3A_17 {offsets = [0, 0], sizes = [2000, 64], strides = [1, 1]} : vector<2000x128xf32> to vector<2000x64xf32>
    %mul3A_27 = vector.broadcast %rsqrt3A_11 : vector<2000x1xf32> to vector<2000x64xf32>
    %mul3A_28 = arith.mulf %slice3A_26, %mul3A_27 : vector<2000x64xf32>
    %get3A_29 = arith.constant 0 : index
    %get3A_30 = arith.constant 0 : index
    %get3A_31 = vector.load %arg5[%get3A_29, %get3A_30] : memref<1x128xf32, #tpu.memory_space<vmem>>, vector<1x128xf32>
    %slice3A_32 = vector.extract_strided_slice %get3A_31 {offsets = [0, 64], sizes = [1, 64], strides = [1, 1]} : vector<1x128xf32> to vector<1x64xf32>
    %add3A_33 = vector.broadcast %slice3A_32 : vector<1x64xf32> to vector<2000x64xf32>
    %add3A_34 = arith.addf %mul3A_28, %add3A_33 : vector<2000x64xf32>
    %concatenate3A = tpu.concatenate %add3A_25, %add3A_34 in 1 : vector<2000x64xf32>, vector<2000x64xf32> -> vector<2000x128xf32>
    %slice3A_35 = vector.extract_strided_slice %get3A_14 {offsets = [0, 64], sizes = [2000, 64], strides = [1, 1]} : vector<2000x128xf32> to vector<2000x64xf32>
    %mul3A_36 = vector.broadcast %rsqrt3A : vector<2000x1xf32> to vector<2000x64xf32>
    %mul3A_37 = arith.mulf %slice3A_35, %mul3A_36 : vector<2000x64xf32>
    %get3A_38 = arith.constant 0 : index
    %get3A_39 = arith.constant 0 : index
    %get3A_40 = vector.load %arg5[%get3A_38, %get3A_39] : memref<1x128xf32, #tpu.memory_space<vmem>>, vector<1x128xf32>
    %slice3A_41 = vector.extract_strided_slice %get3A_40 {offsets = [0, 0], sizes = [1, 64], strides = [1, 1]} : vector<1x128xf32> to vector<1x64xf32>
    %add3A_42 = vector.broadcast %slice3A_41 : vector<1x64xf32> to vector<2000x64xf32>
    %add3A_43 = arith.addf %mul3A_37, %add3A_42 : vector<2000x64xf32>
    %slice3A_44 = vector.extract_strided_slice %get3A_17 {offsets = [0, 64], sizes = [2000, 64], strides = [1, 1]} : vector<2000x128xf32> to vector<2000x64xf32>
    %mul3A_45 = vector.broadcast %rsqrt3A_11 : vector<2000x1xf32> to vector<2000x64xf32>
    %mul3A_46 = arith.mulf %slice3A_44, %mul3A_45 : vector<2000x64xf32>
    %get3A_47 = arith.constant 0 : index
    %get3A_48 = arith.constant 0 : index
    %get3A_49 = vector.load %arg5[%get3A_47, %get3A_48] : memref<1x128xf32, #tpu.memory_space<vmem>>, vector<1x128xf32>
    %slice3A_50 = vector.extract_strided_slice %get3A_49 {offsets = [0, 64], sizes = [1, 64], strides = [1, 1]} : vector<1x128xf32> to vector<1x64xf32>
    %add3A_51 = vector.broadcast %slice3A_50 : vector<1x64xf32> to vector<2000x64xf32>
    %add3A_52 = arith.addf %mul3A_46, %add3A_51 : vector<2000x64xf32>
    %concatenate3A_53 = tpu.concatenate %add3A_43, %add3A_52 in 1 : vector<2000x64xf32>, vector<2000x64xf32> -> vector<2000x128xf32>
    %swap3A = arith.constant 0 : index
    %swap3A_54 = arith.constant 0 : index
    %swap3A_55 = vector.load %arg6[%swap3A, %swap3A_54] : memref<2000x128xf32, #tpu.memory_space<vmem>>, vector<2000x128xf32>
    tpu.vector_store %arg6[%swap3A, %swap3A_54], %concatenate3A {strides = array<i32>} : memref<2000x128xf32, #tpu.memory_space<vmem>>, vector<2000x128xf32>,
    %swap3A_56 = arith.constant 0 : index
    %swap3A_57 = arith.constant 0 : index
    %swap3A_58 = vector.load %arg7[%swap3A_56, %swap3A_57] : memref<2000x128xf32, #tpu.memory_space<vmem>>, vector<2000x128xf32>
    tpu.vector_store %arg7[%swap3A_56, %swap3A_57], %concatenate3A_53 {strides = array<i32>} : memref<2000x128xf32, #tpu.memory_space<vmem>>, vector<2000x128xf32>,
    %reduce_sum3A = arith.constant dense<0.000000e+00> : vector<128xf32>
    %reduce_sum3A_59 = vector.multi_reduction <add>, %concatenate3A, %reduce_sum3A [0] : vector<2000x128xf32> to vector<128xf32>
    %broadcast_in_dim3A = vector.shape_cast %reduce_sum3A_59 : vector<128xf32> to vector<1x128xf32>
    %broadcast_in_dim3A_60 = vector.shape_cast %broadcast_in_dim3A : vector<1x128xf32> to vector<1x1x128xf32>
    %swap3A_61 = arith.constant 0 : index
    %swap3A_62 = arith.constant 0 : index
    %swap3A_63 = arith.constant 0 : index
    %swap3A_64 = vector.load %arg8[%swap3A_61, %swap3A_62, %swap3A_63] : memref<1x1x128xf32, #tpu.memory_space<vmem>>, vector<1x1x128xf32>
    tpu.vector_store %arg8[%swap3A_61, %swap3A_62, %swap3A_63], %broadcast_in_dim3A_60 {strides = array<i32>} : memref<1x1x128xf32, #tpu.memory_space<vmem>>, vector<1x1x128xf32>,
    %reduce_sum3A_65 = arith.constant dense<0.000000e+00> : vector<128xf32>
    %reduce_sum3A_66 = vector.multi_reduction <add>, %concatenate3A_53, %reduce_sum3A_65 [0] : vector<2000x128xf32> to vector<128xf32>
    %broadcast_in_dim3A_67 = vector.shape_cast %reduce_sum3A_66 : vector<128xf32> to vector<1x128xf32>
    %broadcast_in_dim3A_68 = vector.shape_cast %broadcast_in_dim3A_67 : vector<1x128xf32> to vector<1x1x128xf32>
    %swap3A_69 = arith.constant 0 : index
    %swap3A_70 = arith.constant 0 : index
    %swap3A_71 = arith.constant 0 : index
    %swap3A_72 = vector.load %arg9[%swap3A_69, %swap3A_70, %swap3A_71] : memref<1x1x128xf32, #tpu.memory_space<vmem>>, vector<1x1x128xf32>
    tpu.vector_store %arg9[%swap3A_69, %swap3A_70, %swap3A_71], %broadcast_in_dim3A_68 {strides = array<i32>} : memref<1x1x128xf32, #tpu.memory_space<vmem>>, vector<1x1x128xf32>,
    return
  }
  func.func @transform_0(%arg0: i32) -> (i32, i32) {
    %c0_i32 = arith.constant 0 : i32
    %c0_i32_0 = arith.constant 0 : i32
    return %arg0, %c0_i32 : i32, i32
  }
  func.func @transform_1(%arg0: i32) -> (i32, i32) {
    %add3A = arith.constant 5 : i32
    %add3A_0 = arith.addi %add3A, %arg0 : i32
    %c0_i32 = arith.constant 0 : i32
    %c0_i32_1 = arith.constant 0 : i32
    return %add3A_0, %c0_i32 : i32, i32
  }
  func.func @transform_2(%arg0: i32) -> (i32, i32) {
    %c0_i32 = arith.constant 0 : i32
    %c0_i32_0 = arith.constant 0 : i32
    return %arg0, %c0_i32 : i32, i32
  }
  func.func @transform_3(%arg0: i32) -> (i32, i32) {
    %add3A = arith.constant 5 : i32
    %add3A_0 = arith.addi %add3A, %arg0 : i32
    %c0_i32 = arith.constant 0 : i32
    %c0_i32_1 = arith.constant 0 : i32
    return %add3A_0, %c0_i32 : i32, i32
  }
  func.func @transform_4(%arg0: i32) -> (i32, i32) {
    %c0_i32 = arith.constant 0 : i32
    %c0_i32_0 = arith.constant 0 : i32
    %c0_i32_1 = arith.constant 0 : i32
    return %c0_i32, %c0_i32_0 : i32, i32
  }
  func.func @transform_5(%arg0: i32) -> (i32, i32) {
    %c0_i32 = arith.constant 0 : i32
    %c0_i32_0 = arith.constant 0 : i32
    return %arg0, %c0_i32 : i32, i32
  }
  func.func @transform_6(%arg0: i32) -> (i32, i32) {
    %c0_i32 = arith.constant 0 : i32
    %c0_i32_0 = arith.constant 0 : i32
    return %arg0, %c0_i32 : i32, i32
  }
  func.func @transform_7(%arg0: i32) -> (i32, i32, i32) {
    %c0_i32 = arith.constant 0 : i32
    %c0_i32_0 = arith.constant 0 : i32
    %c0_i32_1 = arith.constant 0 : i32
    return %arg0, %c0_i32, %c0_i32_0 : i32, i32, i32
  }
  func.func @transform_8(%arg0: i32) -> (i32, i32, i32) {
    %c0_i32 = arith.constant 0 : i32
    %c0_i32_0 = arith.constant 0 : i32
    %c0_i32_1 = arith.constant 0 : i32
    return %arg0, %c0_i32, %c0_i32_0 : i32, i32, i32
  }
}

module attributes {stable_mosaic.version = 14 : i64} {
  func.func @_tc4a_body(%arg0: i32, %arg1: memref<2000x128xf32, #tpu.memory_space<vmem>>, %arg2: memref<2000x128xf32, #tpu.memory_space<vmem>>, %arg3: memref<8x1x128xf32, #tpu.memory_space<vmem>>, %arg4: memref<8x1x128xf32, #tpu.memory_space<vmem>>, %arg5: memref<128x128xf32, #tpu.memory_space<vmem>>, %arg6: memref<1x1xf32, #tpu.memory_space<vmem>>, %arg7: memref<2000x1xf32, #tpu.memory_space<vmem>>, %arg8: memref<2000x1xf32, #tpu.memory_space<vmem>>, %arg9: memref<2000x1xf32, #tpu.memory_space<vmem>>, %arg10: memref<2000x1xf32, #tpu.memory_space<vmem>>) attributes {dimension_semantics = [#tpu.dimension_semantics<arbitrary>], iteration_bounds = array<i64: 5>, scalar_prefetch = 0 : i64, scratch_operands = 0 : i64, tpu.core_type = #tpu.core_type<tc>, window_params = [{transform_indices = @transform_0, window_bounds = array<i64: 2000, 128>}, {transform_indices = @transform_1, window_bounds = array<i64: 2000, 128>}, {pipeline_mode = #tpu.pipeline_mode<synchronous>, transform_indices = @transform_2, window_bounds = array<i64: 8, 1, 128>}, {pipeline_mode = #tpu.pipeline_mode<synchronous>, transform_indices = @transform_3, window_bounds = array<i64: 8, 1, 128>}, {pipeline_mode = #tpu.pipeline_mode<synchronous>, transform_indices = @transform_4, window_bounds = array<i64: 128, 128>}, {pipeline_mode = #tpu.pipeline_mode<synchronous>, transform_indices = @transform_5, window_bounds = array<i64: 1, 1>}, {transform_indices = @transform_6, window_bounds = array<i64: 2000, 1>}, {transform_indices = @transform_7, window_bounds = array<i64: 2000, 1>}, {transform_indices = @transform_8, window_bounds = array<i64: 2000, 1>}, {transform_indices = @transform_9, window_bounds = array<i64: 2000, 1>}]} {
    %get3A = arith.constant 0 : index
    %get3A_0 = arith.constant 0 : index
    %get3A_1 = arith.constant 0 : index
    %get3A_2 = vector.load %arg3[%get3A, %get3A_0, %get3A_1] : memref<8x1x128xf32, #tpu.memory_space<vmem>>, vector<8x1x128xf32>
    %slice3A = vector.extract_strided_slice %get3A_2 {offsets = [0, 0, 0], sizes = [5, 1, 128], strides = [1, 1, 1]} : vector<8x1x128xf32> to vector<5x1x128xf32>
    %squeeze3A = vector.shape_cast %slice3A : vector<5x1x128xf32> to vector<5x128xf32>
    %reduce_sum3A = arith.constant dense<0.000000e+00> : vector<128xf32>
    %reduce_sum3A_3 = vector.multi_reduction <add>, %squeeze3A, %reduce_sum3A [0] : vector<5x128xf32> to vector<128xf32>
    %broadcast_in_dim3A = vector.shape_cast %reduce_sum3A_3 : vector<128xf32> to vector<1x128xf32>
    %div3A = arith.constant 1.000000e+04 : f32
    %div3A_4 = vector.broadcast %div3A : f32 to vector<1x128xf32>
    %div3A_5 = arith.divf %broadcast_in_dim3A, %div3A_4 : vector<1x128xf32>
    %logistic3A = arith.negf %div3A_5 : vector<1x128xf32>
    %logistic3A_6 = math.exp %logistic3A : vector<1x128xf32>
    %logistic3A_7 = arith.constant 1.000000e+00 : f32
    %logistic3A_8 = vector.broadcast %logistic3A_7 : f32 to vector<1x128xf32>
    %logistic3A_9 = arith.addf %logistic3A_8, %logistic3A_6 : vector<1x128xf32>
    %logistic3A_10 = arith.divf %logistic3A_8, %logistic3A_9 : vector<1x128xf32>
    %get3A_11 = arith.constant 0 : index
    %get3A_12 = arith.constant 0 : index
    %get3A_13 = arith.constant 0 : index
    %get3A_14 = vector.load %arg4[%get3A_11, %get3A_12, %get3A_13] : memref<8x1x128xf32, #tpu.memory_space<vmem>>, vector<8x1x128xf32>
    %slice3A_15 = vector.extract_strided_slice %get3A_14 {offsets = [0, 0, 0], sizes = [5, 1, 128], strides = [1, 1, 1]} : vector<8x1x128xf32> to vector<5x1x128xf32>
    %squeeze3A_16 = vector.shape_cast %slice3A_15 : vector<5x1x128xf32> to vector<5x128xf32>
    %reduce_sum3A_17 = arith.constant dense<0.000000e+00> : vector<128xf32>
    %reduce_sum3A_18 = vector.multi_reduction <add>, %squeeze3A_16, %reduce_sum3A_17 [0] : vector<5x128xf32> to vector<128xf32>
    %broadcast_in_dim3A_19 = vector.shape_cast %reduce_sum3A_18 : vector<128xf32> to vector<1x128xf32>
    %div3A_20 = arith.constant 1.000000e+04 : f32
    %div3A_21 = vector.broadcast %div3A_20 : f32 to vector<1x128xf32>
    %div3A_22 = arith.divf %broadcast_in_dim3A_19, %div3A_21 : vector<1x128xf32>
    %logistic3A_23 = arith.negf %div3A_22 : vector<1x128xf32>
    %logistic3A_24 = math.exp %logistic3A_23 : vector<1x128xf32>
    %logistic3A_25 = arith.constant 1.000000e+00 : f32
    %logistic3A_26 = vector.broadcast %logistic3A_25 : f32 to vector<1x128xf32>
    %logistic3A_27 = arith.addf %logistic3A_26, %logistic3A_24 : vector<1x128xf32>
    %logistic3A_28 = arith.divf %logistic3A_26, %logistic3A_27 : vector<1x128xf32>
    %get3A_29 = arith.constant 0 : index
    %get3A_30 = arith.constant 0 : index
    %get3A_31 = vector.load %arg1[%get3A_29, %get3A_30] : memref<2000x128xf32, #tpu.memory_space<vmem>>, vector<2000x128xf32>
    %get3A_32 = arith.constant 0 : index
    %get3A_33 = arith.constant 0 : index
    %get3A_34 = vector.load %arg5[%get3A_32, %get3A_33] : memref<128x128xf32, #tpu.memory_space<vmem>>, vector<128x128xf32>
    %dot_general3A = arith.constant dense<0.000000e+00> : vector<2000x128xf32>
    %dot_general3A_35 = tpu.matmul %get3A_31, %get3A_34, %dot_general3A {dimension_numbers = #tpu.dot_dimension_numbers<[1], [0], [0], [1], [0, 0, 1, 1], [], []>, transpose_lhs_hint = false} : vector<2000x128xf32>, vector<128x128xf32>, vector<2000x128xf32> -> vector<2000x128xf32>
    %get3A_36 = arith.constant 0 : index
    %get3A_37 = arith.constant 0 : index
    %get3A_38 = vector.load %arg2[%get3A_36, %get3A_37] : memref<2000x128xf32, #tpu.memory_space<vmem>>, vector<2000x128xf32>
    %get3A_39 = arith.constant 0 : index
    %get3A_40 = arith.constant 0 : index
    %get3A_41 = vector.load %arg5[%get3A_39, %get3A_40] : memref<128x128xf32, #tpu.memory_space<vmem>>, vector<128x128xf32>
    %dot_general3A_42 = arith.constant dense<0.000000e+00> : vector<2000x128xf32>
    %dot_general3A_43 = tpu.matmul %get3A_38, %get3A_41, %dot_general3A_42 {dimension_numbers = #tpu.dot_dimension_numbers<[1], [0], [0], [1], [0, 0, 1, 1], [], []>, transpose_lhs_hint = false} : vector<2000x128xf32>, vector<128x128xf32>, vector<2000x128xf32> -> vector<2000x128xf32>
    %get3A_44 = arith.constant 0 : index
    %get3A_45 = arith.constant 0 : index
    %get3A_46 = vector.load %arg6[%get3A_44, %get3A_45] : memref<1x1xf32, #tpu.memory_space<vmem>>, vector<1x1xf32>
    %get3A_47 = vector.extract %get3A_46[0, 0] : f32 from vector<1x1xf32>
    %mul3A = vector.broadcast %logistic3A_10 : vector<1x128xf32> to vector<2000x128xf32>
    %mul3A_48 = arith.mulf %dot_general3A_35, %mul3A : vector<2000x128xf32>
    %reduce_sum3A_49 = arith.constant dense<0.000000e+00> : vector<2000xf32>
    %reduce_sum3A_50 = vector.multi_reduction <add>, %mul3A_48, %reduce_sum3A_49 [1] : vector<2000x128xf32> to vector<2000xf32>
    %broadcast_in_dim3A_51 = vector.shape_cast %reduce_sum3A_50 : vector<2000xf32> to vector<2000x1xf32>
    %add3A = vector.broadcast %get3A_47 : f32 to vector<2000x1xf32>
    %add3A_52 = arith.addf %broadcast_in_dim3A_51, %add3A : vector<2000x1xf32>
    %swap3A = arith.constant 0 : index
    %swap3A_53 = arith.constant 0 : index
    %swap3A_54 = vector.load %arg7[%swap3A, %swap3A_53] : memref<2000x1xf32, #tpu.memory_space<vmem>>, vector<2000x1xf32>
    tpu.vector_store %arg7[%swap3A, %swap3A_53], %add3A_52 {strides = array<i32>} : memref<2000x1xf32, #tpu.memory_space<vmem>>, vector<2000x1xf32>,
    %mul3A_55 = vector.broadcast %logistic3A_10 : vector<1x128xf32> to vector<2000x128xf32>
    %mul3A_56 = arith.mulf %dot_general3A_43, %mul3A_55 : vector<2000x128xf32>
    %reduce_sum3A_57 = arith.constant dense<0.000000e+00> : vector<2000xf32>
    %reduce_sum3A_58 = vector.multi_reduction <add>, %mul3A_56, %reduce_sum3A_57 [1] : vector<2000x128xf32> to vector<2000xf32>
    %broadcast_in_dim3A_59 = vector.shape_cast %reduce_sum3A_58 : vector<2000xf32> to vector<2000x1xf32>
    %add3A_60 = vector.broadcast %get3A_47 : f32 to vector<2000x1xf32>
    %add3A_61 = arith.addf %broadcast_in_dim3A_59, %add3A_60 : vector<2000x1xf32>
    %swap3A_62 = arith.constant 0 : index
    %swap3A_63 = arith.constant 0 : index
    %swap3A_64 = vector.load %arg8[%swap3A_62, %swap3A_63] : memref<2000x1xf32, #tpu.memory_space<vmem>>, vector<2000x1xf32>
    tpu.vector_store %arg8[%swap3A_62, %swap3A_63], %add3A_61 {strides = array<i32>} : memref<2000x1xf32, #tpu.memory_space<vmem>>, vector<2000x1xf32>,
    %mul3A_65 = vector.broadcast %logistic3A_28 : vector<1x128xf32> to vector<2000x128xf32>
    %mul3A_66 = arith.mulf %dot_general3A_35, %mul3A_65 : vector<2000x128xf32>
    %reduce_sum3A_67 = arith.constant dense<0.000000e+00> : vector<2000xf32>
    %reduce_sum3A_68 = vector.multi_reduction <add>, %mul3A_66, %reduce_sum3A_67 [1] : vector<2000x128xf32> to vector<2000xf32>
    %broadcast_in_dim3A_69 = vector.shape_cast %reduce_sum3A_68 : vector<2000xf32> to vector<2000x1xf32>
    %add3A_70 = vector.broadcast %get3A_47 : f32 to vector<2000x1xf32>
    %add3A_71 = arith.addf %broadcast_in_dim3A_69, %add3A_70 : vector<2000x1xf32>
    %swap3A_72 = arith.constant 0 : index
    %swap3A_73 = arith.constant 0 : index
    %swap3A_74 = vector.load %arg9[%swap3A_72, %swap3A_73] : memref<2000x1xf32, #tpu.memory_space<vmem>>, vector<2000x1xf32>
    tpu.vector_store %arg9[%swap3A_72, %swap3A_73], %add3A_71 {strides = array<i32>} : memref<2000x1xf32, #tpu.memory_space<vmem>>, vector<2000x1xf32>,
    %mul3A_75 = vector.broadcast %logistic3A_28 : vector<1x128xf32> to vector<2000x128xf32>
    %mul3A_76 = arith.mulf %dot_general3A_43, %mul3A_75 : vector<2000x128xf32>
    %reduce_sum3A_77 = arith.constant dense<0.000000e+00> : vector<2000xf32>
    %reduce_sum3A_78 = vector.multi_reduction <add>, %mul3A_76, %reduce_sum3A_77 [1] : vector<2000x128xf32> to vector<2000xf32>
    %broadcast_in_dim3A_79 = vector.shape_cast %reduce_sum3A_78 : vector<2000xf32> to vector<2000x1xf32>
    %add3A_80 = vector.broadcast %get3A_47 : f32 to vector<2000x1xf32>
    %add3A_81 = arith.addf %broadcast_in_dim3A_79, %add3A_80 : vector<2000x1xf32>
    %swap3A_82 = arith.constant 0 : index
    %swap3A_83 = arith.constant 0 : index
    %swap3A_84 = vector.load %arg10[%swap3A_82, %swap3A_83] : memref<2000x1xf32, #tpu.memory_space<vmem>>, vector<2000x1xf32>
    tpu.vector_store %arg10[%swap3A_82, %swap3A_83], %add3A_81 {strides = array<i32>} : memref<2000x1xf32, #tpu.memory_space<vmem>>, vector<2000x1xf32>,
    return
  }
  func.func @transform_0(%arg0: i32) -> (i32, i32) {
    %c0_i32 = arith.constant 0 : i32
    %c0_i32_0 = arith.constant 0 : i32
    return %arg0, %c0_i32 : i32, i32
  }
  func.func @transform_1(%arg0: i32) -> (i32, i32) {
    %c0_i32 = arith.constant 0 : i32
    %c0_i32_0 = arith.constant 0 : i32
    return %arg0, %c0_i32 : i32, i32
  }
  func.func @transform_2(%arg0: i32) -> (i32, i32, i32) {
    %c0_i32 = arith.constant 0 : i32
    %c0_i32_0 = arith.constant 0 : i32
    %c0_i32_1 = arith.constant 0 : i32
    %c0_i32_2 = arith.constant 0 : i32
    return %c0_i32, %c0_i32_0, %c0_i32_1 : i32, i32, i32
  }
  func.func @transform_3(%arg0: i32) -> (i32, i32, i32) {
    %c0_i32 = arith.constant 0 : i32
    %c0_i32_0 = arith.constant 0 : i32
    %c0_i32_1 = arith.constant 0 : i32
    %c0_i32_2 = arith.constant 0 : i32
    return %c0_i32, %c0_i32_0, %c0_i32_1 : i32, i32, i32
  }
  func.func @transform_4(%arg0: i32) -> (i32, i32) {
    %c0_i32 = arith.constant 0 : i32
    %c0_i32_0 = arith.constant 0 : i32
    %c0_i32_1 = arith.constant 0 : i32
    return %c0_i32, %c0_i32_0 : i32, i32
  }
  func.func @transform_5(%arg0: i32) -> (i32, i32) {
    %c0_i32 = arith.constant 0 : i32
    %c0_i32_0 = arith.constant 0 : i32
    %c0_i32_1 = arith.constant 0 : i32
    return %c0_i32, %c0_i32_0 : i32, i32
  }
  func.func @transform_6(%arg0: i32) -> (i32, i32) {
    %c0_i32 = arith.constant 0 : i32
    %c0_i32_0 = arith.constant 0 : i32
    return %arg0, %c0_i32 : i32, i32
  }
  func.func @transform_7(%arg0: i32) -> (i32, i32) {
    %c0_i32 = arith.constant 0 : i32
    %c0_i32_0 = arith.constant 0 : i32
    return %arg0, %c0_i32 : i32, i32
  }
  func.func @transform_8(%arg0: i32) -> (i32, i32) {
    %c0_i32 = arith.constant 0 : i32
    %c0_i32_0 = arith.constant 0 : i32
    return %arg0, %c0_i32 : i32, i32
  }
  func.func @transform_9(%arg0: i32) -> (i32, i32) {
    %c0_i32 = arith.constant 0 : i32
    %c0_i32_0 = arith.constant 0 : i32
    return %arg0, %c0_i32 : i32, i32
  }
}

module attributes {stable_mosaic.version = 14 : i64} {
  func.func @_tc4b_body(%arg0: i32, %arg1: memref<4096x128xf32, #tpu.memory_space<vmem>>, %arg2: memref<4096x128xf32, #tpu.memory_space<vmem>>, %arg3: memref<512x128xf32, #tpu.memory_space<vmem>>, %arg4: memref<1x128xf32, #tpu.memory_space<vmem>>, %arg5: memref<128x1xf32, #tpu.memory_space<vmem>>, %arg6: memref<1x1xf32, #tpu.memory_space<vmem>>, %arg7: memref<4096x1xf32, #tpu.memory_space<vmem>>) attributes {dimension_semantics = [#tpu.dimension_semantics<arbitrary>], iteration_bounds = array<i64: 1>, scalar_prefetch = 0 : i64, scratch_operands = 0 : i64, tpu.core_type = #tpu.core_type<tc>, window_params = [{transform_indices = @transform_0, window_bounds = array<i64: 4096, 128>}, {transform_indices = @transform_1, window_bounds = array<i64: 4096, 128>}, {pipeline_mode = #tpu.pipeline_mode<synchronous>, transform_indices = @transform_2, window_bounds = array<i64: 512, 128>}, {pipeline_mode = #tpu.pipeline_mode<synchronous>, transform_indices = @transform_3, window_bounds = array<i64: 1, 128>}, {pipeline_mode = #tpu.pipeline_mode<synchronous>, transform_indices = @transform_4, window_bounds = array<i64: 128, 1>}, {pipeline_mode = #tpu.pipeline_mode<synchronous>, transform_indices = @transform_5, window_bounds = array<i64: 1, 1>}, {pipeline_mode = #tpu.pipeline_mode<synchronous>, transform_indices = @transform_6, window_bounds = array<i64: 4096, 1>}]} {
    %get3A = arith.constant 0 : index
    %get3A_0 = arith.constant 0 : index
    %get3A_1 = vector.load %arg1[%get3A, %get3A_0] : memref<4096x128xf32, #tpu.memory_space<vmem>>, vector<4096x128xf32>
    %get3A_2 = arith.constant 0 : index
    %get3A_3 = arith.constant 0 : index
    %get3A_4 = vector.load %arg2[%get3A_2, %get3A_3] : memref<4096x128xf32, #tpu.memory_space<vmem>>, vector<4096x128xf32>
    %add3A = arith.addf %get3A_1, %get3A_4 : vector<4096x128xf32>
    %mul3A = arith.mulf %get3A_1, %get3A_4 : vector<4096x128xf32>
    %concatenate3A = tpu.concatenate %add3A, %mul3A, %get3A_1, %get3A_4 in 1 : vector<4096x128xf32>, vector<4096x128xf32>, vector<4096x128xf32>, vector<4096x128xf32> -> vector<4096x512xf32>
    %get3A_5 = arith.constant 0 : index
    %get3A_6 = arith.constant 0 : index
    %get3A_7 = vector.load %arg3[%get3A_5, %get3A_6] : memref<512x128xf32, #tpu.memory_space<vmem>>, vector<512x128xf32>
    %dot_general3A = arith.constant dense<0.000000e+00> : vector<4096x128xf32>
    %dot_general3A_8 = tpu.matmul %concatenate3A, %get3A_7, %dot_general3A {dimension_numbers = #tpu.dot_dimension_numbers<[1], [0], [0], [1], [0, 0, 1, 1], [], []>, transpose_lhs_hint = false} : vector<4096x512xf32>, vector<512x128xf32>, vector<4096x128xf32> -> vector<4096x128xf32>
    %get3A_9 = arith.constant 0 : index
    %get3A_10 = arith.constant 0 : index
    %get3A_11 = vector.load %arg4[%get3A_9, %get3A_10] : memref<1x128xf32, #tpu.memory_space<vmem>>, vector<1x128xf32>
    %add3A_12 = vector.broadcast %get3A_11 : vector<1x128xf32> to vector<4096x128xf32>
    %add3A_13 = arith.addf %dot_general3A_8, %add3A_12 : vector<4096x128xf32>
    %max3A = arith.constant 0.000000e+00 : f32
    %max3A_14 = vector.broadcast %max3A : f32 to vector<4096x128xf32>
    %max3A_15 = arith.maximumf %add3A_13, %max3A_14 : vector<4096x128xf32>
    %get3A_16 = arith.constant 0 : index
    %get3A_17 = arith.constant 0 : index
    %get3A_18 = vector.load %arg5[%get3A_16, %get3A_17] : memref<128x1xf32, #tpu.memory_space<vmem>>, vector<128x1xf32>
    %dot_general3A_19 = arith.constant dense<0.000000e+00> : vector<4096x1xf32>
    %dot_general3A_20 = tpu.matmul %max3A_15, %get3A_18, %dot_general3A_19 {dimension_numbers = #tpu.dot_dimension_numbers<[1], [0], [0], [1], [0, 0, 1, 1], [], []>, transpose_lhs_hint = false} : vector<4096x128xf32>, vector<128x1xf32>, vector<4096x1xf32> -> vector<4096x1xf32>
    %get3A_21 = arith.constant 0 : index
    %get3A_22 = arith.constant 0 : index
    %get3A_23 = vector.load %arg6[%get3A_21, %get3A_22] : memref<1x1xf32, #tpu.memory_space<vmem>>, vector<1x1xf32>
    %get3A_24 = vector.extract %get3A_23[0, 0] : f32 from vector<1x1xf32>
    %add3A_25 = vector.broadcast %get3A_24 : f32 to vector<4096x1xf32>
    %add3A_26 = arith.addf %dot_general3A_20, %add3A_25 : vector<4096x1xf32>
    %swap3A = arith.constant 0 : index
    %swap3A_27 = arith.constant 0 : index
    %swap3A_28 = vector.load %arg7[%swap3A, %swap3A_27] : memref<4096x1xf32, #tpu.memory_space<vmem>>, vector<4096x1xf32>
    tpu.vector_store %arg7[%swap3A, %swap3A_27], %add3A_26 {strides = array<i32>} : memref<4096x1xf32, #tpu.memory_space<vmem>>, vector<4096x1xf32>,
    return
  }
  func.func @transform_0(%arg0: i32) -> (i32, i32) {
    %c0_i32 = arith.constant 0 : i32
    %c0_i32_0 = arith.constant 0 : i32
    %c0_i32_1 = arith.constant 0 : i32
    return %c0_i32, %c0_i32_0 : i32, i32
  }
  func.func @transform_1(%arg0: i32) -> (i32, i32) {
    %c1_i32 = arith.constant 1 : i32
    %c0_i32 = arith.constant 0 : i32
    %c0_i32_0 = arith.constant 0 : i32
    return %c1_i32, %c0_i32 : i32, i32
  }
  func.func @transform_2(%arg0: i32) -> (i32, i32) {
    %c0_i32 = arith.constant 0 : i32
    %c0_i32_0 = arith.constant 0 : i32
    %c0_i32_1 = arith.constant 0 : i32
    return %c0_i32, %c0_i32_0 : i32, i32
  }
  func.func @transform_3(%arg0: i32) -> (i32, i32) {
    %c0_i32 = arith.constant 0 : i32
    %c0_i32_0 = arith.constant 0 : i32
    %c0_i32_1 = arith.constant 0 : i32
    return %c0_i32, %c0_i32_0 : i32, i32
  }
  func.func @transform_4(%arg0: i32) -> (i32, i32) {
    %c0_i32 = arith.constant 0 : i32
    %c0_i32_0 = arith.constant 0 : i32
    %c0_i32_1 = arith.constant 0 : i32
    return %c0_i32, %c0_i32_0 : i32, i32
  }
  func.func @transform_5(%arg0: i32) -> (i32, i32) {
    %c0_i32 = arith.constant 0 : i32
    %c0_i32_0 = arith.constant 0 : i32
    %c0_i32_1 = arith.constant 0 : i32
    return %c0_i32, %c0_i32_0 : i32, i32
  }
  func.func @transform_6(%arg0: i32) -> (i32, i32) {
    %c0_i32 = arith.constant 0 : i32
    %c0_i32_0 = arith.constant 0 : i32
    %c0_i32_1 = arith.constant 0 : i32
    return %c0_i32, %c0_i32_0 : i32, i32
  }
}

</mosaic_0001>

<sc_bundles>
// kernel: kernel.11.cloned.1.call-start
scs
__scs_entry_jumppad:
0x0: {  	(pc) =	sbr.rel $0x88, $3  }
0x1: {  	(tag) =	ssettag $0x0;
	lr =	simm.s32 $0x1  }
0x2: {  	[smem:$0x3F8E] =	sst lr;
	_ =	strace $0xD0000000  }
0x3: {  	_ = 	snop  }
0x4: {  	_ = 	snop  }
0x5: {  	_ = 	snop  }
0x6: {  	_ = 	snop  }
0x7: {  	_ = 	snop  }
__scs_overlays_trampoline_lowered:
0x8: {  	[smem:$0x3F9D] =	sst s0  }
0x9: {  	[smem:$0x3F9E] =	sst s1  }
0xa: {  	[smem:$0x3F9F] =	sst s2  }
0xb: {  	[smem:$0x3FA0] =	sst s3  }
0xc: {  	[smem:$0x3FA1] =	sst s4  }
0xd: {  	[smem:$0x3FA2] =	sst s5  }
0xe: {  	[smem:$0x3FA3] =	sst s6  }
0xf: {  	[smem:$0x3FA4] =	sst s7  }
0x10: {  	[smem:$0x3FA5] =	sst s8  }
0x11: {  	[smem:$0x3FA6] =	sst s9;
	s0 =	simm.s32 @!p0 $0x0  }
0x12: {  	s1 =	sld [smem:$0x3F8C];
	s0 =	simm.s32 @p0 $0x1  }
0x13: {  	[smem:$0x3FA7] =	sst s0;
	s0 =	simm.s32 @!p1 $0x0  }
0x14: {  	s2 =	sld [smem:$0x3F8B];
	s0 =	simm.s32 @p1 $0x1  }
0x15: {  	[smem:$0x3FA8] =	sst s0;
	s0 =	simm.s32 @!p2 $0x0  }
0x16: {  	s3 =	sld [smem:$0x3FDB];
	s0 =	simm.s32 @p2 $0x1  }
0x17: {  	s4 =	simm.s32 $0x1BF5;
	[smem:$0x3FAA] =	sst s0  }
0x18: {  	s0 =	sld [smem:$0x3F8D];
	_ =	swait.ge [sflag:s4], $0x0  }
0x19: {  	s7 =	sld [smem:$0x3F8E]  }
0x1a: {  	s8 =	sadd.s32 $0xFFFFE003, lr  }
0x1b: {  	s9 =	sadd.s32 $0xFFFFFEF7, lr;
	s5 =	simm.s32 $0xFFFFFFFF;
	p2 =	slt.u32 s8, $0xFFFFF086  }
0x1c: {  	p1 =	slt.u32 s9, $0xF7A;
	s5 =	simm.s32 @!p2 $0x0  }
0x1d: {  	s5 =	simm.s32 @p1 $0x1;
	p0 =	seq.s32 s7, s2  }
0x1e: {  	s7 =	smul.u32 @!p0 $0xF7A, s2;
	p2 =	seq.s32 @!p0 s5, $0x0  }
0x1f: {  	s9 =	smul.u32 $0xF7A, s1;
	s8 =	simm.s32 @!p0 $0x1BF5;
	p2 =	por !p2, p0  }
0x20: {  	[sflag:s8] =	ssyncset.s32 @!p0 $0xFFFFF086;
	s6 =	sadd.s32 @!p0 s3, s7;
	s7 =	simm.s32 @!p0 $0x108  }
0x21: {  	s3 =	sadd.s32 s3, s9;
	s6 =	sadd.s32 @!p0 $0x88, s6;
	s7 =	simm.s32 @p2 $0x1082  }
0x22: {  	[simem:s7], [sflag:s8] =	dma.local @!p0 [hbm:s6], $0xF7A  }
0x23: {  	s9 =	sor.u32 $0xD0000000, s2;
	s6 =	simm.s32 $0x108;
	_ =	swait.ge @!p0 [sflag:s8], $0x0  }
0x24: {  	s3 =	sadd.s32 $0x88, s3;
	s6 =	simm.s32 @!p1 $0x1082;
	[sflag:s4] =	ssyncset.s32 $0xFFFFF086  }
0x25: {  	[simem:s6], [sflag:s4] =	dma.local [hbm:s3], $0xF7A  }
0x26: {  	[smem:$0x3F8E] =	sst s1;
	(tag) =	ssettag s2;
	_ =	strace s9  }
0x27: {  	s1 =	sld [smem:$0x3F9E]  }
0x28: {  	s2 =	sld [smem:$0x3F9F]  }
0x29: {  	s4 =	sld [smem:$0x3FA1]  }
0x2a: {  	p0 =	seq.s32 s5, $0x0;
	s5 =	sld [smem:$0x3FA2]  }
0x2b: {  	s6 =	sld [smem:$0x3FA3]  }
0x2c: {  	s7 =	sld [smem:$0x3FA4]  }
0x2d: {  	s3 =	simm.s32 $0x108;
	s8 =	sld [smem:$0x3FA5]  }
0x2e: {  	s3 =	simm.s32 @!p0 $0x1082;
	s9 =	sld [smem:$0x3FA6]  }
0x2f: {  	lr =	sadd.s32 s0, s3;
	s0 =	sld [smem:$0x3F9D]  }
0x30: {  	s3 =	sld [smem:$0x3FA0]  }
0x31: {  	[smem:$0x3FA9] =	sst s10  }
0x32: {  	s10 =	sld [smem:$0x3FA7];
	_ =	sdelay $0x3  }
0x33: {  	p0 =	seq.s32 s10, $0x1;
	s10 =	sld [smem:$0x3FA9];
	_ =	sdelay $0x3  }
0x34: {  	[smem:$0x3FA9] =	sst s10  }
0x35: {  	s10 =	sld [smem:$0x3FA8];
	_ =	sdelay $0x3  }
0x36: {  	p1 =	seq.s32 s10, $0x1;
	s10 =	sld [smem:$0x3FA9];
	_ =	sdelay $0x3  }
0x37: {  	[smem:$0x3FA9] =	sst s10  }
0x38: {  	s10 =	sld [smem:$0x3FAA]  }
0x39: {  	_ = 	snop;
	(pc) =	sbr.ind lr, $3  }
0x3a: {  	_ = 	snop  }
0x3b: {  	_ = 	snop  }
0x3c: {  	p2 =	seq.s32 s10, $0x1;
	s10 =	sld [smem:$0x3FA9]  }
0x3d: {  	_ =	shalt  }
0x3e: {  	_ =	shalt  }
0x3f: {  	_ =	shalt  }
0x40: {  	_ =	shalt  }
0x41: {  	_ =	shalt  }
0x42: {  	_ =	shalt  }
0x43: {  	_ =	shalt  }
0x44: {  	_ =	shalt  }
0x45: {  	_ =	shalt  }
0x46: {  	_ =	shalt  }
0x47: {  	_ =	shalt  }
0x48: {  	_ =	shalt  }
0x49: {  	_ =	shalt  }
0x4a: {  	_ =	shalt  }
0x4b: {  	_ =	shalt  }
0x4c: {  	_ =	shalt  }
0x4d: {  	_ =	shalt  }
0x4e: {  	_ =	shalt  }
0x4f: {  	_ =	shalt  }
0x50: {  	_ =	shalt  }
0x51: {  	_ =	shalt  }
0x52: {  	_ =	shalt  }
0x53: {  	_ =	shalt  }
0x54: {  	_ =	shalt  }
0x55: {  	_ =	shalt  }
0x56: {  	_ =	shalt  }
0x57: {  	_ =	shalt  }
0x58: {  	_ =	shalt  }
0x59: {  	_ =	shalt  }
0x5a: {  	_ =	shalt  }
0x5b: {  	_ =	shalt  }
0x5c: {  	_ =	shalt  }
0x5d: {  	_ =	shalt  }
0x5e: {  	_ =	shalt  }
0x5f: {  	_ =	shalt  }
0x60: {  	_ =	shalt  }
0x61: {  	_ =	shalt  }
0x62: {  	_ =	shalt  }
0x63: {  	_ =	shalt  }
0x64: {  	_ =	shalt  }
0x65: {  	_ =	shalt  }
0x66: {  	_ =	shalt  }
0x67: {  	_ =	shalt  }
0x68: {  	_ =	shalt  }
0x69: {  	_ =	shalt  }
0x6a: {  	_ =	shalt  }
0x6b: {  	_ =	shalt  }
0x6c: {  	_ =	shalt  }
0x6d: {  	_ =	shalt  }
0x6e: {  	_ =	shalt  }
0x6f: {  	_ =	shalt  }
0x70: {  	_ =	shalt  }
0x71: {  	_ =	shalt  }
0x72: {  	_ =	shalt  }
0x73: {  	_ =	shalt  }
0x74: {  	_ =	shalt  }
0x75: {  	_ =	shalt  }
0x76: {  	_ =	shalt  }
0x77: {  	_ =	shalt  }
0x78: {  	_ =	shalt  }
0x79: {  	_ =	shalt  }
0x7a: {  	_ =	shalt  }
0x7b: {  	_ =	shalt  }
0x7c: {  	_ =	shalt  }
0x7d: {  	_ =	shalt  }
0x7e: {  	_ =	shalt  }
0x7f: {  	_ =	shalt  }
0x80: {  	_ =	shalt  }
0x81: {  	_ =	shalt  }
0x82: {  	_ =	shalt  }
0x83: {  	_ =	shalt  }
0x84: {  	_ =	shalt  }
0x85: {  	_ =	shalt  }
0x86: {  	_ =	shalt  }
0x87: {  	_ =	shalt  }
.Lfunc_end0:
.L_simem_size_0:
called_computation_lowered:
.L_overlay_start_0:
0x88: {  	s2 =	sld [smem:$0x3FD9]  }
0x89: {  	s3 =	sld [smem:$0x3FFE];
	_ =	sdelay $0x1  }
0x8a: {  	s1 =	srdreg.scid  }
0x8b: {  	s0 =	sand.u32 $0x1, s1  }
0x8c: {  	s14 =	sshll.u32 s0, $0xA;
	s2 =	sadd.s32 s3, s2  }
0x8d: {  	s2 =	sadd.s32 s2, s14  }
0x8e: {  	[smem:$0x3FB5] =	sst s2  }
0x8f: {  	_ = 	snop  }
0x90: {  	s2 =	sld [smem:$0x3FD0];
	_ =	sdelay $0x2  }
0x91: {  	s15 =	simm.s32 $0xA;
	s4 =	simm.s32 $0x10  }
0x92: {  	[smem:s4], [sflag:s15] =	dma.local [hbm:s2], $0x1  }
0x93: {  	_ =	swait.eq [sflag:s15], $0x1  }
0x94: {  	[sflag:s15] =	ssyncset.done $0x0  }
0x95: {  	s16 =	sld [smem:$0x12];
	[sflag:s15] =	ssyncadd.s32 $0xFFFFFFFF  }
0x96: {  	s17 =	sld [smem:$0x13];
	(tm) =	ssettm $0x1  }
0x97: {  	s18 =	sld [smem:$0x3FFB];
	_ =	sdelay $0x3  }
0x98: {  	_ =	strace s18  }
0x99: {  	s4 =	sld [smem:$0x3FFC];
	_ =	sdelay $0x3  }
0x9a: {  	_ =	strace s4  }
0x9b: {  	s4 =	sld [smem:$0x3FFD];
	_ =	sdelay $0x3  }
0x9c: {  	_ =	strace s4  }
0x9d: {  	_ =	strace $0x8FFFFFFF  }
0x9e: {  	s19 =	sld [smem:$0x3FDB];
	_ =	sdelay $0x1  }
0x9f: {  	s5 =	simm.s32 $_scs_section_size  }
0xa0: {  	s6 =	simm.s32 $_size__tile_overlayer_lowered;
	s7 =	simm.s32 $_tile_overlayer_lowered  }
0xa1: {  	s22 =	simm.s32 $0x1BFF;
	s21 =	sshll.u32 s7, $0x1;
	s4 =	sadd.s32 s5, s19  }
0xa2: {  	s8 =	simm.s32 $0x0;
	s20 =	sshll.u32 s6, $0x1;
	s6 =	sadd.s32 s21, s4  }
0xa3: {  	[timem:s8], [sflag:s22] =	dma.local [hbm:s6], s20  }
0xa4: {  	_ =	swait.ge [sflag:s22], s20  }
0xa5: {  	s5 =	ssub.s32 $0x0, s20;
	[sflag:s22] =	ssyncset.done $0x0  }
0xa6: {  	[sflag:s22] =	ssyncadd.s32 s5;
	_ =	sdelay $0x1  }
0xa7: {  	s23 =	simm.s32 $0x1B8B  }
0xa8: {  	_ =	swait.ge [sflag:s23], $0x1  }
0xa9: {  	[sflag:s23] =	ssyncset.done $0x0  }
0xaa: {  	s25 =	simm.s32 $0x1B8E;
	s24 =	sld [smem:$0x3FFE];
	[sflag:s23] =	ssyncadd.s32 $0xFFFFFFFF  }
0xab: {  	s26 =	simm.s32 $execute0_lowered;
	[smem:$0x3FD2] =	sst s25  }
0xac: {  	s6 =	sshll.u32 s26, $0x1;
	_ =	strace $0x80000046;
	[dreg:$0x1] =	wrdreg $0xFFFFFFFF  }
0xad: {  	s28 =	simm.s32 $_size_execute0_lowered;
	s4 =	sadd.s32 s4, s6;
	[dreg:$0x0] =	wrdreg $0x0  }
0xae: {  	s6 =	sshll.u32 s28, $0x1;
	[dreg:$0x2] =	wrdreg s4  }
0xaf: {  	[dreg:$0x3] =	wrdreg s6  }
0xb0: {  	[dreg:$0x4] =	wrdreg $0xC0  }
0xb1: {  	_ =	task [dreg:s8], $0x5FFFF  }
0xb2: {  	[dreg:$0x1] =	wrdreg $0xFFFFFFFF  }
0xb3: {  	[dreg:$0x0] =	wrdreg $0x60  }
0xb4: {  	[dreg:$0x2] =	wrdreg s17  }
0xb5: {  	[dreg:$0x3] =	wrdreg s16  }
0xb6: {  	[dreg:$0x4] =	wrdreg s24  }
0xb7: {  	[dreg:$0x5] =	wrdreg $0x68000  }
0xb8: {  	[dreg:$0x6] =	wrdreg $0x9  }
0xb9: {  	_ =	task.clear_ibuf [dreg:s8], $0x7FFFF;
	_ =	strace $0x90000046  }
0xba: {  	s29 =	simm.s32 $0x9;
	_ =	strace $0x80000048  }
0xbb: {  	_ =	swait.ge [sflag:s29], $0x1  }
0xbc: {  	[sflag:s29] =	ssyncadd.s32 $0xFFFFFFFF  }
0xbd: {  	_ =	strace $0x90000048  }
0xbe: {  	_ =	sfence  }
0xbf: {  	s30 =	sld [smem:$0x0];
	_ =	sdelay $0x2  }
0xc0: {  	s31 =	sshll.u32 s1, $0xD;
	s1 =	sshrl.u32 s1, $0x2  }
0xc1: {  	s3 =	sand.u32 $0x4000, s31;
	s1 =	sadd.s32 s1, s30  }
0xc2: {  	s0 =	sor.u32 s3, s0;
	s1 =	sshll.u32 s1, $0x11  }
0xc3: {  	s0 =	sor.u32 s1, s0  }
0xc4: {  	s0 =	sadd.s32 $0x8F2B, s0  }
0xc5: {  	[sflag:s0] =	ssyncadd.remote.s32 $0x1  }
0xc6: {  	_ =	sfence.sel $0xFFFF  }
0xc7: {  	[dreg:$0x0] =	wrdreg $0xFFFFFFFF;
	(pc) =	sbr.abs _section_cstart, $3  }
0xc8: {  	[dreg:$0x1] =	wrdreg $0xFFFFFFFF  }
0xc9: {  	_ =	task.clear_ibuf [dreg:s8], $0x2FFFF;
	_ =	strace $0x9FFFFFFF  }
0xca: {  	(tm) =	ssettm $0x7FFFFFFF  }
0xcb: {  	_ =	shalt  }
tec
execute0_lowered:
.L_overlay_start_1:
0x0: {  	(tag) =	ssettag $0x1  }
0x1: {  	s6 =	rddreg [dreg:$0x0]  }
0x2: {  	s1 =	rddreg [dreg:$0x1]  }
0x3: {  	s7 =	rddreg [dreg:$0x2]  }
0x4: {  	s2 =	rddreg [dreg:$0x3];
	s3 =	srdreg.scid  }
0x5: {  	s0 =	rddreg [dreg:$0x4];
	s8 =	sand.u32 $0x1, s3;
	s3 =	stileid.u32  }
0x6: {  	s4 =	simm.s32 $0x0;
	s17 =	simm.s32 $0x0;
	s10 =	smul.u32 $0x4F000, s3  }
0x7: {  	[smem:$0x7FF] =	sst s4;
	s14 =	sadd.s32 $0x128400, s2;
	s13 =	smul.u32 $0x27100, s8  }
0x8: {  	s5 =	sshll.u32 s8, $0x4;
	s11 =	ssub.s32 $0x2, s8;
	s8 =	smul.u32 $0x138800, s8  }
0x9: {  	s12 =	sadd.s32 $0x6800, s7;
	_ =	strace $0x80000047;
	s30 =	smul.u32 $0x2780, s3  }
0xa: {  	p0 =	seq.s32 s3, $0xF;
	s9 =	sor.u32 s3, s5;
	s5 =	sadd.s32 $0x4000, s7  }
0xb: {  	s26 =	sshrl.u32 s11, $0x1;
	s16 =	sshll.u32 @!p0 s3, $0x6;
	s9 =	smul.u32 $0x5000, s9  }
0xc: {  	s11 =	ssub.s32 s11, s26;
	s28 =	sshrl.u32 s10, $0x2;
	s8 =	sshrl.u32 s8, $0x3  }
0xd: {  	s15 =	sadd.s32 s28, s2;
	s31 =	sadd.s32 s12, s8;
	s10 =	smax.u32 s11, $0x1  }
0xe: {  	s11 =	simm.s32 $0x2800;
	s29 =	sshrl.u32 s9, $0x3;
	s9 =	sadd.s32 s30, s13  }
0xf: {  	s13 =	sshrl.u32 @p0 s14, $0x3;
	s14 =	sor.u32 @!p0 $0x1C01, s16;
	s15 =	sshrl.u32 @!p0 s15, $0x3  }
0x10: {  	s16 =	simm.s32 $0x80;
	s6 =	sadd.s32 s6, s29;
	s8 =	sadd.s32 s12, s9  }
0x11: {  	s9 =	sadd.s32 $0x25080, s31;
	s12 =	simm.s32 $0x1;
	s7 =	sadd.s32 $0x500, s6  }
.LBB2_1:
0x12: {  	[tilespmem:s11], [sflag:$0x1] =	stream.linear.gather [hbm4b:s1+s4], $0x4000, $0x38;
	[tilespmem:$0x1A0C0] =	vst v63  }
0x13: {  	_ =	swait.ge [sflag:s12], $0x4000  }
0x14: {  	[sflag:s12] =	ssyncset.done $0x0  }
0x15: {  	s18 =	simm.s32 @p0 $0x1FC1;
	[sflag:s12] =	ssyncadd.s32 $0xFFFFC000  }
0x16: {  	[spmem:s13], [sflag:s18] =	dma.local @p0 [hbm:s5], $0x2100  }
0x17: {  	s18 =	simm.s32 @p0 $0x1  }
0x18: {  	_ =	swait.ge @p0 [sflag:s18], $0x2100  }
0x19: {  	[sflag:s18] =	ssyncset.done @p0 $0x0  }
0x1a: {  	[sflag:s18] =	ssyncadd.s32 @p0 $0xFFFFDF00;
	s18 =	simm.s32 @!p0 $0x1  }
0x1b: {  	[spmem:s15], [sflag:s14] =	dma.local @!p0 [hbm:s5], $0x2780  }
0x1c: {  	_ =	swait.ge @!p0 [sflag:s18], $0x2780  }
0x1d: {  	[sflag:s18] =	ssyncset.done @!p0 $0x0  }
0x1e: {  	[sflag:s18] =	ssyncadd.s32 @!p0 $0xFFFFD880  }
0x1f: {  	[bflag:$0x0] =	sbarrier.arrive $0xFFFF  }
0x20: {  	[tilespmem:s4], [sflag:$0x1] =	stream.linear.gather [hbm4b:s6+s4], $0x2800, $0x38;
	[tilespmem:$0x1A0C0] =	vst v63  }
0x21: {  	_ =	swait.ge [sflag:s12], $0x2800  }
0x22: {  	[sflag:s12] =	ssyncset.done $0x0  }
0x23: {  	s31 =	simm.s32 $0x0;
	[sflag:s12] =	ssyncadd.s32 $0xFFFFD800  }
0x24: {  	[spmem:s2] =	stream.indirect.scatter.add.f32 [tilespmem:s11], [sflag:$0x1], $0x80, s31, s16, $0xb8;
	[tilespmem:$0x1A0C0] =	vst v63  }
0x25: {  	_ =	swait.ge [sflag:s12], $0x4000  }
0x26: {  	s18 =	simm.s32 $0x200;
	[sflag:s12] =	ssyncset.done $0x0  }
.LBB2_2:
0x27: {  	s19 =	sshra.s32 s18, $0x2;
	[sflag:s12] =	ssyncadd.s32 $0xFFFFC000;
	p1 =	sne.s32 s18, $0x9E00  }
0x28: {  	[spmem:s2] =	stream.indirect.scatter.add.f32 [tilespmem:s11], [sflag:$0x1], $0x80, s19, s16, $0xb8;
	[tilespmem:$0x1A0C0] =	vst v63  }
.Ltmp0:
0x29: {  	_ = 	snop;
	(pc) =	sbr.rel @p1 .LBB2_2-.Ltmp0, $4  }
0x2a: {  	_ = 	snop  }
0x2b: {  	s18 =	sadd.s32 $0x200, s18  }
0x2c: {  	_ =	swait.ge [sflag:s12], $0x4000  }
0x2d: {  	[sflag:s12] =	ssyncset.done $0x0  }
0x2e: {  	[sflag:s12] =	ssyncadd.s32 $0xFFFFC000;
	s18 =	simm.s32 $0x0  }
0x2f: {  	[tilespmem:s18], [sflag:$0x1] =	stream.linear.gather [hbm4b:s7+s18], $0x2800, $0x38;
	[tilespmem:$0x1A0C0] =	vst v63  }
0x30: {  	_ =	swait.ge [sflag:s12], $0x2800  }
0x31: {  	[sflag:s12] =	ssyncset.done $0x0  }
0x32: {  	s31 =	simm.s32 $0x0;
	[sflag:s12] =	ssyncadd.s32 $0xFFFFD800  }
0x33: {  	[spmem:s2] =	stream.indirect.scatter.add.f32 [tilespmem:s11], [sflag:$0x1], $0x80, s31, s16, $0xb8;
	[tilespmem:$0x1A0C0] =	vst v63  }
0x34: {  	_ =	swait.ge [sflag:s12], $0x4000  }
0x35: {  	s18 =	simm.s32 $0x200;
	[sflag:s12] =	ssyncset.done $0x0  }
.LBB2_4:
0x36: {  	s19 =	sshra.s32 s18, $0x2;
	[sflag:s12] =	ssyncadd.s32 $0xFFFFC000;
	p1 =	sne.s32 s18, $0x9E00  }
0x37: {  	[spmem:s2] =	stream.indirect.scatter.add.f32 [tilespmem:s11], [sflag:$0x1], $0x80, s19, s16, $0xb8;
	[tilespmem:$0x1A0C0] =	vst v63  }
.Ltmp1:
0x38: {  	_ = 	snop;
	(pc) =	sbr.rel @p1 .LBB2_4-.Ltmp1, $4  }
0x39: {  	_ = 	snop  }
0x3a: {  	s18 =	sadd.s32 $0x200, s18  }
0x3b: {  	_ =	swait.ge [sflag:s12], $0x4000  }
0x3c: {  	[sflag:s12] =	ssyncset.done $0x0  }
0x3d: {  	[sflag:s12] =	ssyncadd.s32 $0xFFFFC000  }
0x3e: {  	s18 =	simm.s32 @p0 $0x1FC1;
	[bflag:$0x0] =	sbarrier.arrive $0xFFFF  }
0x3f: {  	[hbm:s9], [sflag:s18] =	dma.local @p0 [spmem:s13], $0x2080  }
0x40: {  	s18 =	simm.s32 @p0 $0x1  }
0x41: {  	s17 =	sadd.s32 $0x1, s17;
	_ =	swait.ge @p0 [sflag:s18], $0x2080  }
0x42: {  	p1 =	sne.s32 s17, s10;
	[sflag:s18] =	ssyncset.done @p0 $0x0  }
.Ltmp2:
0x43: {  	[sflag:s18] =	ssyncadd.s32 @p0 $0xFFFFDF80;
	s18 =	simm.s32 @!p0 $0x1;
	(pc) =	sbr.rel @p1 .LBB2_1-.Ltmp2, $4  }
0x44: {  	[hbm:s8], [sflag:s14] =	dma.local @!p0 [spmem:s15], $0x2780  }
0x45: {  	_ =	swait.ge @!p0 [sflag:s18], $0x2780  }
0x46: {  	[sflag:s18] =	ssyncset.done @!p0 $0x0  }
0x47: {  	[sflag:s18] =	ssyncadd.s32 @!p0 $0xFFFFD880  }
0x48: {  	_ =	sfence.sel $0x180000  }
0x49: {  	[bflag:$0x0] =	sbarrier.arrive $0xFFFF  }
0x4a: {  	p0 =	sne.s32 s3, $0x0;
	_ =	strace $0x90000047  }
0x4b: {  	s0 =	sadd.s32 @!p0 $0x100000, s0;
	[bflag:$0x2] =	sbarrier.arrive $0xFFFF  }
0x4c: {  	[sflag:s0] =	ssyncadd.tile.s32 @!p0 $0x1;
	_ =	shalt  }
.Lfunc_end2:
_tile_overlayer_lowered:
.L_overlay_start_2:
0x4d: {  	(tag) =	ssettag $0x2  }
0x4e: {  	s0 =	rddreg [dreg:$0x0];
	s2 =	stileid.u32  }
0x4f: {  	s1 =	rddreg [dreg:$0x1];
	p0 =	sne.s32 s2, $0x0  }
0x50: {  	s3 =	rddreg [dreg:$0x2];
	[bflag:$0x3] =	sbarrier.arrive $0xFFFF;
	s2 =	simm.s32 @!p0 $0x1C01  }
0x51: {  	[timem:s3], [sflag:s2] =	dma.local @!p0 [hbm:s0], s1  }
0x52: {  	s0 =	simm.s32 @!p0 $0x1  }
0x53: {  	_ =	swait.ge @!p0 [sflag:s0], s1  }
0x54: {  	s1 =	ssub.s32 @!p0 $0x0, s1;
	[sflag:s0] =	ssyncset.done @!p0 $0x0  }
0x55: {  	[sflag:s0] =	ssyncadd.s32 @!p0 s1  }
0x56: {  	[bflag:$0x3] =	sbarrier.arrive $0xFFFF  }
0x57: {  	_ =	shalt  }

// kernel: kernel.14.cloned.1.call-start
scs
__scs_entry_jumppad:
0x0: {  	(pc) =	sbr.rel $0x88, $3  }
0x1: {  	(tag) =	ssettag $0x0;
	lr =	simm.s32 $0x1  }
0x2: {  	[smem:$0x3F8E] =	sst lr;
	_ =	strace $0xD0000000  }
0x3: {  	_ = 	snop  }
0x4: {  	_ = 	snop  }
0x5: {  	_ = 	snop  }
0x6: {  	_ = 	snop  }
0x7: {  	_ = 	snop  }
__scs_overlays_trampoline_lowered:
0x8: {  	[smem:$0x3F9D] =	sst s0  }
0x9: {  	[smem:$0x3F9E] =	sst s1  }
0xa: {  	[smem:$0x3F9F] =	sst s2  }
0xb: {  	[smem:$0x3FA0] =	sst s3  }
0xc: {  	[smem:$0x3FA1] =	sst s4  }
0xd: {  	[smem:$0x3FA2] =	sst s5  }
0xe: {  	[smem:$0x3FA3] =	sst s6  }
0xf: {  	[smem:$0x3FA4] =	sst s7  }
0x10: {  	[smem:$0x3FA5] =	sst s8  }
0x11: {  	[smem:$0x3FA6] =	sst s9;
	s0 =	simm.s32 @!p0 $0x0  }
0x12: {  	s1 =	sld [smem:$0x3F8C];
	s0 =	simm.s32 @p0 $0x1  }
0x13: {  	[smem:$0x3FA7] =	sst s0;
	s0 =	simm.s32 @!p1 $0x0  }
0x14: {  	s2 =	sld [smem:$0x3F8B];
	s0 =	simm.s32 @p1 $0x1  }
0x15: {  	[smem:$0x3FA8] =	sst s0;
	s0 =	simm.s32 @!p2 $0x0  }
0x16: {  	s3 =	sld [smem:$0x3FDB];
	s0 =	simm.s32 @p2 $0x1  }
0x17: {  	s4 =	simm.s32 $0x1BF5;
	[smem:$0x3FAA] =	sst s0  }
0x18: {  	s0 =	sld [smem:$0x3F8D];
	_ =	swait.ge [sflag:s4], $0x0  }
0x19: {  	s7 =	sld [smem:$0x3F8E]  }
0x1a: {  	s8 =	sadd.s32 $0xFFFFE003, lr  }
0x1b: {  	s9 =	sadd.s32 $0xFFFFFEF7, lr;
	s5 =	simm.s32 $0xFFFFFFFF;
	p2 =	slt.u32 s8, $0xFFFFF086  }
0x1c: {  	p1 =	slt.u32 s9, $0xF7A;
	s5 =	simm.s32 @!p2 $0x0  }
0x1d: {  	s5 =	simm.s32 @p1 $0x1;
	p0 =	seq.s32 s7, s2  }
0x1e: {  	s7 =	smul.u32 @!p0 $0xF7A, s2;
	p2 =	seq.s32 @!p0 s5, $0x0  }
0x1f: {  	s9 =	smul.u32 $0xF7A, s1;
	s8 =	simm.s32 @!p0 $0x1BF5;
	p2 =	por !p2, p0  }
0x20: {  	[sflag:s8] =	ssyncset.s32 @!p0 $0xFFFFF086;
	s6 =	sadd.s32 @!p0 s3, s7;
	s7 =	simm.s32 @!p0 $0x108  }
0x21: {  	s3 =	sadd.s32 s3, s9;
	s6 =	sadd.s32 @!p0 $0x88, s6;
	s7 =	simm.s32 @p2 $0x1082  }
0x22: {  	[simem:s7], [sflag:s8] =	dma.local @!p0 [hbm:s6], $0xF7A  }
0x23: {  	s9 =	sor.u32 $0xD0000000, s2;
	s6 =	simm.s32 $0x108;
	_ =	swait.ge @!p0 [sflag:s8], $0x0  }
0x24: {  	s3 =	sadd.s32 $0x88, s3;
	s6 =	simm.s32 @!p1 $0x1082;
	[sflag:s4] =	ssyncset.s32 $0xFFFFF086  }
0x25: {  	[simem:s6], [sflag:s4] =	dma.local [hbm:s3], $0xF7A  }
0x26: {  	[smem:$0x3F8E] =	sst s1;
	(tag) =	ssettag s2;
	_ =	strace s9  }
0x27: {  	s1 =	sld [smem:$0x3F9E]  }
0x28: {  	s2 =	sld [smem:$0x3F9F]  }
0x29: {  	s4 =	sld [smem:$0x3FA1]  }
0x2a: {  	p0 =	seq.s32 s5, $0x0;
	s5 =	sld [smem:$0x3FA2]  }
0x2b: {  	s6 =	sld [smem:$0x3FA3]  }
0x2c: {  	s7 =	sld [smem:$0x3FA4]  }
0x2d: {  	s3 =	simm.s32 $0x108;
	s8 =	sld [smem:$0x3FA5]  }
0x2e: {  	s3 =	simm.s32 @!p0 $0x1082;
	s9 =	sld [smem:$0x3FA6]  }
0x2f: {  	lr =	sadd.s32 s0, s3;
	s0 =	sld [smem:$0x3F9D]  }
0x30: {  	s3 =	sld [smem:$0x3FA0]  }
0x31: {  	[smem:$0x3FA9] =	sst s10  }
0x32: {  	s10 =	sld [smem:$0x3FA7];
	_ =	sdelay $0x3  }
0x33: {  	p0 =	seq.s32 s10, $0x1;
	s10 =	sld [smem:$0x3FA9];
	_ =	sdelay $0x3  }
0x34: {  	[smem:$0x3FA9] =	sst s10  }
0x35: {  	s10 =	sld [smem:$0x3FA8];
	_ =	sdelay $0x3  }
0x36: {  	p1 =	seq.s32 s10, $0x1;
	s10 =	sld [smem:$0x3FA9];
	_ =	sdelay $0x3  }
0x37: {  	[smem:$0x3FA9] =	sst s10  }
0x38: {  	s10 =	sld [smem:$0x3FAA]  }
0x39: {  	_ = 	snop;
	(pc) =	sbr.ind lr, $3  }
0x3a: {  	_ = 	snop  }
0x3b: {  	_ = 	snop  }
0x3c: {  	p2 =	seq.s32 s10, $0x1;
	s10 =	sld [smem:$0x3FA9]  }
0x3d: {  	_ =	shalt  }
0x3e: {  	_ =	shalt  }
0x3f: {  	_ =	shalt  }
0x40: {  	_ =	shalt  }
0x41: {  	_ =	shalt  }
0x42: {  	_ =	shalt  }
0x43: {  	_ =	shalt  }
0x44: {  	_ =	shalt  }
0x45: {  	_ =	shalt  }
0x46: {  	_ =	shalt  }
0x47: {  	_ =	shalt  }
0x48: {  	_ =	shalt  }
0x49: {  	_ =	shalt  }
0x4a: {  	_ =	shalt  }
0x4b: {  	_ =	shalt  }
0x4c: {  	_ =	shalt  }
0x4d: {  	_ =	shalt  }
0x4e: {  	_ =	shalt  }
0x4f: {  	_ =	shalt  }
0x50: {  	_ =	shalt  }
0x51: {  	_ =	shalt  }
0x52: {  	_ =	shalt  }
0x53: {  	_ =	shalt  }
0x54: {  	_ =	shalt  }
0x55: {  	_ =	shalt  }
0x56: {  	_ =	shalt  }
0x57: {  	_ =	shalt  }
0x58: {  	_ =	shalt  }
0x59: {  	_ =	shalt  }
0x5a: {  	_ =	shalt  }
0x5b: {  	_ =	shalt  }
0x5c: {  	_ =	shalt  }
0x5d: {  	_ =	shalt  }
0x5e: {  	_ =	shalt  }
0x5f: {  	_ =	shalt  }
0x60: {  	_ =	shalt  }
0x61: {  	_ =	shalt  }
0x62: {  	_ =	shalt  }
0x63: {  	_ =	shalt  }
0x64: {  	_ =	shalt  }
0x65: {  	_ =	shalt  }
0x66: {  	_ =	shalt  }
0x67: {  	_ =	shalt  }
0x68: {  	_ =	shalt  }
0x69: {  	_ =	shalt  }
0x6a: {  	_ =	shalt  }
0x6b: {  	_ =	shalt  }
0x6c: {  	_ =	shalt  }
0x6d: {  	_ =	shalt  }
0x6e: {  	_ =	shalt  }
0x6f: {  	_ =	shalt  }
0x70: {  	_ =	shalt  }
0x71: {  	_ =	shalt  }
0x72: {  	_ =	shalt  }
0x73: {  	_ =	shalt  }
0x74: {  	_ =	shalt  }
0x75: {  	_ =	shalt  }
0x76: {  	_ =	shalt  }
0x77: {  	_ =	shalt  }
0x78: {  	_ =	shalt  }
0x79: {  	_ =	shalt  }
0x7a: {  	_ =	shalt  }
0x7b: {  	_ =	shalt  }
0x7c: {  	_ =	shalt  }
0x7d: {  	_ =	shalt  }
0x7e: {  	_ =	shalt  }
0x7f: {  	_ =	shalt  }
0x80: {  	_ =	shalt  }
0x81: {  	_ =	shalt  }
0x82: {  	_ =	shalt  }
0x83: {  	_ =	shalt  }
0x84: {  	_ =	shalt  }
0x85: {  	_ =	shalt  }
0x86: {  	_ =	shalt  }
0x87: {  	_ =	shalt  }
.Lfunc_end0:
.L_simem_size_0:
called_computation.1_lowered:
.L_overlay_start_0:
0x88: {  	s2 =	sld [smem:$0x3FD9]  }
0x89: {  	s3 =	sld [smem:$0x3FFE];
	_ =	sdelay $0x1  }
0x8a: {  	s1 =	srdreg.scid  }
0x8b: {  	s0 =	sand.u32 $0x1, s1  }
0x8c: {  	s16 =	sshll.u32 s0, $0xA;
	s2 =	sadd.s32 s3, s2  }
0x8d: {  	s2 =	sadd.s32 s2, s16  }
0x8e: {  	[smem:$0x3FB5] =	sst s2  }
0x8f: {  	_ = 	snop  }
0x90: {  	(tm) =	ssettm $0x1  }
0x91: {  	s17 =	sld [smem:$0x3FFB];
	_ =	sdelay $0x3  }
0x92: {  	_ =	strace s17  }
0x93: {  	s2 =	sld [smem:$0x3FFC];
	_ =	sdelay $0x3  }
0x94: {  	_ =	strace s2  }
0x95: {  	s2 =	sld [smem:$0x3FFD];
	_ =	sdelay $0x3  }
0x96: {  	_ =	strace s2  }
0x97: {  	_ =	strace $0x8FFFFFFF  }
0x98: {  	s18 =	sld [smem:$0x3FDB];
	_ =	sdelay $0x1  }
0x99: {  	s19 =	simm.s32 $_scs_section_size  }
0x9a: {  	s4 =	simm.s32 $_size__tile_overlayer_lowered;
	s5 =	simm.s32 $_tile_overlayer_lowered  }
0x9b: {  	s22 =	simm.s32 $0x1BFF;
	s21 =	sshll.u32 s5, $0x1;
	s2 =	sadd.s32 s19, s18  }
0x9c: {  	s6 =	simm.s32 $0x0;
	s20 =	sshll.u32 s4, $0x1;
	s4 =	sadd.s32 s21, s2  }
0x9d: {  	[timem:s6], [sflag:s22] =	dma.local [hbm:s4], s20  }
0x9e: {  	_ =	swait.ge [sflag:s22], s20  }
0x9f: {  	s3 =	ssub.s32 $0x0, s20;
	[sflag:s22] =	ssyncset.done $0x0  }
0xa0: {  	[sflag:s22] =	ssyncadd.s32 s3;
	_ =	sdelay $0x1  }
0xa1: {  	s23 =	simm.s32 $0x1B8B  }
0xa2: {  	_ =	swait.ge [sflag:s23], $0x1  }
0xa3: {  	[sflag:s23] =	ssyncset.done $0x0  }
0xa4: {  	s25 =	simm.s32 $0x1B8E;
	s24 =	sld [smem:$0x3FFE];
	[sflag:s23] =	ssyncadd.s32 $0xFFFFFFFF  }
0xa5: {  	s26 =	simm.s32 $execute0_lowered;
	[smem:$0x3FD2] =	sst s25  }
0xa6: {  	s4 =	sshll.u32 s26, $0x1;
	_ =	strace $0x80000049;
	[dreg:$0x1] =	wrdreg $0xFFFFFFFF  }
0xa7: {  	s28 =	simm.s32 $_size_execute0_lowered;
	s2 =	sadd.s32 s2, s4;
	[dreg:$0x0] =	wrdreg $0x0  }
0xa8: {  	s4 =	sshll.u32 s28, $0x1;
	[dreg:$0x2] =	wrdreg s2  }
0xa9: {  	[dreg:$0x3] =	wrdreg s4  }
0xaa: {  	[dreg:$0x4] =	wrdreg $0xC0  }
0xab: {  	_ =	task [dreg:s6], $0x5FFFF  }
0xac: {  	[dreg:$0x1] =	wrdreg $0xFFFFFFFF  }
0xad: {  	[dreg:$0x0] =	wrdreg $0x60  }
0xae: {  	[dreg:$0x2] =	wrdreg s24  }
0xaf: {  	[dreg:$0x3] =	wrdreg $0x90000  }
0xb0: {  	[dreg:$0x4] =	wrdreg $0x9  }
0xb1: {  	_ =	task.clear_ibuf [dreg:s6], $0x5FFFF;
	_ =	strace $0x90000049  }
0xb2: {  	s29 =	simm.s32 $0x9;
	_ =	strace $0x8000004B  }
0xb3: {  	_ =	swait.ge [sflag:s29], $0x1  }
0xb4: {  	[sflag:s29] =	ssyncadd.s32 $0xFFFFFFFF  }
0xb5: {  	_ =	strace $0x9000004B  }
0xb6: {  	_ =	sfence  }
0xb7: {  	s30 =	sld [smem:$0x0];
	_ =	sdelay $0x2  }
0xb8: {  	s31 =	sshll.u32 s1, $0xD;
	s1 =	sshrl.u32 s1, $0x2  }
0xb9: {  	s3 =	sand.u32 $0x4000, s31;
	s1 =	sadd.s32 s1, s30  }
0xba: {  	s0 =	sor.u32 s3, s0;
	s1 =	sshll.u32 s1, $0x11  }
0xbb: {  	s0 =	sor.u32 s1, s0  }
0xbc: {  	s0 =	sadd.s32 $0x8F2B, s0  }
0xbd: {  	[sflag:s0] =	ssyncadd.remote.s32 $0x1  }
0xbe: {  	_ =	sfence.sel $0xFFFF  }
0xbf: {  	[dreg:$0x0] =	wrdreg $0xFFFFFFFF;
	(pc) =	sbr.abs _section_cstart, $3  }
0xc0: {  	[dreg:$0x1] =	wrdreg $0xFFFFFFFF  }
0xc1: {  	_ =	task.clear_ibuf [dreg:s6], $0x2FFFF;
	_ =	strace $0x9FFFFFFF  }
0xc2: {  	(tm) =	ssettm $0x7FFFFFFF  }
0xc3: {  	_ =	shalt  }
tec
execute0_lowered:
.L_overlay_start_1:
0x0: {  	(tag) =	ssettag $0x1  }
0x1: {  	s0 =	rddreg [dreg:$0x0]  }
0x2: {  	s1 =	rddreg [dreg:$0x1];
	s2 =	simm.s32 $0x0  }
0x3: {  	s7 =	srdreg.scid;
	s25 =	stileid.u32;
	s28 =	simm.s32 $0x80  }
0x4: {  	s29 =	simm.s32 $0x5000;
	s30 =	simm.s32 $0x0;
	[smem:$0x7FF] =	sst s2  }
0x5: {  	s3 =	sadd.s32 $0x68A00, s0;
	s4 =	sadd.s32 $0xF2C00, s0;
	s14 =	sadd.s32 $0xCAC00, s0  }
0x6: {  	s5 =	sadd.s32 $0x54A00, s0;
	s6 =	sadd.s32 $0xB6C00, s0;
	s20 =	sadd.s32 $0x5EA00, s0  }
0x7: {  	s7 =	sand.u32 $0x1, s7;
	s8 =	smul.u32 $0x4F000, s25;
	s18 =	sadd.s32 $0x140E00, s0  }
0x8: {  	s0 =	sadd.s32 $0x18F000, s0;
	s12 =	smul.u32 $0x2780, s25;
	s26 =	sadd.s32 $0x128400, s1  }
0x9: {  	s21 =	smul.u32 $0x5000, s25;
	p0 =	seq.s32 s25, $0xF;
	_ =	strace $0x8000004A  }
0xa: {  	s9 =	ssub.s32 $0x2, s7;
	s10 =	smul.u32 $0x27100, s7;
	s13 =	sshll.u32 s7, $0x4  }
0xb: {  	s7 =	smul.u32 $0x138800, s7;
	[dreg:$0x5] =	wrdreg s26;
	s26 =	simm.s32 $0x2800  }
0xc: {  	s11 =	sshrl.u32 s9, $0x1;
	s8 =	sshrl.u32 s8, $0x2;
	s15 =	sor.u32 s25, s13  }
0xd: {  	s25 =	simm.s32 $0x1;
	s24 =	ssub.s32 s9, s11;
	s8 =	sadd.s32 s8, s1  }
0xe: {  	s22 =	sadd.s32 s12, s10;
	s16 =	sshrl.u32 s7, $0x3;
	s17 =	smul.u32 $0x5000, s15  }
0xf: {  	[dreg:$0x3] =	wrdreg s8;
	s19 =	sadd.s32 s3, s22;
	s23 =	sadd.s32 $0x25080, s16  }
0x10: {  	s24 =	smax.u32 s24, $0x1;
	[dreg:$0x4] =	wrdreg s19;
	s9 =	sadd.s32 s3, s23  }
0x11: {  	s15 =	sshrl.u32 s17, $0x3;
	s19 =	sshrl.u32 s21, $0x3;
	s17 =	sadd.s32 s4, s22  }
0x12: {  	s21 =	sadd.s32 s4, s23;
	s10 =	sadd.s32 s14, s15;
	s16 =	sadd.s32 $0x500, s15  }
0x13: {  	s11 =	sadd.s32 s5, s19;
	s31 =	sadd.s32 $0x500, s19;
	s15 =	sadd.s32 s6, s15  }
0x14: {  	s19 =	sadd.s32 s20, s19;
	s12 =	sadd.s32 s14, s16;
	s13 =	sadd.s32 s5, s31  }
0x15: {  	s14 =	sadd.s32 s18, s22;
	s16 =	sadd.s32 s6, s16;
	s18 =	sadd.s32 s18, s23  }
0x16: {  	s20 =	sadd.s32 s20, s31;
	s22 =	sadd.s32 s0, s22;
	s23 =	sadd.s32 s0, s23  }
.LBB2_1:
0x17: {  	s0 =	rddreg [dreg:$0x5]  }
0x18: {  	s31 =	sshrl.u32 @p0 s0, $0x3;
	s0 =	simm.s32 @p0 $0x1FC1  }
0x19: {  	[spmem:s31], [sflag:s0] =	dma.local @p0 [hbm:s9], $0x2080  }
0x1a: {  	s0 =	simm.s32 @p0 $0x1  }
0x1b: {  	s2 =	stileid.u32;
	_ =	swait.ge @p0 [sflag:s0], $0x2080  }
0x1c: {  	s2 =	sshll.u32 @!p0 s2, $0x6;
	[sflag:s0] =	ssyncset.done @p0 $0x0  }
0x1d: {  	[sflag:s0] =	ssyncadd.s32 @p0 $0xFFFFDF80;
	s0 =	sor.u32 @!p0 $0x1C01, s2;
	s2 =	rddreg [dreg:$0x3]  }
0x1e: {  	s5 =	sshrl.u32 @!p0 s2, $0x3;
	s2 =	rddreg [dreg:$0x4]  }
0x1f: {  	[spmem:s5], [sflag:s0] =	dma.local @!p0 [hbm:s2], $0x2780  }
0x20: {  	s2 =	simm.s32 @!p0 $0x1  }
0x21: {  	_ =	swait.ge @!p0 [sflag:s2], $0x2780  }
0x22: {  	[sflag:s2] =	ssyncset.done @!p0 $0x0  }
0x23: {  	[sflag:s2] =	ssyncadd.s32 @!p0 $0xFFFFD880  }
0x24: {  	s6 =	simm.s32 $0x0;
	[bflag:$0x0] =	sbarrier.arrive $0xFFFF  }
0x25: {  	[tilespmem:s6], [sflag:$0x1] =	stream.linear.gather [hbm4b:s10+s6], $0x2800, $0x38;
	[tilespmem:$0x1C8C0] =	vst v63  }
0x26: {  	_ =	swait.ge [sflag:s25], $0x2800  }
0x27: {  	[sflag:s25] =	ssyncset.done $0x0  }
0x28: {  	[sflag:s25] =	ssyncadd.s32 $0xFFFFD800  }
0x29: {  	[tilespmem:s26], [sflag:$0x1] =	stream.linear.gather [hbm4b:s11+s6], $0x2800, $0x38;
	[tilespmem:$0x1C8C0] =	vst v63  }
0x2a: {  	_ =	swait.ge [sflag:s25], $0x2800  }
0x2b: {  	[sflag:s25] =	ssyncset.done $0x0  }
0x2c: {  	s7 =	simm.s32 $0x0;
	[sflag:s25] =	ssyncadd.s32 $0xFFFFD800  }
0x2d: {  	[tilespmem:s29], [sflag:$0x1] =	stream.indirect.gather [hbm4b:s3+s28], $0x80, s7, s28, $0xb8;
	[tilespmem:$0x1C8C0] =	vst v63  }
0x2e: {  	_ =	swait.ge [sflag:s25], $0x4000  }
0x2f: {  	[sflag:s25] =	ssyncset.done $0x0  }
0x30: {  	s8 =	simm.s32 $0x2800;
	[sflag:s25] =	ssyncadd.s32 $0xFFFFC000  }
0x31: {  	[spmem:s1] =	stream.indirect.scatter.add.f32 [tilespmem:s29], [sflag:$0x1], $0x80, s8, s28, $0xb8;
	[tilespmem:$0x1C8C0] =	vst v63  }
0x32: {  	_ =	swait.ge [sflag:s25], $0x4000  }
0x33: {  	s2 =	simm.s32 $0x200;
	s6 =	simm.s32 $0x400;
	[sflag:s25] =	ssyncset.done $0x0  }
.LBB2_2:
0x34: {  	s7 =	sshra.s32 s2, $0x2  }
0x35: {  	[sflag:s25] =	ssyncadd.s32 $0xFFFFC000;
	s2 =	smov.u32 s6;
	s8 =	sadd.s32 $0x200, s6  }
0x36: {  	[tilespmem:s29], [sflag:$0x1] =	stream.indirect.gather [hbm4b:s3+s28], $0x80, s7, s28, $0xb8;
	[tilespmem:$0x1C8C0] =	vst v63  }
0x37: {  	p1 =	sne.s32 s6, $0x9E00;
	_ =	swait.ge [sflag:s25], $0x4000  }
.Ltmp0:
0x38: {  	[sflag:s25] =	ssyncset.done $0x0;
	(pc) =	sbr.rel @p1 .LBB2_2-.Ltmp0, $4  }
0x39: {  	s6 =	sadd.s32 $0x2800, s7;
	[sflag:s25] =	ssyncadd.s32 $0xFFFFC000  }
0x3a: {  	[spmem:s1] =	stream.indirect.scatter.add.f32 [tilespmem:s29], [sflag:$0x1], $0x80, s6, s28, $0xb8;
	[tilespmem:$0x1C8C0] =	vst v63  }
0x3b: {  	_ =	swait.ge [sflag:s25], $0x4000  }
0x3c: {  	s6 =	smov.u32 s8;
	[sflag:s25] =	ssyncset.done $0x0  }
0x3d: {  	s2 =	sshra.s32 s2, $0x2;
	[sflag:s25] =	ssyncadd.s32 $0xFFFFC000  }
0x3e: {  	[tilespmem:s29], [sflag:$0x1] =	stream.indirect.gather [hbm4b:s3+s28], $0x80, s2, s28, $0xb8;
	[tilespmem:$0x1C8C0] =	vst v63  }
0x3f: {  	_ =	swait.ge [sflag:s25], $0x4000  }
0x40: {  	[sflag:s25] =	ssyncset.done $0x0  }
0x41: {  	s2 =	sadd.s32 $0x2800, s2;
	[sflag:s25] =	ssyncadd.s32 $0xFFFFC000  }
0x42: {  	[spmem:s1] =	stream.indirect.scatter.add.f32 [tilespmem:s29], [sflag:$0x1], $0x80, s2, s28, $0xb8;
	[tilespmem:$0x1C8C0] =	vst v63  }
0x43: {  	_ =	swait.ge [sflag:s25], $0x4000  }
0x44: {  	[sflag:s25] =	ssyncset.done $0x0  }
0x45: {  	s6 =	simm.s32 $0x0;
	[sflag:s25] =	ssyncadd.s32 $0xFFFFC000  }
0x46: {  	[tilespmem:s6], [sflag:$0x1] =	stream.linear.gather [hbm4b:s12+s6], $0x2800, $0x38;
	[tilespmem:$0x1C8C0] =	vst v63  }
0x47: {  	_ =	swait.ge [sflag:s25], $0x2800  }
0x48: {  	[sflag:s25] =	ssyncset.done $0x0  }
0x49: {  	[sflag:s25] =	ssyncadd.s32 $0xFFFFD800  }
0x4a: {  	[tilespmem:s26], [sflag:$0x1] =	stream.linear.gather [hbm4b:s13+s6], $0x2800, $0x38;
	[tilespmem:$0x1C8C0] =	vst v63  }
0x4b: {  	_ =	swait.ge [sflag:s25], $0x2800  }
0x4c: {  	[sflag:s25] =	ssyncset.done $0x0  }
0x4d: {  	s7 =	simm.s32 $0x0;
	[sflag:s25] =	ssyncadd.s32 $0xFFFFD800  }
0x4e: {  	[tilespmem:s29], [sflag:$0x1] =	stream.indirect.gather [hbm4b:s3+s28], $0x80, s7, s28, $0xb8;
	[tilespmem:$0x1C8C0] =	vst v63  }
0x4f: {  	_ =	swait.ge [sflag:s25], $0x4000  }
0x50: {  	[sflag:s25] =	ssyncset.done $0x0  }
0x51: {  	s8 =	simm.s32 $0x2800;
	[sflag:s25] =	ssyncadd.s32 $0xFFFFC000  }
0x52: {  	[spmem:s1] =	stream.indirect.scatter.add.f32 [tilespmem:s29], [sflag:$0x1], $0x80, s8, s28, $0xb8;
	[tilespmem:$0x1C8C0] =	vst v63  }
0x53: {  	_ =	swait.ge [sflag:s25], $0x4000  }
0x54: {  	s2 =	simm.s32 $0x200;
	s6 =	simm.s32 $0x400;
	[sflag:s25] =	ssyncset.done $0x0  }
.LBB2_4:
0x55: {  	s7 =	sshra.s32 s2, $0x2  }
0x56: {  	[sflag:s25] =	ssyncadd.s32 $0xFFFFC000;
	s2 =	smov.u32 s6;
	s8 =	sadd.s32 $0x200, s6  }
0x57: {  	[tilespmem:s29], [sflag:$0x1] =	stream.indirect.gather [hbm4b:s3+s28], $0x80, s7, s28, $0xb8;
	[tilespmem:$0x1C8C0] =	vst v63  }
0x58: {  	p1 =	sne.s32 s6, $0x9E00;
	_ =	swait.ge [sflag:s25], $0x4000  }
.Ltmp1:
0x59: {  	[sflag:s25] =	ssyncset.done $0x0;
	(pc) =	sbr.rel @p1 .LBB2_4-.Ltmp1, $4  }
0x5a: {  	s6 =	sadd.s32 $0x2800, s7;
	[sflag:s25] =	ssyncadd.s32 $0xFFFFC000  }
0x5b: {  	[spmem:s1] =	stream.indirect.scatter.add.f32 [tilespmem:s29], [sflag:$0x1], $0x80, s6, s28, $0xb8;
	[tilespmem:$0x1C8C0] =	vst v63  }
0x5c: {  	_ =	swait.ge [sflag:s25], $0x4000  }
0x5d: {  	s6 =	smov.u32 s8;
	[sflag:s25] =	ssyncset.done $0x0  }
0x5e: {  	s2 =	sshra.s32 s2, $0x2;
	[sflag:s25] =	ssyncadd.s32 $0xFFFFC000  }
0x5f: {  	[tilespmem:s29], [sflag:$0x1] =	stream.indirect.gather [hbm4b:s3+s28], $0x80, s2, s28, $0xb8;
	[tilespmem:$0x1C8C0] =	vst v63  }
0x60: {  	_ =	swait.ge [sflag:s25], $0x4000  }
0x61: {  	[sflag:s25] =	ssyncset.done $0x0  }
0x62: {  	s2 =	sadd.s32 $0x2800, s2;
	[sflag:s25] =	ssyncadd.s32 $0xFFFFC000  }
0x63: {  	[spmem:s1] =	stream.indirect.scatter.add.f32 [tilespmem:s29], [sflag:$0x1], $0x80, s2, s28, $0xb8;
	[tilespmem:$0x1C8C0] =	vst v63  }
0x64: {  	_ =	swait.ge [sflag:s25], $0x4000  }
0x65: {  	[sflag:s25] =	ssyncset.done $0x0  }
0x66: {  	[sflag:s25] =	ssyncadd.s32 $0xFFFFC000  }
0x67: {  	s6 =	simm.s32 @p0 $0x1;
	s2 =	simm.s32 @p0 $0x1FC1;
	[bflag:$0x0] =	sbarrier.arrive $0xFFFF  }
0x68: {  	[hbm:s18], [sflag:s2] =	dma.local @p0 [spmem:s31], $0x2080  }
0x69: {  	_ =	swait.ge @p0 [sflag:s6], $0x2080  }
0x6a: {  	[sflag:s6] =	ssyncset.done @p0 $0x0  }
0x6b: {  	[sflag:s6] =	ssyncadd.s32 @p0 $0xFFFFDF80  }
0x6c: {  	[bflag:$0x0] =	sbarrier.arrive @p0 $0xFFFF  }
0x6d: {  	[spmem:s31], [sflag:s2] =	dma.local @p0 [hbm:s21], $0x2080  }
0x6e: {  	_ =	swait.ge @p0 [sflag:s6], $0x2080  }
0x6f: {  	[sflag:s6] =	ssyncset.done @p0 $0x0  }
0x70: {  	s2 =	simm.s32 @!p0 $0x1;
	[sflag:s6] =	ssyncadd.s32 @p0 $0xFFFFDF80  }
0x71: {  	[hbm:s14], [sflag:s0] =	dma.local @!p0 [spmem:s5], $0x2780  }
0x72: {  	_ =	swait.ge @!p0 [sflag:s2], $0x2780  }
0x73: {  	[sflag:s2] =	ssyncset.done @!p0 $0x0  }
0x74: {  	[sflag:s2] =	ssyncadd.s32 @!p0 $0xFFFFD880  }
0x75: {  	[bflag:$0x0] =	sbarrier.arrive @!p0 $0xFFFF  }
0x76: {  	[spmem:s5], [sflag:s0] =	dma.local @!p0 [hbm:s17], $0x2780  }
0x77: {  	_ =	swait.ge @!p0 [sflag:s2], $0x2780  }
0x78: {  	[sflag:s2] =	ssyncset.done @!p0 $0x0  }
0x79: {  	[sflag:s2] =	ssyncadd.s32 @!p0 $0xFFFFD880  }
0x7a: {  	s6 =	simm.s32 $0x0;
	[bflag:$0x0] =	sbarrier.arrive $0xFFFF  }
0x7b: {  	[tilespmem:s6], [sflag:$0x1] =	stream.linear.gather [hbm4b:s15+s6], $0x2800, $0x38;
	[tilespmem:$0x1C8C0] =	vst v63  }
0x7c: {  	_ =	swait.ge [sflag:s25], $0x2800  }
0x7d: {  	[sflag:s25] =	ssyncset.done $0x0  }
0x7e: {  	[sflag:s25] =	ssyncadd.s32 $0xFFFFD800  }
0x7f: {  	[tilespmem:s26], [sflag:$0x1] =	stream.linear.gather [hbm4b:s19+s6], $0x2800, $0x38;
	[tilespmem:$0x1C8C0] =	vst v63  }
0x80: {  	_ =	swait.ge [sflag:s25], $0x2800  }
0x81: {  	[sflag:s25] =	ssyncset.done $0x0  }
0x82: {  	s7 =	simm.s32 $0x0;
	[sflag:s25] =	ssyncadd.s32 $0xFFFFD800  }
0x83: {  	[tilespmem:s29], [sflag:$0x1] =	stream.indirect.gather [hbm4b:s4+s28], $0x80, s7, s28, $0xb8;
	[tilespmem:$0x1C8C0] =	vst v63  }
0x84: {  	_ =	swait.ge [sflag:s25], $0x4000  }
0x85: {  	[sflag:s25] =	ssyncset.done $0x0  }
0x86: {  	s8 =	simm.s32 $0x2800;
	[sflag:s25] =	ssyncadd.s32 $0xFFFFC000  }
0x87: {  	[spmem:s1] =	stream.indirect.scatter.add.f32 [tilespmem:s29], [sflag:$0x1], $0x80, s8, s28, $0xb8;
	[tilespmem:$0x1C8C0] =	vst v63  }
0x88: {  	_ =	swait.ge [sflag:s25], $0x4000  }
0x89: {  	s2 =	simm.s32 $0x200;
	s6 =	simm.s32 $0x400;
	[sflag:s25] =	ssyncset.done $0x0  }
.LBB2_6:
0x8a: {  	s7 =	sshra.s32 s2, $0x2  }
0x8b: {  	[sflag:s25] =	ssyncadd.s32 $0xFFFFC000;
	s2 =	smov.u32 s6;
	s8 =	sadd.s32 $0x200, s6  }
0x8c: {  	[tilespmem:s29], [sflag:$0x1] =	stream.indirect.gather [hbm4b:s4+s28], $0x80, s7, s28, $0xb8;
	[tilespmem:$0x1C8C0] =	vst v63  }
0x8d: {  	p1 =	sne.s32 s6, $0x9E00;
	_ =	swait.ge [sflag:s25], $0x4000  }
.Ltmp2:
0x8e: {  	[sflag:s25] =	ssyncset.done $0x0;
	(pc) =	sbr.rel @p1 .LBB2_6-.Ltmp2, $4  }
0x8f: {  	s6 =	sadd.s32 $0x2800, s7;
	[sflag:s25] =	ssyncadd.s32 $0xFFFFC000  }
0x90: {  	[spmem:s1] =	stream.indirect.scatter.add.f32 [tilespmem:s29], [sflag:$0x1], $0x80, s6, s28, $0xb8;
	[tilespmem:$0x1C8C0] =	vst v63  }
0x91: {  	_ =	swait.ge [sflag:s25], $0x4000  }
0x92: {  	s6 =	smov.u32 s8;
	[sflag:s25] =	ssyncset.done $0x0  }
0x93: {  	s2 =	sshra.s32 s2, $0x2;
	[sflag:s25] =	ssyncadd.s32 $0xFFFFC000  }
0x94: {  	[tilespmem:s29], [sflag:$0x1] =	stream.indirect.gather [hbm4b:s4+s28], $0x80, s2, s28, $0xb8;
	[tilespmem:$0x1C8C0] =	vst v63  }
0x95: {  	_ =	swait.ge [sflag:s25], $0x4000  }
0x96: {  	[sflag:s25] =	ssyncset.done $0x0  }
0x97: {  	s2 =	sadd.s32 $0x2800, s2;
	[sflag:s25] =	ssyncadd.s32 $0xFFFFC000  }
0x98: {  	[spmem:s1] =	stream.indirect.scatter.add.f32 [tilespmem:s29], [sflag:$0x1], $0x80, s2, s28, $0xb8;
	[tilespmem:$0x1C8C0] =	vst v63  }
0x99: {  	_ =	swait.ge [sflag:s25], $0x4000  }
0x9a: {  	[sflag:s25] =	ssyncset.done $0x0  }
0x9b: {  	s6 =	simm.s32 $0x0;
	[sflag:s25] =	ssyncadd.s32 $0xFFFFC000  }
0x9c: {  	[tilespmem:s6], [sflag:$0x1] =	stream.linear.gather [hbm4b:s16+s6], $0x2800, $0x38;
	[tilespmem:$0x1C8C0] =	vst v63  }
0x9d: {  	_ =	swait.ge [sflag:s25], $0x2800  }
0x9e: {  	[sflag:s25] =	ssyncset.done $0x0  }
0x9f: {  	[sflag:s25] =	ssyncadd.s32 $0xFFFFD800  }
0xa0: {  	[tilespmem:s26], [sflag:$0x1] =	stream.linear.gather [hbm4b:s20+s6], $0x2800, $0x38;
	[tilespmem:$0x1C8C0] =	vst v63  }
0xa1: {  	_ =	swait.ge [sflag:s25], $0x2800  }
0xa2: {  	[sflag:s25] =	ssyncset.done $0x0  }
0xa3: {  	s7 =	simm.s32 $0x0;
	[sflag:s25] =	ssyncadd.s32 $0xFFFFD800  }
0xa4: {  	[tilespmem:s29], [sflag:$0x1] =	stream.indirect.gather [hbm4b:s4+s28], $0x80, s7, s28, $0xb8;
	[tilespmem:$0x1C8C0] =	vst v63  }
0xa5: {  	_ =	swait.ge [sflag:s25], $0x4000  }
0xa6: {  	[sflag:s25] =	ssyncset.done $0x0  }
0xa7: {  	s8 =	simm.s32 $0x2800;
	[sflag:s25] =	ssyncadd.s32 $0xFFFFC000  }
0xa8: {  	[spmem:s1] =	stream.indirect.scatter.add.f32 [tilespmem:s29], [sflag:$0x1], $0x80, s8, s28, $0xb8;
	[tilespmem:$0x1C8C0] =	vst v63  }
0xa9: {  	_ =	swait.ge [sflag:s25], $0x4000  }
0xaa: {  	s2 =	simm.s32 $0x200;
	s6 =	simm.s32 $0x400;
	[sflag:s25] =	ssyncset.done $0x0  }
.LBB2_8:
0xab: {  	s7 =	sshra.s32 s2, $0x2  }
0xac: {  	[sflag:s25] =	ssyncadd.s32 $0xFFFFC000;
	s2 =	smov.u32 s6;
	s8 =	sadd.s32 $0x200, s6  }
0xad: {  	[tilespmem:s29], [sflag:$0x1] =	stream.indirect.gather [hbm4b:s4+s28], $0x80, s7, s28, $0xb8;
	[tilespmem:$0x1C8C0] =	vst v63  }
0xae: {  	p1 =	sne.s32 s6, $0x9E00;
	_ =	swait.ge [sflag:s25], $0x4000  }
.Ltmp3:
0xaf: {  	[sflag:s25] =	ssyncset.done $0x0;
	(pc) =	sbr.rel @p1 .LBB2_8-.Ltmp3, $4  }
0xb0: {  	s6 =	sadd.s32 $0x2800, s7;
	[sflag:s25] =	ssyncadd.s32 $0xFFFFC000  }
0xb1: {  	[spmem:s1] =	stream.indirect.scatter.add.f32 [tilespmem:s29], [sflag:$0x1], $0x80, s6, s28, $0xb8;
	[tilespmem:$0x1C8C0] =	vst v63  }
0xb2: {  	_ =	swait.ge [sflag:s25], $0x4000  }
0xb3: {  	s6 =	smov.u32 s8;
	[sflag:s25] =	ssyncset.done $0x0  }
0xb4: {  	s2 =	sshra.s32 s2, $0x2;
	[sflag:s25] =	ssyncadd.s32 $0xFFFFC000  }
0xb5: {  	[tilespmem:s29], [sflag:$0x1] =	stream.indirect.gather [hbm4b:s4+s28], $0x80, s2, s28, $0xb8;
	[tilespmem:$0x1C8C0] =	vst v63  }
0xb6: {  	_ =	swait.ge [sflag:s25], $0x4000  }
0xb7: {  	[sflag:s25] =	ssyncset.done $0x0  }
0xb8: {  	s2 =	sadd.s32 $0x2800, s2;
	[sflag:s25] =	ssyncadd.s32 $0xFFFFC000  }
0xb9: {  	[spmem:s1] =	stream.indirect.scatter.add.f32 [tilespmem:s29], [sflag:$0x1], $0x80, s2, s28, $0xb8;
	[tilespmem:$0x1C8C0] =	vst v63  }
0xba: {  	_ =	swait.ge [sflag:s25], $0x4000  }
0xbb: {  	[sflag:s25] =	ssyncset.done $0x0  }
0xbc: {  	[sflag:s25] =	ssyncadd.s32 $0xFFFFC000  }
0xbd: {  	s2 =	simm.s32 @p0 $0x1FC1;
	[bflag:$0x0] =	sbarrier.arrive $0xFFFF  }
0xbe: {  	[hbm:s23], [sflag:s2] =	dma.local @p0 [spmem:s31], $0x2080  }
0xbf: {  	s2 =	simm.s32 @p0 $0x1  }
0xc0: {  	_ =	swait.ge @p0 [sflag:s2], $0x2080  }
0xc1: {  	[sflag:s2] =	ssyncset.done @p0 $0x0  }
0xc2: {  	s30 =	sadd.s32 $0x1, s30;
	[sflag:s2] =	ssyncadd.s32 @p0 $0xFFFFDF80  }
0xc3: {  	[hbm:s22], [sflag:s0] =	dma.local @!p0 [spmem:s5], $0x2780  }
0xc4: {  	p1 =	sne.s32 s30, s24;
	s0 =	simm.s32 @!p0 $0x1  }
.Ltmp4:
0xc5: {  	_ =	swait.ge @!p0 [sflag:s0], $0x2780;
	(pc) =	sbr.rel @p1 .LBB2_1-.Ltmp4, $3  }
0xc6: {  	[sflag:s0] =	ssyncset.done @!p0 $0x0  }
0xc7: {  	[sflag:s0] =	ssyncadd.s32 @!p0 $0xFFFFD880  }
0xc8: {  	[bflag:$0x0] =	sbarrier.arrive $0xFFFF;
	_ =	sdelay $0x1  }
0xc9: {  	_ =	sfence.sel $0x180000  }
0xca: {  	[bflag:$0x0] =	sbarrier.arrive $0xFFFF  }
0xcb: {  	_ =	strace $0x9000004A  }
0xcc: {  	s0 =	stileid.u32;
	[bflag:$0x2] =	sbarrier.arrive $0xFFFF  }
0xcd: {  	p0 =	sne.s32 s0, $0x0;
	s0 =	rddreg [dreg:$0x2]  }
0xce: {  	s0 =	sadd.s32 @!p0 $0x100000, s0  }
0xcf: {  	[sflag:s0] =	ssyncadd.tile.s32 @!p0 $0x1;
	_ =	shalt  }
.Lfunc_end2:
_tile_overlayer_lowered:
.L_overlay_start_2:
0xd0: {  	(tag) =	ssettag $0x2  }
0xd1: {  	s0 =	rddreg [dreg:$0x0];
	s2 =	stileid.u32  }
0xd2: {  	s1 =	rddreg [dreg:$0x1];
	p0 =	sne.s32 s2, $0x0  }
0xd3: {  	s3 =	rddreg [dreg:$0x2];
	[bflag:$0x3] =	sbarrier.arrive $0xFFFF;
	s2 =	simm.s32 @!p0 $0x1C01  }
0xd4: {  	[timem:s3], [sflag:s2] =	dma.local @!p0 [hbm:s0], s1  }
0xd5: {  	s0 =	simm.s32 @!p0 $0x1  }
0xd6: {  	_ =	swait.ge @!p0 [sflag:s0], s1  }
0xd7: {  	s1 =	ssub.s32 @!p0 $0x0, s1;
	[sflag:s0] =	ssyncset.done @!p0 $0x0  }
0xd8: {  	[sflag:s0] =	ssyncadd.s32 @!p0 s1  }
0xd9: {  	[bflag:$0x3] =	sbarrier.arrive $0xFFFF  }
0xda: {  	_ =	shalt  }

// kernel: kernel.17.cloned.1.call-start
scs
__scs_entry_jumppad:
0x0: {  	(pc) =	sbr.rel $0x88, $3  }
0x1: {  	(tag) =	ssettag $0x0;
	lr =	simm.s32 $0x1  }
0x2: {  	[smem:$0x3F8E] =	sst lr;
	_ =	strace $0xD0000000  }
0x3: {  	_ = 	snop  }
0x4: {  	_ = 	snop  }
0x5: {  	_ = 	snop  }
0x6: {  	_ = 	snop  }
0x7: {  	_ = 	snop  }
__scs_overlays_trampoline_lowered:
0x8: {  	[smem:$0x3F9D] =	sst s0  }
0x9: {  	[smem:$0x3F9E] =	sst s1  }
0xa: {  	[smem:$0x3F9F] =	sst s2  }
0xb: {  	[smem:$0x3FA0] =	sst s3  }
0xc: {  	[smem:$0x3FA1] =	sst s4  }
0xd: {  	[smem:$0x3FA2] =	sst s5  }
0xe: {  	[smem:$0x3FA3] =	sst s6  }
0xf: {  	[smem:$0x3FA4] =	sst s7  }
0x10: {  	[smem:$0x3FA5] =	sst s8  }
0x11: {  	[smem:$0x3FA6] =	sst s9;
	s0 =	simm.s32 @!p0 $0x0  }
0x12: {  	s1 =	sld [smem:$0x3F8C];
	s0 =	simm.s32 @p0 $0x1  }
0x13: {  	[smem:$0x3FA7] =	sst s0;
	s0 =	simm.s32 @!p1 $0x0  }
0x14: {  	s2 =	sld [smem:$0x3F8B];
	s0 =	simm.s32 @p1 $0x1  }
0x15: {  	[smem:$0x3FA8] =	sst s0;
	s0 =	simm.s32 @!p2 $0x0  }
0x16: {  	s3 =	sld [smem:$0x3FDB];
	s0 =	simm.s32 @p2 $0x1  }
0x17: {  	s4 =	simm.s32 $0x1BF5;
	[smem:$0x3FAA] =	sst s0  }
0x18: {  	s0 =	sld [smem:$0x3F8D];
	_ =	swait.ge [sflag:s4], $0x0  }
0x19: {  	s7 =	sld [smem:$0x3F8E]  }
0x1a: {  	s8 =	sadd.s32 $0xFFFFE003, lr  }
0x1b: {  	s9 =	sadd.s32 $0xFFFFFEF7, lr;
	s5 =	simm.s32 $0xFFFFFFFF;
	p2 =	slt.u32 s8, $0xFFFFF086  }
0x1c: {  	p1 =	slt.u32 s9, $0xF7A;
	s5 =	simm.s32 @!p2 $0x0  }
0x1d: {  	s5 =	simm.s32 @p1 $0x1;
	p0 =	seq.s32 s7, s2  }
0x1e: {  	s7 =	smul.u32 @!p0 $0xF7A, s2;
	p2 =	seq.s32 @!p0 s5, $0x0  }
0x1f: {  	s9 =	smul.u32 $0xF7A, s1;
	s8 =	simm.s32 @!p0 $0x1BF5;
	p2 =	por !p2, p0  }
0x20: {  	[sflag:s8] =	ssyncset.s32 @!p0 $0xFFFFF086;
	s6 =	sadd.s32 @!p0 s3, s7;
	s7 =	simm.s32 @!p0 $0x108  }
0x21: {  	s3 =	sadd.s32 s3, s9;
	s6 =	sadd.s32 @!p0 $0x88, s6;
	s7 =	simm.s32 @p2 $0x1082  }
0x22: {  	[simem:s7], [sflag:s8] =	dma.local @!p0 [hbm:s6], $0xF7A  }
0x23: {  	s9 =	sor.u32 $0xD0000000, s2;
	s6 =	simm.s32 $0x108;
	_ =	swait.ge @!p0 [sflag:s8], $0x0  }
0x24: {  	s3 =	sadd.s32 $0x88, s3;
	s6 =	simm.s32 @!p1 $0x1082;
	[sflag:s4] =	ssyncset.s32 $0xFFFFF086  }
0x25: {  	[simem:s6], [sflag:s4] =	dma.local [hbm:s3], $0xF7A  }
0x26: {  	[smem:$0x3F8E] =	sst s1;
	(tag) =	ssettag s2;
	_ =	strace s9  }
0x27: {  	s1 =	sld [smem:$0x3F9E]  }
0x28: {  	s2 =	sld [smem:$0x3F9F]  }
0x29: {  	s4 =	sld [smem:$0x3FA1]  }
0x2a: {  	p0 =	seq.s32 s5, $0x0;
	s5 =	sld [smem:$0x3FA2]  }
0x2b: {  	s6 =	sld [smem:$0x3FA3]  }
0x2c: {  	s7 =	sld [smem:$0x3FA4]  }
0x2d: {  	s3 =	simm.s32 $0x108;
	s8 =	sld [smem:$0x3FA5]  }
0x2e: {  	s3 =	simm.s32 @!p0 $0x1082;
	s9 =	sld [smem:$0x3FA6]  }
0x2f: {  	lr =	sadd.s32 s0, s3;
	s0 =	sld [smem:$0x3F9D]  }
0x30: {  	s3 =	sld [smem:$0x3FA0]  }
0x31: {  	[smem:$0x3FA9] =	sst s10  }
0x32: {  	s10 =	sld [smem:$0x3FA7];
	_ =	sdelay $0x3  }
0x33: {  	p0 =	seq.s32 s10, $0x1;
	s10 =	sld [smem:$0x3FA9];
	_ =	sdelay $0x3  }
0x34: {  	[smem:$0x3FA9] =	sst s10  }
0x35: {  	s10 =	sld [smem:$0x3FA8];
	_ =	sdelay $0x3  }
0x36: {  	p1 =	seq.s32 s10, $0x1;
	s10 =	sld [smem:$0x3FA9];
	_ =	sdelay $0x3  }
0x37: {  	[smem:$0x3FA9] =	sst s10  }
0x38: {  	s10 =	sld [smem:$0x3FAA]  }
0x39: {  	_ = 	snop;
	(pc) =	sbr.ind lr, $3  }
0x3a: {  	_ = 	snop  }
0x3b: {  	_ = 	snop  }
0x3c: {  	p2 =	seq.s32 s10, $0x1;
	s10 =	sld [smem:$0x3FA9]  }
0x3d: {  	_ =	shalt  }
0x3e: {  	_ =	shalt  }
0x3f: {  	_ =	shalt  }
0x40: {  	_ =	shalt  }
0x41: {  	_ =	shalt  }
0x42: {  	_ =	shalt  }
0x43: {  	_ =	shalt  }
0x44: {  	_ =	shalt  }
0x45: {  	_ =	shalt  }
0x46: {  	_ =	shalt  }
0x47: {  	_ =	shalt  }
0x48: {  	_ =	shalt  }
0x49: {  	_ =	shalt  }
0x4a: {  	_ =	shalt  }
0x4b: {  	_ =	shalt  }
0x4c: {  	_ =	shalt  }
0x4d: {  	_ =	shalt  }
0x4e: {  	_ =	shalt  }
0x4f: {  	_ =	shalt  }
0x50: {  	_ =	shalt  }
0x51: {  	_ =	shalt  }
0x52: {  	_ =	shalt  }
0x53: {  	_ =	shalt  }
0x54: {  	_ =	shalt  }
0x55: {  	_ =	shalt  }
0x56: {  	_ =	shalt  }
0x57: {  	_ =	shalt  }
0x58: {  	_ =	shalt  }
0x59: {  	_ =	shalt  }
0x5a: {  	_ =	shalt  }
0x5b: {  	_ =	shalt  }
0x5c: {  	_ =	shalt  }
0x5d: {  	_ =	shalt  }
0x5e: {  	_ =	shalt  }
0x5f: {  	_ =	shalt  }
0x60: {  	_ =	shalt  }
0x61: {  	_ =	shalt  }
0x62: {  	_ =	shalt  }
0x63: {  	_ =	shalt  }
0x64: {  	_ =	shalt  }
0x65: {  	_ =	shalt  }
0x66: {  	_ =	shalt  }
0x67: {  	_ =	shalt  }
0x68: {  	_ =	shalt  }
0x69: {  	_ =	shalt  }
0x6a: {  	_ =	shalt  }
0x6b: {  	_ =	shalt  }
0x6c: {  	_ =	shalt  }
0x6d: {  	_ =	shalt  }
0x6e: {  	_ =	shalt  }
0x6f: {  	_ =	shalt  }
0x70: {  	_ =	shalt  }
0x71: {  	_ =	shalt  }
0x72: {  	_ =	shalt  }
0x73: {  	_ =	shalt  }
0x74: {  	_ =	shalt  }
0x75: {  	_ =	shalt  }
0x76: {  	_ =	shalt  }
0x77: {  	_ =	shalt  }
0x78: {  	_ =	shalt  }
0x79: {  	_ =	shalt  }
0x7a: {  	_ =	shalt  }
0x7b: {  	_ =	shalt  }
0x7c: {  	_ =	shalt  }
0x7d: {  	_ =	shalt  }
0x7e: {  	_ =	shalt  }
0x7f: {  	_ =	shalt  }
0x80: {  	_ =	shalt  }
0x81: {  	_ =	shalt  }
0x82: {  	_ =	shalt  }
0x83: {  	_ =	shalt  }
0x84: {  	_ =	shalt  }
0x85: {  	_ =	shalt  }
0x86: {  	_ =	shalt  }
0x87: {  	_ =	shalt  }
.Lfunc_end0:
.L_simem_size_0:
called_computation.2_lowered:
.L_overlay_start_0:
0x88: {  	s2 =	sld [smem:$0x3FD9]  }
0x89: {  	s3 =	sld [smem:$0x3FFE];
	_ =	sdelay $0x1  }
0x8a: {  	s1 =	srdreg.scid  }
0x8b: {  	s0 =	sand.u32 $0x1, s1  }
0x8c: {  	s14 =	sshll.u32 s0, $0xA;
	s2 =	sadd.s32 s3, s2  }
0x8d: {  	s2 =	sadd.s32 s2, s14  }
0x8e: {  	[smem:$0x3FB5] =	sst s2  }
0x8f: {  	_ = 	snop  }
0x90: {  	s2 =	sld [smem:$0x3FD0];
	_ =	sdelay $0x2  }
0x91: {  	s15 =	simm.s32 $0xA;
	s4 =	simm.s32 $0x10  }
0x92: {  	[smem:s4], [sflag:s15] =	dma.local [hbm:s2], $0x1  }
0x93: {  	_ =	swait.eq [sflag:s15], $0x1  }
0x94: {  	[sflag:s15] =	ssyncset.done $0x0  }
0x95: {  	[sflag:s15] =	ssyncadd.s32 $0xFFFFFFFF  }
0x96: {  	s16 =	sld [smem:$0x13];
	(tm) =	ssettm $0x1  }
0x97: {  	s17 =	sld [smem:$0x3FFB];
	_ =	sdelay $0x3  }
0x98: {  	_ =	strace s17  }
0x99: {  	s3 =	sld [smem:$0x3FFC];
	_ =	sdelay $0x3  }
0x9a: {  	_ =	strace s3  }
0x9b: {  	s3 =	sld [smem:$0x3FFD];
	_ =	sdelay $0x3  }
0x9c: {  	_ =	strace s3  }
0x9d: {  	_ =	strace $0x8FFFFFFF  }
0x9e: {  	s18 =	sld [smem:$0x3FDB];
	_ =	sdelay $0x1  }
0x9f: {  	s19 =	simm.s32 $_scs_section_size  }
0xa0: {  	s5 =	simm.s32 $_size__tile_overlayer_lowered;
	s6 =	simm.s32 $_tile_overlayer_lowered  }
0xa1: {  	s22 =	simm.s32 $0x1BFF;
	s21 =	sshll.u32 s6, $0x1;
	s3 =	sadd.s32 s19, s18  }
0xa2: {  	s7 =	simm.s32 $0x0;
	s20 =	sshll.u32 s5, $0x1;
	s5 =	sadd.s32 s21, s3  }
0xa3: {  	[timem:s7], [sflag:s22] =	dma.local [hbm:s5], s20  }
0xa4: {  	_ =	swait.ge [sflag:s22], s20  }
0xa5: {  	s4 =	ssub.s32 $0x0, s20;
	[sflag:s22] =	ssyncset.done $0x0  }
0xa6: {  	[sflag:s22] =	ssyncadd.s32 s4;
	_ =	sdelay $0x1  }
0xa7: {  	s23 =	simm.s32 $0x1B8B  }
0xa8: {  	_ =	swait.ge [sflag:s23], $0x1  }
0xa9: {  	[sflag:s23] =	ssyncset.done $0x0  }
0xaa: {  	s25 =	simm.s32 $0x1B8E;
	s24 =	sld [smem:$0x3FFE];
	[sflag:s23] =	ssyncadd.s32 $0xFFFFFFFF  }
0xab: {  	s26 =	simm.s32 $execute0_lowered;
	[smem:$0x3FD2] =	sst s25  }
0xac: {  	s5 =	sshll.u32 s26, $0x1;
	_ =	strace $0x8000004C;
	[dreg:$0x1] =	wrdreg $0xFFFFFFFF  }
0xad: {  	s28 =	simm.s32 $_size_execute0_lowered;
	s3 =	sadd.s32 s3, s5;
	[dreg:$0x0] =	wrdreg $0x0  }
0xae: {  	s5 =	sshll.u32 s28, $0x1;
	[dreg:$0x2] =	wrdreg s3  }
0xaf: {  	[dreg:$0x3] =	wrdreg s5  }
0xb0: {  	[dreg:$0x4] =	wrdreg $0xC0  }
0xb1: {  	_ =	task [dreg:s7], $0x5FFFF  }
0xb2: {  	[dreg:$0x1] =	wrdreg $0xFFFFFFFF  }
0xb3: {  	[dreg:$0x0] =	wrdreg $0x60  }
0xb4: {  	[dreg:$0x2] =	wrdreg s24  }
0xb5: {  	[dreg:$0x3] =	wrdreg s16  }
0xb6: {  	[dreg:$0x4] =	wrdreg $0x90000  }
0xb7: {  	[dreg:$0x5] =	wrdreg $0x9  }
0xb8: {  	_ =	task.clear_ibuf [dreg:s7], $0x6FFFF;
	_ =	strace $0x9000004C  }
0xb9: {  	s29 =	simm.s32 $0x9;
	_ =	strace $0x8000004E  }
0xba: {  	_ =	swait.ge [sflag:s29], $0x1  }
0xbb: {  	[sflag:s29] =	ssyncadd.s32 $0xFFFFFFFF  }
0xbc: {  	_ =	strace $0x9000004E  }
0xbd: {  	_ =	sfence  }
0xbe: {  	s30 =	sld [smem:$0x0];
	_ =	sdelay $0x2  }
0xbf: {  	s31 =	sshll.u32 s1, $0xD;
	s1 =	sshrl.u32 s1, $0x2  }
0xc0: {  	s3 =	sand.u32 $0x4000, s31;
	s1 =	sadd.s32 s1, s30  }
0xc1: {  	s0 =	sor.u32 s3, s0;
	s1 =	sshll.u32 s1, $0x11  }
0xc2: {  	s0 =	sor.u32 s1, s0  }
0xc3: {  	s0 =	sadd.s32 $0x8F2B, s0  }
0xc4: {  	[sflag:s0] =	ssyncadd.remote.s32 $0x1  }
0xc5: {  	_ =	sfence.sel $0xFFFF  }
0xc6: {  	[dreg:$0x0] =	wrdreg $0xFFFFFFFF;
	(pc) =	sbr.abs _section_cstart, $3  }
0xc7: {  	[dreg:$0x1] =	wrdreg $0xFFFFFFFF  }
0xc8: {  	_ =	task.clear_ibuf [dreg:s7], $0x2FFFF;
	_ =	strace $0x9FFFFFFF  }
0xc9: {  	(tm) =	ssettm $0x7FFFFFFF  }
tec
execute0_lowered:
.L_overlay_start_1:
0x0: {  	(tag) =	ssettag $0x1  }
0x1: {  	s5 =	rddreg [dreg:$0x0]  }
0x2: {  	s10 =	rddreg [dreg:$0x1]  }
0x3: {  	s1 =	rddreg [dreg:$0x2]  }
0x4: {  	s0 =	rddreg [dreg:$0x3];
	s3 =	simm.s32 $0x0  }
0x5: {  	s4 =	srdreg.scid;
	s2 =	stileid.u32;
	s18 =	simm.s32 $0x2800  }
0x6: {  	s19 =	simm.s32 $0x80;
	s20 =	simm.s32 $0x5000;
	s21 =	simm.s32 $0x0  }
0x7: {  	[smem:$0x7FF] =	sst s3;
	s6 =	sand.u32 $0x1, s4;
	s7 =	smul.u32 $0x4F000, s2  }
0x8: {  	s4 =	sadd.s32 $0x54A00, s5;
	s9 =	sadd.s32 $0xDEC00, s5;
	s12 =	sadd.s32 $0xF2C00, s5  }
0x9: {  	s11 =	smul.u32 $0x2780, s2;
	s15 =	sadd.s32 $0x128400, s1;
	p0 =	seq.s32 s2, $0xF  }
0xa: {  	_ =	strace $0x8000004D;
	s8 =	smul.u32 $0x27100, s6;
	s28 =	ssub.s32 $0x2, s6  }
0xb: {  	s14 =	sshll.u32 s6, $0x4;
	s6 =	smul.u32 $0x138800, s6;
	s13 =	sshrl.u32 s28, $0x1  }
0xc: {  	s29 =	sor.u32 s2, s14;
	s7 =	sshrl.u32 s7, $0x2;
	s14 =	sshrl.u32 @p0 s15, $0x3  }
0xd: {  	s13 =	ssub.s32 s28, s13;
	s11 =	sadd.s32 s11, s8;
	s6 =	sshrl.u32 s6, $0x3  }
0xe: {  	s30 =	smul.u32 $0x5000, s29;
	s16 =	sadd.s32 s7, s1;
	s5 =	sadd.s32 s4, s11  }
0xf: {  	s31 =	sadd.s32 $0x25080, s6;
	s11 =	sadd.s32 s12, s11;
	s13 =	smax.u32 s13, $0x1  }
0x10: {  	s16 =	sshrl.u32 @!p0 s16, $0x3;
	s6 =	sadd.s32 s4, s31;
	s17 =	sshrl.u32 s30, $0x3  }
0x11: {  	s7 =	sadd.s32 s9, s17;
	s8 =	sadd.s32 s10, s17;
	s17 =	sadd.s32 $0x500, s17  }
0x12: {  	s9 =	sadd.s32 s9, s17;
	s10 =	sadd.s32 s10, s17;
	s17 =	sshll.u32 @!p0 s2, $0x6  }
0x13: {  	s12 =	sadd.s32 s12, s31;
	s15 =	sor.u32 @!p0 $0x1C01, s17;
	s17 =	simm.s32 $0x1  }
.LBB2_1:
0x14: {  	s22 =	simm.s32 @p0 $0x1FC1  }
0x15: {  	[spmem:s14], [sflag:s22] =	dma.local @p0 [hbm:s6], $0x2080  }
0x16: {  	s22 =	simm.s32 @p0 $0x1  }
0x17: {  	_ =	swait.ge @p0 [sflag:s22], $0x2080  }
0x18: {  	[sflag:s22] =	ssyncset.done @p0 $0x0  }
0x19: {  	[sflag:s22] =	ssyncadd.s32 @p0 $0xFFFFDF80;
	s22 =	simm.s32 @!p0 $0x1  }
0x1a: {  	[spmem:s16], [sflag:s15] =	dma.local @!p0 [hbm:s5], $0x2780  }
0x1b: {  	_ =	swait.ge @!p0 [sflag:s22], $0x2780  }
0x1c: {  	[sflag:s22] =	ssyncset.done @!p0 $0x0  }
0x1d: {  	[sflag:s22] =	ssyncadd.s32 @!p0 $0xFFFFD880  }
0x1e: {  	[bflag:$0x0] =	sbarrier.arrive $0xFFFF  }
0x1f: {  	[tilespmem:s3], [sflag:$0x1] =	stream.linear.gather [hbm4b:s7+s3], $0x2800, $0x38;
	[tilespmem:$0x1C8C0] =	vst v63  }
0x20: {  	_ =	swait.ge [sflag:s17], $0x2800  }
0x21: {  	[sflag:s17] =	ssyncset.done $0x0  }
0x22: {  	[sflag:s17] =	ssyncadd.s32 $0xFFFFD800  }
0x23: {  	[tilespmem:s18], [sflag:$0x1] =	stream.linear.gather [hbm4b:s8+s3], $0x2800, $0x38;
	[tilespmem:$0x1C8C0] =	vst v63  }
0x24: {  	_ =	swait.ge [sflag:s17], $0x2800  }
0x25: {  	[sflag:s17] =	ssyncset.done $0x0  }
0x26: {  	s30 =	simm.s32 $0x0;
	[sflag:s17] =	ssyncadd.s32 $0xFFFFD800  }
0x27: {  	[tilespmem:s20], [sflag:$0x1] =	stream.indirect.gather [hbm4b:s4+s19], $0x80, s30, s19, $0xb8;
	[tilespmem:$0x1C8C0] =	vst v63  }
0x28: {  	_ =	swait.ge [sflag:s17], $0x4000  }
0x29: {  	[sflag:s17] =	ssyncset.done $0x0  }
0x2a: {  	s31 =	simm.s32 $0x2800;
	[sflag:s17] =	ssyncadd.s32 $0xFFFFC000  }
0x2b: {  	[spmem:s1] =	stream.indirect.scatter.add.f32 [tilespmem:s20], [sflag:$0x1], $0x80, s31, s19, $0xb8;
	[tilespmem:$0x1C8C0] =	vst v63  }
0x2c: {  	_ =	swait.ge [sflag:s17], $0x4000  }
0x2d: {  	s23 =	simm.s32 $0x400;
	s22 =	simm.s32 $0x200;
	[sflag:s17] =	ssyncset.done $0x0  }
.LBB2_2:
0x2e: {  	s24 =	sshra.s32 s22, $0x2  }
0x2f: {  	[sflag:s17] =	ssyncadd.s32 $0xFFFFC000;
	s22 =	smov.u32 s23;
	s25 =	sadd.s32 $0x200, s23  }
0x30: {  	[tilespmem:s20], [sflag:$0x1] =	stream.indirect.gather [hbm4b:s4+s19], $0x80, s24, s19, $0xb8;
	[tilespmem:$0x1C8C0] =	vst v63  }
0x31: {  	p1 =	sne.s32 s23, $0x9E00;
	_ =	swait.ge [sflag:s17], $0x4000  }
.Ltmp0:
0x32: {  	[sflag:s17] =	ssyncset.done $0x0;
	(pc) =	sbr.rel @p1 .LBB2_2-.Ltmp0, $4  }
0x33: {  	s23 =	sadd.s32 $0x2800, s24;
	[sflag:s17] =	ssyncadd.s32 $0xFFFFC000  }
0x34: {  	[spmem:s1] =	stream.indirect.scatter.add.f32 [tilespmem:s20], [sflag:$0x1], $0x80, s23, s19, $0xb8;
	[tilespmem:$0x1C8C0] =	vst v63  }
0x35: {  	_ =	swait.ge [sflag:s17], $0x4000  }
0x36: {  	s23 =	smov.u32 s25;
	[sflag:s17] =	ssyncset.done $0x0  }
0x37: {  	s22 =	sshra.s32 s22, $0x2;
	[sflag:s17] =	ssyncadd.s32 $0xFFFFC000  }
0x38: {  	[tilespmem:s20], [sflag:$0x1] =	stream.indirect.gather [hbm4b:s4+s19], $0x80, s22, s19, $0xb8;
	[tilespmem:$0x1C8C0] =	vst v63  }
0x39: {  	_ =	swait.ge [sflag:s17], $0x4000  }
0x3a: {  	[sflag:s17] =	ssyncset.done $0x0  }
0x3b: {  	s22 =	sadd.s32 $0x2800, s22;
	[sflag:s17] =	ssyncadd.s32 $0xFFFFC000  }
0x3c: {  	[spmem:s1] =	stream.indirect.scatter.add.f32 [tilespmem:s20], [sflag:$0x1], $0x80, s22, s19, $0xb8;
	[tilespmem:$0x1C8C0] =	vst v63  }
0x3d: {  	_ =	swait.ge [sflag:s17], $0x4000  }
0x3e: {  	[sflag:s17] =	ssyncset.done $0x0  }
0x3f: {  	s29 =	simm.s32 $0x0;
	[sflag:s17] =	ssyncadd.s32 $0xFFFFC000  }
0x40: {  	[tilespmem:s29], [sflag:$0x1] =	stream.linear.gather [hbm4b:s9+s29], $0x2800, $0x38;
	[tilespmem:$0x1C8C0] =	vst v63  }
0x41: {  	_ =	swait.ge [sflag:s17], $0x2800  }
0x42: {  	[sflag:s17] =	ssyncset.done $0x0  }
0x43: {  	[sflag:s17] =	ssyncadd.s32 $0xFFFFD800  }
0x44: {  	[tilespmem:s18], [sflag:$0x1] =	stream.linear.gather [hbm4b:s10+s29], $0x2800, $0x38;
	[tilespmem:$0x1C8C0] =	vst v63  }
0x45: {  	_ =	swait.ge [sflag:s17], $0x2800  }
0x46: {  	[sflag:s17] =	ssyncset.done $0x0  }
0x47: {  	s30 =	simm.s32 $0x0;
	[sflag:s17] =	ssyncadd.s32 $0xFFFFD800  }
0x48: {  	[tilespmem:s20], [sflag:$0x1] =	stream.indirect.gather [hbm4b:s4+s19], $0x80, s30, s19, $0xb8;
	[tilespmem:$0x1C8C0] =	vst v63  }
0x49: {  	_ =	swait.ge [sflag:s17], $0x4000  }
0x4a: {  	[sflag:s17] =	ssyncset.done $0x0  }
0x4b: {  	s31 =	simm.s32 $0x2800;
	[sflag:s17] =	ssyncadd.s32 $0xFFFFC000  }
0x4c: {  	[spmem:s1] =	stream.indirect.scatter.add.f32 [tilespmem:s20], [sflag:$0x1], $0x80, s31, s19, $0xb8;
	[tilespmem:$0x1C8C0] =	vst v63  }
0x4d: {  	_ =	swait.ge [sflag:s17], $0x4000  }
0x4e: {  	s23 =	simm.s32 $0x400;
	s22 =	simm.s32 $0x200;
	[sflag:s17] =	ssyncset.done $0x0  }
.LBB2_4:
0x4f: {  	s24 =	sshra.s32 s22, $0x2  }
0x50: {  	[sflag:s17] =	ssyncadd.s32 $0xFFFFC000;
	s22 =	smov.u32 s23;
	s25 =	sadd.s32 $0x200, s23  }
0x51: {  	[tilespmem:s20], [sflag:$0x1] =	stream.indirect.gather [hbm4b:s4+s19], $0x80, s24, s19, $0xb8;
	[tilespmem:$0x1C8C0] =	vst v63  }
0x52: {  	p1 =	sne.s32 s23, $0x9E00;
	_ =	swait.ge [sflag:s17], $0x4000  }
.Ltmp1:
0x53: {  	[sflag:s17] =	ssyncset.done $0x0;
	(pc) =	sbr.rel @p1 .LBB2_4-.Ltmp1, $4  }
0x54: {  	s23 =	sadd.s32 $0x2800, s24;
	[sflag:s17] =	ssyncadd.s32 $0xFFFFC000  }
0x55: {  	[spmem:s1] =	stream.indirect.scatter.add.f32 [tilespmem:s20], [sflag:$0x1], $0x80, s23, s19, $0xb8;
	[tilespmem:$0x1C8C0] =	vst v63  }
0x56: {  	_ =	swait.ge [sflag:s17], $0x4000  }
0x57: {  	s23 =	smov.u32 s25;
	[sflag:s17] =	ssyncset.done $0x0  }
0x58: {  	s22 =	sshra.s32 s22, $0x2;
	[sflag:s17] =	ssyncadd.s32 $0xFFFFC000  }
0x59: {  	[tilespmem:s20], [sflag:$0x1] =	stream.indirect.gather [hbm4b:s4+s19], $0x80, s22, s19, $0xb8;
	[tilespmem:$0x1C8C0] =	vst v63  }
0x5a: {  	_ =	swait.ge [sflag:s17], $0x4000  }
0x5b: {  	[sflag:s17] =	ssyncset.done $0x0  }
0x5c: {  	s22 =	sadd.s32 $0x2800, s22;
	[sflag:s17] =	ssyncadd.s32 $0xFFFFC000  }
0x5d: {  	[spmem:s1] =	stream.indirect.scatter.add.f32 [tilespmem:s20], [sflag:$0x1], $0x80, s22, s19, $0xb8;
	[tilespmem:$0x1C8C0] =	vst v63  }
0x5e: {  	_ =	swait.ge [sflag:s17], $0x4000  }
0x5f: {  	[sflag:s17] =	ssyncset.done $0x0  }
0x60: {  	[sflag:s17] =	ssyncadd.s32 $0xFFFFC000  }
0x61: {  	s22 =	simm.s32 @p0 $0x1FC1;
	[bflag:$0x0] =	sbarrier.arrive $0xFFFF  }
0x62: {  	[hbm:s12], [sflag:s22] =	dma.local @p0 [spmem:s14], $0x2080  }
0x63: {  	s22 =	simm.s32 @p0 $0x1  }
0x64: {  	s21 =	sadd.s32 $0x1, s21;
	_ =	swait.ge @p0 [sflag:s22], $0x2080  }
0x65: {  	p1 =	sne.s32 s21, s13;
	[sflag:s22] =	ssyncset.done @p0 $0x0  }
.Ltmp2:
0x66: {  	[sflag:s22] =	ssyncadd.s32 @p0 $0xFFFFDF80;
	s22 =	simm.s32 @!p0 $0x1;
	(pc) =	sbr.rel @p1 .LBB2_1-.Ltmp2, $4  }
0x67: {  	[hbm:s11], [sflag:s15] =	dma.local @!p0 [spmem:s16], $0x2780  }
0x68: {  	_ =	swait.ge @!p0 [sflag:s22], $0x2780  }
0x69: {  	[sflag:s22] =	ssyncset.done @!p0 $0x0  }
0x6a: {  	[sflag:s22] =	ssyncadd.s32 @!p0 $0xFFFFD880  }
0x6b: {  	_ =	sfence.sel $0x180000  }
0x6c: {  	[bflag:$0x0] =	sbarrier.arrive $0xFFFF  }
0x6d: {  	p0 =	sne.s32 s2, $0x0;
	_ =	strace $0x9000004D  }
0x6e: {  	s0 =	sadd.s32 @!p0 $0x100000, s0;
	[bflag:$0x2] =	sbarrier.arrive $0xFFFF  }
0x6f: {  	[sflag:s0] =	ssyncadd.tile.s32 @!p0 $0x1;
	_ =	shalt  }
.Lfunc_end2:
_tile_overlayer_lowered:
.L_overlay_start_2:
0x70: {  	(tag) =	ssettag $0x2  }
0x71: {  	s0 =	rddreg [dreg:$0x0];
	s2 =	stileid.u32  }
0x72: {  	s1 =	rddreg [dreg:$0x1];
	p0 =	sne.s32 s2, $0x0  }
0x73: {  	s3 =	rddreg [dreg:$0x2];
	[bflag:$0x3] =	sbarrier.arrive $0xFFFF;
	s2 =	simm.s32 @!p0 $0x1C01  }
0x74: {  	[timem:s3], [sflag:s2] =	dma.local @!p0 [hbm:s0], s1  }
0x75: {  	s0 =	simm.s32 @!p0 $0x1  }
0x76: {  	_ =	swait.ge @!p0 [sflag:s0], s1  }
0x77: {  	s1 =	ssub.s32 @!p0 $0x0, s1;
	[sflag:s0] =	ssyncset.done @!p0 $0x0  }
0x78: {  	[sflag:s0] =	ssyncadd.s32 @!p0 s1  }
0x79: {  	[bflag:$0x3] =	sbarrier.arrive $0xFFFF  }
0x7a: {  	_ =	shalt  }

// kernel: kernel.20.cloned.1.call-start
scs
__scs_entry_jumppad:
0x0: {  	(pc) =	sbr.rel $0x88, $3  }
0x1: {  	(tag) =	ssettag $0x0;
	lr =	simm.s32 $0x1  }
0x2: {  	[smem:$0x3F8E] =	sst lr;
	_ =	strace $0xD0000000  }
0x3: {  	_ = 	snop  }
0x4: {  	_ = 	snop  }
0x5: {  	_ = 	snop  }
0x6: {  	_ = 	snop  }
0x7: {  	_ = 	snop  }
__scs_overlays_trampoline_lowered:
0x8: {  	[smem:$0x3F9D] =	sst s0  }
0x9: {  	[smem:$0x3F9E] =	sst s1  }
0xa: {  	[smem:$0x3F9F] =	sst s2  }
0xb: {  	[smem:$0x3FA0] =	sst s3  }
0xc: {  	[smem:$0x3FA1] =	sst s4  }
0xd: {  	[smem:$0x3FA2] =	sst s5  }
0xe: {  	[smem:$0x3FA3] =	sst s6  }
0xf: {  	[smem:$0x3FA4] =	sst s7  }
0x10: {  	[smem:$0x3FA5] =	sst s8  }
0x11: {  	[smem:$0x3FA6] =	sst s9;
	s0 =	simm.s32 @!p0 $0x0  }
0x12: {  	s1 =	sld [smem:$0x3F8C];
	s0 =	simm.s32 @p0 $0x1  }
0x13: {  	[smem:$0x3FA7] =	sst s0;
	s0 =	simm.s32 @!p1 $0x0  }
0x14: {  	s2 =	sld [smem:$0x3F8B];
	s0 =	simm.s32 @p1 $0x1  }
0x15: {  	[smem:$0x3FA8] =	sst s0;
	s0 =	simm.s32 @!p2 $0x0  }
0x16: {  	s3 =	sld [smem:$0x3FDB];
	s0 =	simm.s32 @p2 $0x1  }
0x17: {  	s4 =	simm.s32 $0x1BF5;
	[smem:$0x3FAA] =	sst s0  }
0x18: {  	s0 =	sld [smem:$0x3F8D];
	_ =	swait.ge [sflag:s4], $0x0  }
0x19: {  	s7 =	sld [smem:$0x3F8E]  }
0x1a: {  	s8 =	sadd.s32 $0xFFFFE003, lr  }
0x1b: {  	s9 =	sadd.s32 $0xFFFFFEF7, lr;
	s5 =	simm.s32 $0xFFFFFFFF;
	p2 =	slt.u32 s8, $0xFFFFF086  }
0x1c: {  	p1 =	slt.u32 s9, $0xF7A;
	s5 =	simm.s32 @!p2 $0x0  }
0x1d: {  	s5 =	simm.s32 @p1 $0x1;
	p0 =	seq.s32 s7, s2  }
0x1e: {  	s7 =	smul.u32 @!p0 $0xF7A, s2;
	p2 =	seq.s32 @!p0 s5, $0x0  }
0x1f: {  	s9 =	smul.u32 $0xF7A, s1;
	s8 =	simm.s32 @!p0 $0x1BF5;
	p2 =	por !p2, p0  }
0x20: {  	[sflag:s8] =	ssyncset.s32 @!p0 $0xFFFFF086;
	s6 =	sadd.s32 @!p0 s3, s7;
	s7 =	simm.s32 @!p0 $0x108  }
0x21: {  	s3 =	sadd.s32 s3, s9;
	s6 =	sadd.s32 @!p0 $0x88, s6;
	s7 =	simm.s32 @p2 $0x1082  }
0x22: {  	[simem:s7], [sflag:s8] =	dma.local @!p0 [hbm:s6], $0xF7A  }
0x23: {  	s9 =	sor.u32 $0xD0000000, s2;
	s6 =	simm.s32 $0x108;
	_ =	swait.ge @!p0 [sflag:s8], $0x0  }
0x24: {  	s3 =	sadd.s32 $0x88, s3;
	s6 =	simm.s32 @!p1 $0x1082;
	[sflag:s4] =	ssyncset.s32 $0xFFFFF086  }
0x25: {  	[simem:s6], [sflag:s4] =	dma.local [hbm:s3], $0xF7A  }
0x26: {  	[smem:$0x3F8E] =	sst s1;
	(tag) =	ssettag s2;
	_ =	strace s9  }
0x27: {  	s1 =	sld [smem:$0x3F9E]  }
0x28: {  	s2 =	sld [smem:$0x3F9F]  }
0x29: {  	s4 =	sld [smem:$0x3FA1]  }
0x2a: {  	p0 =	seq.s32 s5, $0x0;
	s5 =	sld [smem:$0x3FA2]  }
0x2b: {  	s6 =	sld [smem:$0x3FA3]  }
0x2c: {  	s7 =	sld [smem:$0x3FA4]  }
0x2d: {  	s3 =	simm.s32 $0x108;
	s8 =	sld [smem:$0x3FA5]  }
0x2e: {  	s3 =	simm.s32 @!p0 $0x1082;
	s9 =	sld [smem:$0x3FA6]  }
0x2f: {  	lr =	sadd.s32 s0, s3;
	s0 =	sld [smem:$0x3F9D]  }
0x30: {  	s3 =	sld [smem:$0x3FA0]  }
0x31: {  	[smem:$0x3FA9] =	sst s10  }
0x32: {  	s10 =	sld [smem:$0x3FA7];
	_ =	sdelay $0x3  }
0x33: {  	p0 =	seq.s32 s10, $0x1;
	s10 =	sld [smem:$0x3FA9];
	_ =	sdelay $0x3  }
0x34: {  	[smem:$0x3FA9] =	sst s10  }
0x35: {  	s10 =	sld [smem:$0x3FA8];
	_ =	sdelay $0x3  }
0x36: {  	p1 =	seq.s32 s10, $0x1;
	s10 =	sld [smem:$0x3FA9];
	_ =	sdelay $0x3  }
0x37: {  	[smem:$0x3FA9] =	sst s10  }
0x38: {  	s10 =	sld [smem:$0x3FAA]  }
0x39: {  	_ = 	snop;
	(pc) =	sbr.ind lr, $3  }
0x3a: {  	_ = 	snop  }
0x3b: {  	_ = 	snop  }
0x3c: {  	p2 =	seq.s32 s10, $0x1;
	s10 =	sld [smem:$0x3FA9]  }
0x3d: {  	_ =	shalt  }
0x3e: {  	_ =	shalt  }
0x3f: {  	_ =	shalt  }
0x40: {  	_ =	shalt  }
0x41: {  	_ =	shalt  }
0x42: {  	_ =	shalt  }
0x43: {  	_ =	shalt  }
0x44: {  	_ =	shalt  }
0x45: {  	_ =	shalt  }
0x46: {  	_ =	shalt  }
0x47: {  	_ =	shalt  }
0x48: {  	_ =	shalt  }
0x49: {  	_ =	shalt  }
0x4a: {  	_ =	shalt  }
0x4b: {  	_ =	shalt  }
0x4c: {  	_ =	shalt  }
0x4d: {  	_ =	shalt  }
0x4e: {  	_ =	shalt  }
0x4f: {  	_ =	shalt  }
0x50: {  	_ =	shalt  }
0x51: {  	_ =	shalt  }
0x52: {  	_ =	shalt  }
0x53: {  	_ =	shalt  }
0x54: {  	_ =	shalt  }
0x55: {  	_ =	shalt  }
0x56: {  	_ =	shalt  }
0x57: {  	_ =	shalt  }
0x58: {  	_ =	shalt  }
0x59: {  	_ =	shalt  }
0x5a: {  	_ =	shalt  }
0x5b: {  	_ =	shalt  }
0x5c: {  	_ =	shalt  }
0x5d: {  	_ =	shalt  }
0x5e: {  	_ =	shalt  }
0x5f: {  	_ =	shalt  }
0x60: {  	_ =	shalt  }
0x61: {  	_ =	shalt  }
0x62: {  	_ =	shalt  }
0x63: {  	_ =	shalt  }
0x64: {  	_ =	shalt  }
0x65: {  	_ =	shalt  }
0x66: {  	_ =	shalt  }
0x67: {  	_ =	shalt  }
0x68: {  	_ =	shalt  }
0x69: {  	_ =	shalt  }
0x6a: {  	_ =	shalt  }
0x6b: {  	_ =	shalt  }
0x6c: {  	_ =	shalt  }
0x6d: {  	_ =	shalt  }
0x6e: {  	_ =	shalt  }
0x6f: {  	_ =	shalt  }
0x70: {  	_ =	shalt  }
0x71: {  	_ =	shalt  }
0x72: {  	_ =	shalt  }
0x73: {  	_ =	shalt  }
0x74: {  	_ =	shalt  }
0x75: {  	_ =	shalt  }
0x76: {  	_ =	shalt  }
0x77: {  	_ =	shalt  }
0x78: {  	_ =	shalt  }
0x79: {  	_ =	shalt  }
0x7a: {  	_ =	shalt  }
0x7b: {  	_ =	shalt  }
0x7c: {  	_ =	shalt  }
0x7d: {  	_ =	shalt  }
0x7e: {  	_ =	shalt  }
0x7f: {  	_ =	shalt  }
0x80: {  	_ =	shalt  }
0x81: {  	_ =	shalt  }
0x82: {  	_ =	shalt  }
0x83: {  	_ =	shalt  }
0x84: {  	_ =	shalt  }
0x85: {  	_ =	shalt  }
0x86: {  	_ =	shalt  }
0x87: {  	_ =	shalt  }
.Lfunc_end0:
.L_simem_size_0:
called_computation.3_lowered:
.L_overlay_start_0:
0x88: {  	s2 =	sld [smem:$0x3FD9]  }
0x89: {  	s3 =	sld [smem:$0x3FFE];
	_ =	sdelay $0x1  }
0x8a: {  	s1 =	srdreg.scid  }
0x8b: {  	s0 =	sand.u32 $0x1, s1  }
0x8c: {  	s14 =	sshll.u32 s0, $0xA;
	s2 =	sadd.s32 s3, s2  }
0x8d: {  	s2 =	sadd.s32 s2, s14  }
0x8e: {  	[smem:$0x3FB5] =	sst s2  }
0x8f: {  	_ = 	snop  }
0x90: {  	s2 =	sld [smem:$0x3FD0];
	_ =	sdelay $0x2  }
0x91: {  	s15 =	simm.s32 $0xA;
	s4 =	simm.s32 $0x10  }
0x92: {  	[smem:s4], [sflag:s15] =	dma.local [hbm:s2], $0x1  }
0x93: {  	_ =	swait.eq [sflag:s15], $0x1  }
0x94: {  	[sflag:s15] =	ssyncset.done $0x0  }
0x95: {  	[sflag:s15] =	ssyncadd.s32 $0xFFFFFFFF  }
0x96: {  	s16 =	sld [smem:$0x13];
	(tm) =	ssettm $0x1  }
0x97: {  	s17 =	sld [smem:$0x3FFB];
	_ =	sdelay $0x3  }
0x98: {  	_ =	strace s17  }
0x99: {  	s3 =	sld [smem:$0x3FFC];
	_ =	sdelay $0x3  }
0x9a: {  	_ =	strace s3  }
0x9b: {  	s3 =	sld [smem:$0x3FFD];
	_ =	sdelay $0x3  }
0x9c: {  	_ =	strace s3  }
0x9d: {  	_ =	strace $0x8FFFFFFF  }
0x9e: {  	s18 =	sld [smem:$0x3FDB];
	_ =	sdelay $0x1  }
0x9f: {  	s19 =	simm.s32 $_scs_section_size  }
0xa0: {  	s5 =	simm.s32 $_size__tile_overlayer_lowered;
	s6 =	simm.s32 $_tile_overlayer_lowered  }
0xa1: {  	s22 =	simm.s32 $0x1BFF;
	s21 =	sshll.u32 s6, $0x1;
	s3 =	sadd.s32 s19, s18  }
0xa2: {  	s7 =	simm.s32 $0x0;
	s20 =	sshll.u32 s5, $0x1;
	s5 =	sadd.s32 s21, s3  }
0xa3: {  	[timem:s7], [sflag:s22] =	dma.local [hbm:s5], s20  }
0xa4: {  	_ =	swait.ge [sflag:s22], s20  }
0xa5: {  	s4 =	ssub.s32 $0x0, s20;
	[sflag:s22] =	ssyncset.done $0x0  }
0xa6: {  	[sflag:s22] =	ssyncadd.s32 s4;
	_ =	sdelay $0x1  }
0xa7: {  	s23 =	simm.s32 $0x1B8B  }
0xa8: {  	_ =	swait.ge [sflag:s23], $0x1  }
0xa9: {  	[sflag:s23] =	ssyncset.done $0x0  }
0xaa: {  	s25 =	simm.s32 $0x1B8E;
	s24 =	sld [smem:$0x3FFE];
	[sflag:s23] =	ssyncadd.s32 $0xFFFFFFFF  }
0xab: {  	s26 =	simm.s32 $execute0_lowered;
	[smem:$0x3FD2] =	sst s25  }
0xac: {  	s5 =	sshll.u32 s26, $0x1;
	_ =	strace $0x8000004F;
	[dreg:$0x1] =	wrdreg $0xFFFFFFFF  }
0xad: {  	s28 =	simm.s32 $_size_execute0_lowered;
	s3 =	sadd.s32 s3, s5;
	[dreg:$0x0] =	wrdreg $0x0  }
0xae: {  	s5 =	sshll.u32 s28, $0x1;
	[dreg:$0x2] =	wrdreg s3  }
0xaf: {  	[dreg:$0x3] =	wrdreg s5  }
0xb0: {  	[dreg:$0x4] =	wrdreg $0xC0  }
0xb1: {  	_ =	task [dreg:s7], $0x5FFFF  }
0xb2: {  	[dreg:$0x1] =	wrdreg $0xFFFFFFFF  }
0xb3: {  	[dreg:$0x0] =	wrdreg $0x60  }
0xb4: {  	[dreg:$0x2] =	wrdreg s16  }
0xb5: {  	[dreg:$0x3] =	wrdreg s24  }
0xb6: {  	[dreg:$0x4] =	wrdreg $0x9  }
0xb7: {  	_ =	task.clear_ibuf [dreg:s7], $0x5FFFF;
	_ =	strace $0x9000004F  }
0xb8: {  	s29 =	simm.s32 $0x9;
	_ =	strace $0x80000051  }
0xb9: {  	_ =	swait.ge [sflag:s29], $0x1  }
0xba: {  	[sflag:s29] =	ssyncadd.s32 $0xFFFFFFFF  }
0xbb: {  	_ =	strace $0x90000051  }
0xbc: {  	_ =	sfence  }
0xbd: {  	s30 =	sld [smem:$0x0];
	_ =	sdelay $0x2  }
0xbe: {  	s31 =	sshll.u32 s1, $0xD;
	s1 =	sshrl.u32 s1, $0x2  }
0xbf: {  	s3 =	sand.u32 $0x4000, s31;
	s1 =	sadd.s32 s1, s30  }
0xc0: {  	s0 =	sor.u32 s3, s0;
	s1 =	sshll.u32 s1, $0x11  }
0xc1: {  	s0 =	sor.u32 s1, s0  }
0xc2: {  	s0 =	sadd.s32 $0x8F2B, s0  }
0xc3: {  	[sflag:s0] =	ssyncadd.remote.s32 $0x1  }
0xc4: {  	_ =	sfence.sel $0xFFFF  }
0xc5: {  	[dreg:$0x0] =	wrdreg $0xFFFFFFFF;
	(pc) =	sbr.abs _section_cstart, $3  }
0xc6: {  	[dreg:$0x1] =	wrdreg $0xFFFFFFFF  }
0xc7: {  	_ =	task.clear_ibuf [dreg:s7], $0x2FFFF;
	_ =	strace $0x9FFFFFFF  }
0xc8: {  	(tm) =	ssettm $0x7FFFFFFF  }
0xc9: {  	_ =	shalt  }
tec
execute0_lowered:
.L_overlay_start_1:
0x0: {  	(tag) =	ssettag $0x1  }
0x1: {  	s1 =	srdreg.scid  }
0x2: {  	s0 =	stileid.u32;
	s6 =	sand.u32 $0x1, s1  }
0x3: {  	s2 =	rddreg [dreg:$0x0];
	s3 =	sshll.u32 s0, $0x8;
	s1 =	sshll.u32 s6, $0xC  }
0x4: {  	s7 =	rddreg [dreg:$0x1];
	s8 =	sor.u32 s3, s1  }
0x5: {  	s1 =	rddreg [dreg:$0x2];
	s3 =	simm.s32 $0x0;
	s4 =	sshrl.u32 s8, $0x3  }
0x6: {  	s9 =	ssub.s32 $0x2, s6;
	[smem:$0x7FF] =	sst s3;
	s4 =	sadd.s32 s4, s7  }
0x7: {  	_ =	strace $0x80000050;
	s5 =	sadd.s32 $0x4000, s4;
	s4 =	simm.s32 $0x1  }
0x8: {  	[tilespmem:s3], [sflag:$0x1] =	stream.linear.gather [hbm4b:s5+s3], $0x100, $0x38;
	[tilespmem:$0x8100] =	vst v63  }
0x9: {  	s6 =	simm.s32 $0x100;
	s10 =	sshrl.u32 s9, $0x1;
	_ =	swait.ge [sflag:s4], $0x100  }
0xa: {  	s8 =	sshll.u32 s8, $0x4;
	s31 =	ssub.s32 s9, s10;
	[sflag:s4] =	ssyncset.done $0x0  }
0xb: {  	s7 =	sadd.s32 s8, s7;
	s8 =	smax.u32 s31, $0x1;
	[sflag:s4] =	ssyncadd.s32 $0xFFFFFF00  }
0xc: {  	[tilespmem:s6], [sflag:$0x1] =	stream.indirect.gather [hbm4b:s2+s6], $0x80, s3, s6, $0xb8;
	[tilespmem:$0x8100] =	vst v63  }
0xd: {  	p0 =	sne.s32 s8, $0x1;
	_ =	swait.ge [sflag:s4], $0x8000  }
.Ltmp0:
0xe: {  	[sflag:s4] =	ssyncset.done $0x0;
	(pc) =	sbr.rel @!p0 .LBB2_2-.Ltmp0, $4  }
0xf: {  	s7 =	sadd.s32 $0x2B600, s7;
	[sflag:s4] =	ssyncadd.s32 $0xFFFF8000  }
0x10: {  	[hbm4b:s7+s3] =	stream.linear.scatter [tilespmem:s6], [sflag:$0x1], $0x8000, $0x38;
	[tilespmem:$0x8100] =	vst v63  }
0x11: {  	_ =	swait.ge [sflag:s4], $0x8000  }
0x12: {  	s8 =	sadd.s32 $0xFFFFFFFF, s8;
	[sflag:s4] =	ssyncset.done $0x0  }
.LBB2_1:
0x13: {  	p0 =	sne.s32 s8, $0x1;
	s8 =	sadd.s32 $0xFFFFFFFF, s8;
	[sflag:s4] =	ssyncadd.s32 $0xFFFF8000  }
0x14: {  	[tilespmem:s3], [sflag:$0x1] =	stream.linear.gather [hbm4b:s5+s3], $0x100, $0x38;
	[tilespmem:$0x8100] =	vst v63  }
0x15: {  	_ =	swait.ge [sflag:s4], $0x100  }
0x16: {  	[sflag:s4] =	ssyncset.done $0x0  }
0x17: {  	[sflag:s4] =	ssyncadd.s32 $0xFFFFFF00  }
0x18: {  	[tilespmem:s6], [sflag:$0x1] =	stream.indirect.gather [hbm4b:s2+s6], $0x80, s3, s6, $0xb8;
	[tilespmem:$0x8100] =	vst v63  }
0x19: {  	_ =	swait.ge [sflag:s4], $0x8000  }
.Ltmp1:
0x1a: {  	[sflag:s4] =	ssyncset.done $0x0;
	(pc) =	sbr.rel @p0 .LBB2_1-.Ltmp1, $4  }
0x1b: {  	[sflag:s4] =	ssyncadd.s32 $0xFFFF8000  }
0x1c: {  	[hbm4b:s7+s3] =	stream.linear.scatter [tilespmem:s6], [sflag:$0x1], $0x8000, $0x38;
	[tilespmem:$0x8100] =	vst v63  }
0x1d: {  	_ =	swait.ge [sflag:s4], $0x8000  }
0x1e: {  	[sflag:s4] =	ssyncset.done $0x0  }
.LBB2_2:
0x1f: {  	[sflag:s4] =	ssyncadd.s32 $0xFFFF8000  }
0x20: {  	_ =	sfence.sel $0x180000  }
0x21: {  	[bflag:$0x0] =	sbarrier.arrive $0xFFFF  }
0x22: {  	p0 =	sne.s32 s0, $0x0;
	_ =	strace $0x90000050  }
0x23: {  	s0 =	sadd.s32 @!p0 $0x100000, s1;
	[bflag:$0x2] =	sbarrier.arrive $0xFFFF  }
0x24: {  	[sflag:s0] =	ssyncadd.tile.s32 @!p0 $0x1;
	_ =	shalt  }
.Lfunc_end2:
_tile_overlayer_lowered:
.L_overlay_start_2:
0x25: {  	(tag) =	ssettag $0x2  }
0x26: {  	s0 =	rddreg [dreg:$0x0];
	s2 =	stileid.u32  }
0x27: {  	s1 =	rddreg [dreg:$0x1];
	p0 =	sne.s32 s2, $0x0  }
0x28: {  	s3 =	rddreg [dreg:$0x2];
	[bflag:$0x3] =	sbarrier.arrive $0xFFFF;
	s2 =	simm.s32 @!p0 $0x1C01  }
0x29: {  	[timem:s3], [sflag:s2] =	dma.local @!p0 [hbm:s0], s1  }
0x2a: {  	s0 =	simm.s32 @!p0 $0x1  }
0x2b: {  	_ =	swait.ge @!p0 [sflag:s0], s1  }
0x2c: {  	s1 =	ssub.s32 @!p0 $0x0, s1;
	[sflag:s0] =	ssyncset.done @!p0 $0x0  }
0x2d: {  	[sflag:s0] =	ssyncadd.s32 @!p0 s1  }
0x2e: {  	[bflag:$0x3] =	sbarrier.arrive $0xFFFF  }
0x2f: {  	_ =	shalt  }

</sc_bundles>
